<compile_context>
chip_gen: v7x
topology: tpu7x:2x2x1
jax: 0.10.2.dev20260603
libtpu: 0.0.44.dev20260713+nightly
codegen_flags: <defaults>
</compile_context>

<pallas_src>
import functools
import math

import jax
import jax.numpy as jnp
from jax import lax
from jax.experimental import pallas as pl
from jax.experimental.pallas import tpu as pltpu
from jax.experimental.pallas import tpu_sc as plsc

N_NODES = 10000
N_EDGES = 160000
IN_FEATS = 128
N_HIDDEN = 256
N_CLASSES = 64
ALPHA = 0.1
LAMBDA = 1.0

NC = 2
NS = 16
NPAD = 10240
EPS = N_EDGES // NS
EB = 128
NROWS = N_EDGES // EB
CPS = 80
NROWSP = CPS * NS
RPS = NPAD // NS
SPAD = 10112
SRPS = SPAD // NS
ZR = 128

def _sc_mesh():
    return plsc.VectorSubcoreMesh(core_axis_name="c", subcore_axis_name="s",
                                  num_cores=NC, num_subcores=NS)



def _zero_rows(zbuf, nrows, ncols):
    def row(i, _):
        for j in range(ncols // 16):
            zbuf[i, pl.ds(j * 16, 16)] = jnp.zeros((16,), jnp.float32)
        return 0
    lax.fori_loop(0, nrows, row, 0)


@functools.cache
def _degrees_kernel():
    return pl.kernel(
        _degrees,
        out_type=[
            jax.ShapeDtypeStruct((NPAD, 16), jnp.float32),
            jax.ShapeDtypeStruct((NPAD, 16), jnp.float32),
        ],
        mesh=_sc_mesh(),
        compiler_params=pltpu.CompilerParams(needs_layout_passes=False),
        scratch_types=[
            pltpu.VMEM((EPS,), jnp.int32),
            pltpu.VMEM((NPAD,), jnp.float32),
            pltpu.VMEM((NS, NPAD // NS), jnp.float32),
            pltpu.VMEM((NPAD // NS, 16), jnp.float32),
            pltpu.VMEM_SHARED((NS, NPAD), jnp.float32),
        ],
    )


def _degrees(src_hbm, dst_hbm, dego_hbm, degi_hbm, idxb, hist, mslab, stage,
             sh):
    c = lax.axis_index("c")
    s = lax.axis_index("s")
    mcols = NPAD // NS
    zero16 = jnp.zeros((16,), jnp.float32)
    one16 = jnp.ones((16,), jnp.float32)

    def zrow(i, _):
        hist[pl.ds(i * 16, 16)] = zero16
        return 0
    lax.fori_loop(0, NPAD // 16, zrow, 0)

    @pl.when(c == 0)
    def _():
        pltpu.sync_copy(src_hbm.at[pl.ds(s * EPS, EPS)], idxb)

    @pl.when(c == 1)
    def _():
        pltpu.sync_copy(dst_hbm.at[pl.ds(s * EPS, EPS)], idxb)

    def grp(g, _):
        iv = idxb[pl.ds(g * 16, 16)]
        plsc.addupdate_scatter(hist, [iv], one16)
        return 0
    lax.fori_loop(0, EPS // 16, grp, 0)

    pltpu.sync_copy(hist, sh.at[s])
    plsc.subcore_barrier()

    pltpu.sync_copy(sh.at[:, pl.ds(s * mcols, mcols)], mslab)
    rows0 = lax.iota(jnp.int32, 16)
    col0 = jnp.zeros((16,), jnp.int32)

    def red(t, _):
        acc = zero16
        for r in range(NS):
            acc = acc + mslab[r, pl.ds(t * 16, 16)]
        plsc.store_scatter(stage, [rows0 + t * 16, col0], acc)
        return 0
    lax.fori_loop(0, mcols // 16, red, 0)

    @pl.when(c == 0)
    def _():
        pltpu.sync_copy(stage, dego_hbm.at[pl.ds(s * mcols, mcols)])

    @pl.when(c == 1)
    def _():
        pltpu.sync_copy(stage, degi_hbm.at[pl.ds(s * mcols, mcols)])


@functools.cache
def _spmm_kernel():
    return pl.kernel(
        _spmm,
        out_type=[
            jax.ShapeDtypeStruct((SPAD, 128), jnp.float32),
            jax.ShapeDtypeStruct((SPAD, 128), jnp.float32),
        ],
        mesh=_sc_mesh(),
        scratch_types=[
            pltpu.VMEM((EB,), jnp.int32),
            pltpu.VMEM((EB,), jnp.int32),
            pltpu.VMEM((EB,), jnp.int32),
            pltpu.VMEM((EB,), jnp.int32),
            pltpu.VMEM((EB, 128), jnp.float32),
            pltpu.VMEM((EB, 128), jnp.float32),
            pltpu.VMEM((ZR, 128), jnp.float32),
            pltpu.SemaphoreType.DMA,
            pltpu.SemaphoreType.DMA,
            pltpu.SemaphoreType.DMA,
            pltpu.SemaphoreType.DMA,
            pltpu.SemaphoreType.DMA,
            pltpu.SemaphoreType.DMA,
            pltpu.VMEM_SHARED((SPAD, 128), jnp.float32),
        ],
    )


def _spmm(hs_l, hs_r, src_hbm, dst_hbm, out_l, out_r, sx0, sx1, dx0, dx1,
          rows0, rows1, zbuf, si0, si1, sg0, sg1, ss0, ss1, agg_sh):
    c = lax.axis_index("c")
    s = lax.axis_index("s")

    _zero_rows(zbuf, ZR, 128)
    for k in range(SRPS // ZR):
        pltpu.sync_copy(zbuf, agg_sh.at[pl.ds(s * SRPS + k * ZR, ZR)])
    zrem = SRPS - (SRPS // ZR) * ZR
    if zrem:
        pltpu.sync_copy(zbuf.at[pl.ds(0, zrem)],
                        agg_sh.at[pl.ds(s * SRPS + (SRPS // ZR) * ZR, zrem)])

    ebase = s * CPS * EB
    n = CPS

    sx = (sx0, sx1)
    dx = (dx0, dx1)
    rows = (rows0, rows1)
    si = (si0, si1)
    sg = (sg0, sg1)
    ss = (ss0, ss1)

    def idxload(j, p, sem):
        off = ebase + j * EB
        pltpu.async_copy(src_hbm.at[pl.ds(off, EB)], sx[p], sem)
        pltpu.async_copy(dst_hbm.at[pl.ds(off, EB)], dx[p], sem)

    def iwait(p, sem):
        pltpu.make_async_copy(src_hbm.at[pl.ds(0, EB)], sx[p], sem).wait()
        pltpu.make_async_copy(src_hbm.at[pl.ds(0, EB)], dx[p], sem).wait()

    def gather(p, sem):
        @pl.when(c == 0)
        def _():
            pltpu.async_copy(hs_l.at[sx[p]], rows[p], sem)

        @pl.when(c == 1)
        def _():
            pltpu.async_copy(hs_r.at[sx[p]], rows[p], sem)

    def dwait(buf, sem):
        pltpu.make_async_copy(hs_l.at[pl.ds(0, EB)], buf, sem).wait()

    idxload(0, 0, si0)
    iwait(0, si0)
    gather(0, sg0)

    def body(i, _):
        for k2 in range(2):
            j = i * 2 + k2
            b, nb = k2, 1 - k2

            @pl.when(j >= 1)
            def _():
                dwait(rows[nb], ss[nb])

            @pl.when(j + 1 < n)
            def _():
                idxload(j + 1, nb, si[nb])

            dwait(rows[b], sg[b])
            pltpu.async_copy(rows[b], agg_sh.at[dx[b]], ss[b], add=True)

            @pl.when(j + 1 < n)
            def _():
                iwait(nb, si[nb])
                gather(nb, sg[nb])
        return 0

    lax.fori_loop(0, n // 2, body, 0)

    dwait(rows1, ss1)
    plsc.subcore_barrier()

    @pl.when(c == 0)
    def _():
        pltpu.sync_copy(agg_sh.at[pl.ds(s * SRPS, SRPS)],
                        out_l.at[pl.ds(s * SRPS, SRPS)])

    @pl.when(c == 1)
    def _():
        pltpu.sync_copy(agg_sh.at[pl.ds(s * SRPS, SRPS)],
                        out_r.at[pl.ds(s * SRPS, SRPS)])



_R = 1000
_GRID = (N_NODES // _R,)


def _norm(deg_blk):
    d = deg_blk[:, 0:1]
    return jnp.where(d > 0, lax.rsqrt(d), 0.0)


def _head_body(x_ref, pp_ref, w1_ref, dego_ref, x1_ref, sel_ref, hsl_ref,
               hsr_ref):
    x = x_ref[...]
    pp = pp_ref[...]
    sim = lax.dot_general(x, pp, (((1,), (1,)), ((), ())),
                          preferred_element_type=jnp.float32)
    mx = jnp.max(sim, axis=1, keepdims=True)
    cols = lax.broadcasted_iota(jnp.int32, sim.shape, 1)
    cand = jnp.where(sim == mx, cols, N_CLASSES)
    amin = jnp.min(cand, axis=1, keepdims=True)
    onehot = (cols == amin).astype(jnp.float32)
    sel = jnp.dot(onehot, pp, preferred_element_type=jnp.float32)
    w1 = w1_ref[...]
    x1 = (jnp.dot(x, w1[:IN_FEATS], preferred_element_type=jnp.float32)
          + jnp.dot(sel, w1[IN_FEATS:], preferred_element_type=jnp.float32))
    hs = x1 * _norm(dego_ref[...])
    x1_ref[...] = x1
    sel_ref[...] = sel
    hsl_ref[...] = hs[:, :128]
    hsr_ref[...] = hs[:, 128:]


def _mid_body(beta, rl_ref, rr_ref, x1_ref, degi_ref, dego_ref, w_ref, b_ref,
              hsl_ref, hsr_ref):
    agg = jnp.concatenate([rl_ref[...], rr_ref[...]], axis=1)
    agg = agg * _norm(degi_ref[...])
    rst = (1.0 - ALPHA) * agg + ALPHA * x1_ref[...]
    h = (rst * (1.0 - beta)
         + beta * jnp.dot(rst, w_ref[...], preferred_element_type=jnp.float32)
         + b_ref[...])
    hs = h * _norm(dego_ref[...])
    hsl_ref[...] = hs[:, :128]
    hsr_ref[...] = hs[:, 128:]


def _final_body(beta, rl_ref, rr_ref, x1_ref, degi_ref, w_ref, b_ref, sel_ref,
                wp_ref, out_ref):
    agg = jnp.concatenate([rl_ref[...], rr_ref[...]], axis=1)
    agg = agg * _norm(degi_ref[...])
    rst = (1.0 - ALPHA) * agg + ALPHA * x1_ref[...]
    h = (rst * (1.0 - beta)
         + beta * jnp.dot(rst, w_ref[...], preferred_element_type=jnp.float32)
         + b_ref[...])
    wp = wp_ref[...]
    out_ref[...] = (
        jnp.dot(jax.nn.relu(h), wp[:N_HIDDEN],
                preferred_element_type=jnp.float32)
        + jnp.dot(jax.nn.relu(sel_ref[...]), wp[N_HIDDEN:],
                  preferred_element_type=jnp.float32))


def _rowspec(cols):
    return pl.BlockSpec((_R, cols), lambda i: (i, 0))


def _fullspec(rows, cols):
    return pl.BlockSpec((rows, cols), lambda i: (0, 0))


_f32 = jnp.float32


def _head(x, pp, w1, dego):
    return pl.pallas_call(
        _head_body,
        grid=_GRID,
        in_specs=[_rowspec(IN_FEATS), _fullspec(N_CLASSES, IN_FEATS),
                  _fullspec(2 * IN_FEATS, N_HIDDEN), _rowspec(16)],
        out_specs=[_rowspec(N_HIDDEN), _rowspec(IN_FEATS),
                   _rowspec(128), _rowspec(128)],
        out_shape=[jax.ShapeDtypeStruct((N_NODES, N_HIDDEN), _f32),
                   jax.ShapeDtypeStruct((N_NODES, IN_FEATS), _f32),
                   jax.ShapeDtypeStruct((N_NODES, 128), _f32),
                   jax.ShapeDtypeStruct((N_NODES, 128), _f32)],
    )(x, pp, w1, dego)


def _mid(beta, rl, rr, x1, degi, dego, w, b):
    return pl.pallas_call(
        functools.partial(_mid_body, beta),
        grid=_GRID,
        in_specs=[_rowspec(128), _rowspec(128), _rowspec(N_HIDDEN),
                  _rowspec(16), _rowspec(16),
                  _fullspec(N_HIDDEN, N_HIDDEN), _fullspec(1, N_HIDDEN)],
        out_specs=[_rowspec(128), _rowspec(128)],
        out_shape=[jax.ShapeDtypeStruct((N_NODES, 128), _f32),
                   jax.ShapeDtypeStruct((N_NODES, 128), _f32)],
    )(rl, rr, x1, degi, dego, w, b)


def _final(beta, rl, rr, x1, degi, w, b, sel, wp):
    return pl.pallas_call(
        functools.partial(_final_body, beta),
        grid=_GRID,
        in_specs=[_rowspec(128), _rowspec(128), _rowspec(N_HIDDEN),
                  _rowspec(16), _fullspec(N_HIDDEN, N_HIDDEN),
                  _fullspec(1, N_HIDDEN), _rowspec(IN_FEATS),
                  _fullspec(N_HIDDEN + IN_FEATS, N_CLASSES)],
        out_specs=[_rowspec(N_CLASSES)],
        out_shape=[jax.ShapeDtypeStruct((N_NODES, N_CLASSES), _f32)],
    )(rl, rr, x1, degi, w, b, sel, wp)


def kernel(x, edge_index, pp, W1, Wc1, Wc2, Wc3, b1, b2, b3, Wp):
    src = edge_index[0].astype(jnp.int32)
    dst = edge_index[1].astype(jnp.int32)
    npad_e = NROWSP * EB - N_EDGES
    src_p = jnp.concatenate([src, jnp.zeros((npad_e,), jnp.int32)])
    dst_p = jnp.concatenate([dst, jnp.full((npad_e,), N_NODES, jnp.int32)])

    _DBG_JNP_DEG = False
    if _DBG_JNP_DEG:
        do = jnp.zeros((N_NODES,), jnp.float32).at[src].add(1.0)
        di = jnp.zeros((N_NODES,), jnp.float32).at[dst].add(1.0)
        dego = jnp.zeros((N_NODES, 16), jnp.float32).at[:, 0].set(do)
        degi = jnp.zeros((N_NODES, 16), jnp.float32).at[:, 0].set(di)
    else:
        dego, degi = _degrees_kernel()(src, dst)
        dego = dego[:N_NODES]
        degi = degi[:N_NODES]

    x1, sel, h1l, h1r = _head(x, pp, W1, dego)

    b1r = b1.reshape(1, N_HIDDEN)
    b2r = b2.reshape(1, N_HIDDEN)
    b3r = b3.reshape(1, N_HIDDEN)

    beta1 = math.log(LAMBDA / 1.0 + 1.0)
    beta2 = math.log(LAMBDA / 2.0 + 1.0)
    beta3 = math.log(LAMBDA / 3.0 + 1.0)

    r1l, r1r = _spmm_kernel()(h1l, h1r, src_p, dst_p)
    h2l, h2r = _mid(beta1, r1l[:N_NODES], r1r[:N_NODES], x1, degi, dego,
                    Wc1, b1r)

    r2l, r2r = _spmm_kernel()(h2l, h2r, src_p, dst_p)
    h3l, h3r = _mid(beta2, r2l[:N_NODES], r2r[:N_NODES], x1, degi, dego,
                    Wc2, b2r)

    r3l, r3r = _spmm_kernel()(h3l, h3r, src_p, dst_p)
    (out,) = _final(beta3, r3l[:N_NODES], r3r[:N_NODES], x1, degi, Wc3, b3r,
                    sel, Wp)

    return out

# --- scband reference (transcript-rebuilt; emitter-appended) ---
"""Pipeline reference for scband-sage-23794118820009 (READ-ONLY COPY).

The authoritative reference and input builder live on the scoring server;
editing this copy changes nothing except your own understanding.
"""

import jax, jax.numpy as jnp
import numpy as np

N_NODES = 10000
N_EDGES = 160000
IN_FEATS = 128
N_HIDDEN = 256
N_CLASSES = 64
ALPHA = 0.1
LAMBDA = 1.0


def setup_inputs(seed: int = 0) -> dict:
    key = jax.random.key(seed)
    ks = jax.random.split(key, 12)
    x = jax.random.normal(ks[0], (N_NODES, IN_FEATS), dtype=jnp.float32)
    edge_index = jax.random.randint(ks[1], (2, N_EDGES), 0, N_NODES, dtype=jnp.int64)
    # parameters
    pp = jax.random.normal(ks[2], (N_CLASSES, IN_FEATS), dtype=jnp.float32) * (1.0 / np.sqrt(IN_FEATS))
    W1 = jax.random.normal(ks[3], (2 * IN_FEATS, N_HIDDEN), dtype=jnp.float32) * (1.0 / np.sqrt(2 * IN_FEATS))
    Wc1 = jax.random.normal(ks[4], (N_HIDDEN, N_HIDDEN), dtype=jnp.float32) * (1.0 / np.sqrt(N_HIDDEN))
    Wc2 = jax.random.normal(ks[5], (N_HIDDEN, N_HIDDEN), dtype=jnp.float32) * (1.0 / np.sqrt(N_HIDDEN))
    Wc3 = jax.random.normal(ks[6], (N_HIDDEN, N_HIDDEN), dtype=jnp.float32) * (1.0 / np.sqrt(N_HIDDEN))
    b1 = jnp.zeros((N_HIDDEN,), dtype=jnp.float32)
    b2 = jnp.zeros((N_HIDDEN,), dtype=jnp.float32)
    b3 = jnp.zeros((N_HIDDEN,), dtype=jnp.float32)
    Wp = jax.random.normal(ks[7], (N_HIDDEN + IN_FEATS, N_CLASSES), dtype=jnp.float32) * (1.0 / np.sqrt(N_HIDDEN + IN_FEATS))
    return {"x": x, "edge_index": edge_index, "pp": pp, "W1": W1,
            "Wc1": Wc1, "Wc2": Wc2, "Wc3": Wc3,
            "b1": b1, "b2": b2, "b3": b3, "Wp": Wp}


def _gcn2_conv(h, h0, src, dst, norm_src, norm_dst, W, b, layer):
    # DGL GCN2Conv with project_initial_features=True, norm='both'
    m = (h * norm_src[:, None])[src]
    agg = jnp.zeros_like(h).at[dst].add(m) * norm_dst[:, None]
    beta = jnp.log(LAMBDA / layer + 1.0)
    rst = (1.0 - ALPHA) * agg + ALPHA * h0
    rst = rst * (1.0 - beta) + beta * (rst @ W)
    return rst + b


def reference(x, edge_index, pp, W1, Wc1, Wc2, Wc3, b1, b2, b3, Wp):
    src = edge_index[0]
    dst = edge_index[1]
    N = x.shape[0]
    deg_out = jnp.zeros((N,), dtype=jnp.float32).at[src].add(1.0)
    deg_in = jnp.zeros((N,), dtype=jnp.float32).at[dst].add(1.0)
    norm_src = jnp.where(deg_out > 0, deg_out ** -0.5, 0.0)
    norm_dst = jnp.where(deg_in > 0, deg_in ** -0.5, 0.0)

    # prompt selection
    sim = x @ pp.T                      # [N, n_classes]
    idx = jnp.argmax(sim, axis=1)        # [N]
    sel = pp[idx]                        # [N, in_feats]
    xc = jnp.concatenate([x, sel], axis=1)   # [N, 2*in_feats]
    x1 = xc @ W1                         # [N, n_hidden] (linear1, no bias)

    h = x1
    h = _gcn2_conv(h, x1, src, dst, norm_src, norm_dst, Wc1, b1, 1.0)
    h = _gcn2_conv(h, x1, src, dst, norm_src, norm_dst, Wc2, b2, 2.0)
    h = _gcn2_conv(h, x1, src, dst, norm_src, norm_dst, Wc3, b3, 3.0)

    h = jnp.concatenate([h, sel], axis=1)   # [N, n_hidden + in_feats]
    h = jax.nn.relu(h)
    out = h @ Wp                         # [N, n_classes] (prompt1, no bias)
    return out

if __name__ == "__main__":
    import jax
    _d = setup_inputs()
    print(jax.jit(kernel)(*tuple(_d.values())))

</pallas_src>

<mosaic_0001>
#map = affine_map<(d0, d1) -> (0, 0)>
#map1 = affine_map<(d0, d1) -> (0)>
module attributes {stable_mosaic.version = 14 : i64} {
  func.func @_spmm(%arg0: i32, %arg1: i32, %arg2: memref<10000x128xf32, #tpu.memory_space<hbm>>, %arg3: memref<10000x128xf32, #tpu.memory_space<hbm>>, %arg4: memref<163840xi32, #tpu.memory_space<hbm>>, %arg5: memref<163840xi32, #tpu.memory_space<hbm>>, %arg6: memref<10112x128xf32, #tpu.memory_space<hbm>>, %arg7: memref<10112x128xf32, #tpu.memory_space<hbm>>, %arg8: memref<128xi32, #tpu.memory_space<vmem>>, %arg9: memref<128xi32, #tpu.memory_space<vmem>>, %arg10: memref<128xi32, #tpu.memory_space<vmem>>, %arg11: memref<128xi32, #tpu.memory_space<vmem>>, %arg12: memref<128x128xf32, #tpu.memory_space<vmem>>, %arg13: memref<128x128xf32, #tpu.memory_space<vmem>>, %arg14: memref<128x128xf32, #tpu.memory_space<vmem>>, %arg15: memref<!tpu.dma_semaphore, #tpu.memory_space<semaphore_mem>>, %arg16: memref<!tpu.dma_semaphore, #tpu.memory_space<semaphore_mem>>, %arg17: memref<!tpu.dma_semaphore, #tpu.memory_space<semaphore_mem>>, %arg18: memref<!tpu.dma_semaphore, #tpu.memory_space<semaphore_mem>>, %arg19: memref<!tpu.dma_semaphore, #tpu.memory_space<semaphore_mem>>, %arg20: memref<!tpu.dma_semaphore, #tpu.memory_space<semaphore_mem>>, %arg21: memref<10112x128xf32, #tpu.memory_space<vmem_shared>>) attributes {dimension_semantics = [#tpu.dimension_semantics<core_parallel>, #tpu.dimension_semantics<subcore_parallel>], iteration_bounds = array<i64: 2, 16>, scalar_prefetch = 0 : i64, scratch_operands = 14 : i64, tpu.core_type = #tpu.core_type<sc_vector_subcore>, window_params = [{transform_indices = #map}, {transform_indices = #map}, {transform_indices = #map1}, {transform_indices = #map1}, {transform_indices = #map}, {transform_indices = #map}]} {
    %scan3A = arith.constant 0 : i32
    %scan3A_0 = arith.constant 0 : i32
    %scan3A_1 = arith.constant 128 : i32
    %scan3A_2 = arith.addi %scan3A_0, %scan3A_1 : i32
    %scan3A_3 = arith.constant 1 : i32
    %scan3A_4 = scf.for %scan3A_70 = %scan3A_0 to %scan3A_2 step %scan3A_3 iter_args(%scan3A_71 = %scan3A) -> (i32)  : i32 {
      %broadcast_in_dim3A = arith.constant 0.000000e+00 : f32
      %broadcast_in_dim3A_72 = vector.broadcast %broadcast_in_dim3A : f32 to vector<16xf32>
      %swap3A = arith.index_cast %scan3A_70 : i32 to index
      %swap3A_73 = arith.constant 0 : index
      %swap3A_74 = tpu.vector_load %arg14[%swap3A, %swap3A_73] {strides = array<i32>} : memref<128x128xf32, #tpu.memory_space<vmem>>, vector<1x16xf32>,
      %swap3A_75 = vector.shape_cast %swap3A_74 : vector<1x16xf32> to vector<16xf32>
      %swap3A_76 = vector.shape_cast %broadcast_in_dim3A_72 : vector<16xf32> to vector<1x16xf32>
      tpu.vector_store %arg14[%swap3A, %swap3A_73], %swap3A_76 {strides = array<i32>} : memref<128x128xf32, #tpu.memory_space<vmem>>, vector<1x16xf32>,
      %broadcast_in_dim3A_77 = arith.constant 0.000000e+00 : f32
      %broadcast_in_dim3A_78 = vector.broadcast %broadcast_in_dim3A_77 : f32 to vector<16xf32>
      %swap3A_79 = arith.index_cast %scan3A_70 : i32 to index
      %swap3A_80 = arith.constant 16 : index
      %swap3A_81 = tpu.vector_load %arg14[%swap3A_79, %swap3A_80] {strides = array<i32>} : memref<128x128xf32, #tpu.memory_space<vmem>>, vector<1x16xf32>,
      %swap3A_82 = vector.shape_cast %swap3A_81 : vector<1x16xf32> to vector<16xf32>
      %swap3A_83 = vector.shape_cast %broadcast_in_dim3A_78 : vector<16xf32> to vector<1x16xf32>
      tpu.vector_store %arg14[%swap3A_79, %swap3A_80], %swap3A_83 {strides = array<i32>} : memref<128x128xf32, #tpu.memory_space<vmem>>, vector<1x16xf32>,
      %broadcast_in_dim3A_84 = arith.constant 0.000000e+00 : f32
      %broadcast_in_dim3A_85 = vector.broadcast %broadcast_in_dim3A_84 : f32 to vector<16xf32>
      %swap3A_86 = arith.index_cast %scan3A_70 : i32 to index
      %swap3A_87 = arith.constant 32 : index
      %swap3A_88 = tpu.vector_load %arg14[%swap3A_86, %swap3A_87] {strides = array<i32>} : memref<128x128xf32, #tpu.memory_space<vmem>>, vector<1x16xf32>,
      %swap3A_89 = vector.shape_cast %swap3A_88 : vector<1x16xf32> to vector<16xf32>
      %swap3A_90 = vector.shape_cast %broadcast_in_dim3A_85 : vector<16xf32> to vector<1x16xf32>
      tpu.vector_store %arg14[%swap3A_86, %swap3A_87], %swap3A_90 {strides = array<i32>} : memref<128x128xf32, #tpu.memory_space<vmem>>, vector<1x16xf32>,
      %broadcast_in_dim3A_91 = arith.constant 0.000000e+00 : f32
      %broadcast_in_dim3A_92 = vector.broadcast %broadcast_in_dim3A_91 : f32 to vector<16xf32>
      %swap3A_93 = arith.index_cast %scan3A_70 : i32 to index
      %swap3A_94 = arith.constant 48 : index
      %swap3A_95 = tpu.vector_load %arg14[%swap3A_93, %swap3A_94] {strides = array<i32>} : memref<128x128xf32, #tpu.memory_space<vmem>>, vector<1x16xf32>,
      %swap3A_96 = vector.shape_cast %swap3A_95 : vector<1x16xf32> to vector<16xf32>
      %swap3A_97 = vector.shape_cast %broadcast_in_dim3A_92 : vector<16xf32> to vector<1x16xf32>
      tpu.vector_store %arg14[%swap3A_93, %swap3A_94], %swap3A_97 {strides = array<i32>} : memref<128x128xf32, #tpu.memory_space<vmem>>, vector<1x16xf32>,
      %broadcast_in_dim3A_98 = arith.constant 0.000000e+00 : f32
      %broadcast_in_dim3A_99 = vector.broadcast %broadcast_in_dim3A_98 : f32 to vector<16xf32>
      %swap3A_100 = arith.index_cast %scan3A_70 : i32 to index
      %swap3A_101 = arith.constant 64 : index
      %swap3A_102 = tpu.vector_load %arg14[%swap3A_100, %swap3A_101] {strides = array<i32>} : memref<128x128xf32, #tpu.memory_space<vmem>>, vector<1x16xf32>,
      %swap3A_103 = vector.shape_cast %swap3A_102 : vector<1x16xf32> to vector<16xf32>
      %swap3A_104 = vector.shape_cast %broadcast_in_dim3A_99 : vector<16xf32> to vector<1x16xf32>
      tpu.vector_store %arg14[%swap3A_100, %swap3A_101], %swap3A_104 {strides = array<i32>} : memref<128x128xf32, #tpu.memory_space<vmem>>, vector<1x16xf32>,
      %broadcast_in_dim3A_105 = arith.constant 0.000000e+00 : f32
      %broadcast_in_dim3A_106 = vector.broadcast %broadcast_in_dim3A_105 : f32 to vector<16xf32>
      %swap3A_107 = arith.index_cast %scan3A_70 : i32 to index
      %swap3A_108 = arith.constant 80 : index
      %swap3A_109 = tpu.vector_load %arg14[%swap3A_107, %swap3A_108] {strides = array<i32>} : memref<128x128xf32, #tpu.memory_space<vmem>>, vector<1x16xf32>,
      %swap3A_110 = vector.shape_cast %swap3A_109 : vector<1x16xf32> to vector<16xf32>
      %swap3A_111 = vector.shape_cast %broadcast_in_dim3A_106 : vector<16xf32> to vector<1x16xf32>
      tpu.vector_store %arg14[%swap3A_107, %swap3A_108], %swap3A_111 {strides = array<i32>} : memref<128x128xf32, #tpu.memory_space<vmem>>, vector<1x16xf32>,
      %broadcast_in_dim3A_112 = arith.constant 0.000000e+00 : f32
      %broadcast_in_dim3A_113 = vector.broadcast %broadcast_in_dim3A_112 : f32 to vector<16xf32>
      %swap3A_114 = arith.index_cast %scan3A_70 : i32 to index
      %swap3A_115 = arith.constant 96 : index
      %swap3A_116 = tpu.vector_load %arg14[%swap3A_114, %swap3A_115] {strides = array<i32>} : memref<128x128xf32, #tpu.memory_space<vmem>>, vector<1x16xf32>,
      %swap3A_117 = vector.shape_cast %swap3A_116 : vector<1x16xf32> to vector<16xf32>
      %swap3A_118 = vector.shape_cast %broadcast_in_dim3A_113 : vector<16xf32> to vector<1x16xf32>
      tpu.vector_store %arg14[%swap3A_114, %swap3A_115], %swap3A_118 {strides = array<i32>} : memref<128x128xf32, #tpu.memory_space<vmem>>, vector<1x16xf32>,
      %broadcast_in_dim3A_119 = arith.constant 0.000000e+00 : f32
      %broadcast_in_dim3A_120 = vector.broadcast %broadcast_in_dim3A_119 : f32 to vector<16xf32>
      %swap3A_121 = arith.index_cast %scan3A_70 : i32 to index
      %swap3A_122 = arith.constant 112 : index
      %swap3A_123 = tpu.vector_load %arg14[%swap3A_121, %swap3A_122] {strides = array<i32>} : memref<128x128xf32, #tpu.memory_space<vmem>>, vector<1x16xf32>,
      %swap3A_124 = vector.shape_cast %swap3A_123 : vector<1x16xf32> to vector<16xf32>
      %swap3A_125 = vector.shape_cast %broadcast_in_dim3A_120 : vector<16xf32> to vector<1x16xf32>
      tpu.vector_store %arg14[%swap3A_121, %swap3A_122], %swap3A_125 {strides = array<i32>} : memref<128x128xf32, #tpu.memory_space<vmem>>, vector<1x16xf32>,
      %scan3A_126 = arith.constant 0 : i32
      scf.yield %scan3A_126 : i32
    }
    %scan3A_5 = arith.constant 128 : i32
    %mul3A = arith.constant 632 : i32
    %mul3A_6 = arith.muli %arg1, %mul3A : i32
    %add3A = arith.constant 0 : i32
    %add3A_7 = arith.addi %mul3A_6, %add3A : i32
    "tpu.region"() ({
      %run_scoped3A = tpu.sem_alloc : memref<!tpu.dma_semaphore, #tpu.memory_space<semaphore_mem>>
      %dma_start3A_70 = arith.constant 0 : i32
      %dma_start3A_71 = tpu.memref_slice %arg21[%add3A_7, %dma_start3A_70] : memref<10112x128xf32, #tpu.memory_space<vmem_shared>> -> memref<128x128xf32, #tpu.memory_space<vmem_shared>>
      %dma_start3A_72 = arith.constant 0 : i32
      %dma_start3A_73 = tpu.memref_slice %arg21[%add3A_7, %dma_start3A_72] : memref<10112x128xf32, #tpu.memory_space<vmem_shared>> -> memref<128x128xf32, #tpu.memory_space<vmem_shared>>
      tpu.enqueue_dma source(%arg14 : memref<128x128xf32, #tpu.memory_space<vmem>>) target(%dma_start3A_73 : memref<128x128xf32, #tpu.memory_space<vmem_shared>>) target_semaphore(%run_scoped3A : memref<!tpu.dma_semaphore, #tpu.memory_space<semaphore_mem>>)
      %dma_wait3A_74 = arith.constant 0 : i32
      %dma_wait3A_75 = tpu.memref_slice %arg21[%add3A_7, %dma_wait3A_74] : memref<10112x128xf32, #tpu.memory_space<vmem_shared>> -> memref<128x128xf32, #tpu.memory_space<vmem_shared>>
      %dma_wait3A_76 = arith.constant 0 : i32
      %dma_wait3A_77 = tpu.memref_slice %arg21[%add3A_7, %dma_wait3A_76] : memref<10112x128xf32, #tpu.memory_space<vmem_shared>> -> memref<128x128xf32, #tpu.memory_space<vmem_shared>>
      tpu.wait_dma2 semaphore(%run_scoped3A : memref<!tpu.dma_semaphore, #tpu.memory_space<semaphore_mem>>) src(%arg14 : memref<128x128xf32, #tpu.memory_space<vmem>>) dst(%dma_wait3A_77 : memref<128x128xf32, #tpu.memory_space<vmem_shared>>)
      tpu.yield
    }) : () -> ()
    %mul3A_8 = arith.constant 632 : i32
    %mul3A_9 = arith.muli %arg1, %mul3A_8 : i32
    %add3A_10 = arith.constant 128 : i32
    %add3A_11 = arith.addi %mul3A_9, %add3A_10 : i32
    "tpu.region"() ({
      %run_scoped3A = tpu.sem_alloc : memref<!tpu.dma_semaphore, #tpu.memory_space<semaphore_mem>>
      %dma_start3A_70 = arith.constant 0 : i32
      %dma_start3A_71 = tpu.memref_slice %arg21[%add3A_11, %dma_start3A_70] : memref<10112x128xf32, #tpu.memory_space<vmem_shared>> -> memref<128x128xf32, #tpu.memory_space<vmem_shared>>
      %dma_start3A_72 = arith.constant 0 : i32
      %dma_start3A_73 = tpu.memref_slice %arg21[%add3A_11, %dma_start3A_72] : memref<10112x128xf32, #tpu.memory_space<vmem_shared>> -> memref<128x128xf32, #tpu.memory_space<vmem_shared>>
      tpu.enqueue_dma source(%arg14 : memref<128x128xf32, #tpu.memory_space<vmem>>) target(%dma_start3A_73 : memref<128x128xf32, #tpu.memory_space<vmem_shared>>) target_semaphore(%run_scoped3A : memref<!tpu.dma_semaphore, #tpu.memory_space<semaphore_mem>>)
      %dma_wait3A_74 = arith.constant 0 : i32
      %dma_wait3A_75 = tpu.memref_slice %arg21[%add3A_11, %dma_wait3A_74] : memref<10112x128xf32, #tpu.memory_space<vmem_shared>> -> memref<128x128xf32, #tpu.memory_space<vmem_shared>>
      %dma_wait3A_76 = arith.constant 0 : i32
      %dma_wait3A_77 = tpu.memref_slice %arg21[%add3A_11, %dma_wait3A_76] : memref<10112x128xf32, #tpu.memory_space<vmem_shared>> -> memref<128x128xf32, #tpu.memory_space<vmem_shared>>
      tpu.wait_dma2 semaphore(%run_scoped3A : memref<!tpu.dma_semaphore, #tpu.memory_space<semaphore_mem>>) src(%arg14 : memref<128x128xf32, #tpu.memory_space<vmem>>) dst(%dma_wait3A_77 : memref<128x128xf32, #tpu.memory_space<vmem_shared>>)
      tpu.yield
    }) : () -> ()
    %mul3A_12 = arith.constant 632 : i32
    %mul3A_13 = arith.muli %arg1, %mul3A_12 : i32
    %add3A_14 = arith.constant 256 : i32
    %add3A_15 = arith.addi %mul3A_13, %add3A_14 : i32
    "tpu.region"() ({
      %run_scoped3A = tpu.sem_alloc : memref<!tpu.dma_semaphore, #tpu.memory_space<semaphore_mem>>
      %dma_start3A_70 = arith.constant 0 : i32
      %dma_start3A_71 = tpu.memref_slice %arg21[%add3A_15, %dma_start3A_70] : memref<10112x128xf32, #tpu.memory_space<vmem_shared>> -> memref<128x128xf32, #tpu.memory_space<vmem_shared>>
      %dma_start3A_72 = arith.constant 0 : i32
      %dma_start3A_73 = tpu.memref_slice %arg21[%add3A_15, %dma_start3A_72] : memref<10112x128xf32, #tpu.memory_space<vmem_shared>> -> memref<128x128xf32, #tpu.memory_space<vmem_shared>>
      tpu.enqueue_dma source(%arg14 : memref<128x128xf32, #tpu.memory_space<vmem>>) target(%dma_start3A_73 : memref<128x128xf32, #tpu.memory_space<vmem_shared>>) target_semaphore(%run_scoped3A : memref<!tpu.dma_semaphore, #tpu.memory_space<semaphore_mem>>)
      %dma_wait3A_74 = arith.constant 0 : i32
      %dma_wait3A_75 = tpu.memref_slice %arg21[%add3A_15, %dma_wait3A_74] : memref<10112x128xf32, #tpu.memory_space<vmem_shared>> -> memref<128x128xf32, #tpu.memory_space<vmem_shared>>
      %dma_wait3A_76 = arith.constant 0 : i32
      %dma_wait3A_77 = tpu.memref_slice %arg21[%add3A_15, %dma_wait3A_76] : memref<10112x128xf32, #tpu.memory_space<vmem_shared>> -> memref<128x128xf32, #tpu.memory_space<vmem_shared>>
      tpu.wait_dma2 semaphore(%run_scoped3A : memref<!tpu.dma_semaphore, #tpu.memory_space<semaphore_mem>>) src(%arg14 : memref<128x128xf32, #tpu.memory_space<vmem>>) dst(%dma_wait3A_77 : memref<128x128xf32, #tpu.memory_space<vmem_shared>>)
      tpu.yield
    }) : () -> ()
    %mul3A_16 = arith.constant 632 : i32
    %mul3A_17 = arith.muli %arg1, %mul3A_16 : i32
    %add3A_18 = arith.constant 384 : i32
    %add3A_19 = arith.addi %mul3A_17, %add3A_18 : i32
    "tpu.region"() ({
      %run_scoped3A = tpu.sem_alloc : memref<!tpu.dma_semaphore, #tpu.memory_space<semaphore_mem>>
      %dma_start3A_70 = arith.constant 0 : i32
      %dma_start3A_71 = tpu.memref_slice %arg21[%add3A_19, %dma_start3A_70] : memref<10112x128xf32, #tpu.memory_space<vmem_shared>> -> memref<128x128xf32, #tpu.memory_space<vmem_shared>>
      %dma_start3A_72 = arith.constant 0 : i32
      %dma_start3A_73 = tpu.memref_slice %arg21[%add3A_19, %dma_start3A_72] : memref<10112x128xf32, #tpu.memory_space<vmem_shared>> -> memref<128x128xf32, #tpu.memory_space<vmem_shared>>
      tpu.enqueue_dma source(%arg14 : memref<128x128xf32, #tpu.memory_space<vmem>>) target(%dma_start3A_73 : memref<128x128xf32, #tpu.memory_space<vmem_shared>>) target_semaphore(%run_scoped3A : memref<!tpu.dma_semaphore, #tpu.memory_space<semaphore_mem>>)
      %dma_wait3A_74 = arith.constant 0 : i32
      %dma_wait3A_75 = tpu.memref_slice %arg21[%add3A_19, %dma_wait3A_74] : memref<10112x128xf32, #tpu.memory_space<vmem_shared>> -> memref<128x128xf32, #tpu.memory_space<vmem_shared>>
      %dma_wait3A_76 = arith.constant 0 : i32
      %dma_wait3A_77 = tpu.memref_slice %arg21[%add3A_19, %dma_wait3A_76] : memref<10112x128xf32, #tpu.memory_space<vmem_shared>> -> memref<128x128xf32, #tpu.memory_space<vmem_shared>>
      tpu.wait_dma2 semaphore(%run_scoped3A : memref<!tpu.dma_semaphore, #tpu.memory_space<semaphore_mem>>) src(%arg14 : memref<128x128xf32, #tpu.memory_space<vmem>>) dst(%dma_wait3A_77 : memref<128x128xf32, #tpu.memory_space<vmem_shared>>)
      tpu.yield
    }) : () -> ()
    %mul3A_20 = arith.constant 632 : i32
    %mul3A_21 = arith.muli %arg1, %mul3A_20 : i32
    %add3A_22 = arith.constant 512 : i32
    %add3A_23 = arith.addi %mul3A_21, %add3A_22 : i32
    "tpu.region"() ({
      %run_scoped3A = tpu.sem_alloc : memref<!tpu.dma_semaphore, #tpu.memory_space<semaphore_mem>>
      %dma_start3A_70 = arith.constant 0 : i32
      %dma_start3A_71 = arith.constant 0 : i32
      %dma_start3A_72 = tpu.memref_slice %arg14[%dma_start3A_70, %dma_start3A_71] : memref<128x128xf32, #tpu.memory_space<vmem>> -> memref<120x128xf32, #tpu.memory_space<vmem>>
      %dma_start3A_73 = arith.constant 0 : i32
      %dma_start3A_74 = tpu.memref_slice %arg21[%add3A_23, %dma_start3A_73] : memref<10112x128xf32, #tpu.memory_space<vmem_shared>> -> memref<120x128xf32, #tpu.memory_space<vmem_shared>>
      %dma_start3A_75 = arith.constant 0 : i32
      %dma_start3A_76 = tpu.memref_slice %arg21[%add3A_23, %dma_start3A_75] : memref<10112x128xf32, #tpu.memory_space<vmem_shared>> -> memref<120x128xf32, #tpu.memory_space<vmem_shared>>
      %dma_start3A_77 = arith.constant 0 : i32
      %dma_start3A_78 = arith.constant 0 : i32
      %dma_start3A_79 = tpu.memref_slice %arg14[%dma_start3A_77, %dma_start3A_78] : memref<128x128xf32, #tpu.memory_space<vmem>> -> memref<120x128xf32, #tpu.memory_space<vmem>>
      tpu.enqueue_dma source(%dma_start3A_79 : memref<120x128xf32, #tpu.memory_space<vmem>>) target(%dma_start3A_76 : memref<120x128xf32, #tpu.memory_space<vmem_shared>>) target_semaphore(%run_scoped3A : memref<!tpu.dma_semaphore, #tpu.memory_space<semaphore_mem>>)
      %dma_wait3A_80 = arith.constant 0 : i32
      %dma_wait3A_81 = arith.constant 0 : i32
      %dma_wait3A_82 = tpu.memref_slice %arg14[%dma_wait3A_80, %dma_wait3A_81] : memref<128x128xf32, #tpu.memory_space<vmem>> -> memref<120x128xf32, #tpu.memory_space<vmem>>
      %dma_wait3A_83 = arith.constant 0 : i32
      %dma_wait3A_84 = tpu.memref_slice %arg21[%add3A_23, %dma_wait3A_83] : memref<10112x128xf32, #tpu.memory_space<vmem_shared>> -> memref<120x128xf32, #tpu.memory_space<vmem_shared>>
      %dma_wait3A_85 = arith.constant 0 : i32
      %dma_wait3A_86 = tpu.memref_slice %arg21[%add3A_23, %dma_wait3A_85] : memref<10112x128xf32, #tpu.memory_space<vmem_shared>> -> memref<120x128xf32, #tpu.memory_space<vmem_shared>>
      %dma_wait3A_87 = arith.constant 0 : i32
      %dma_wait3A_88 = arith.constant 0 : i32
      %dma_wait3A_89 = tpu.memref_slice %arg14[%dma_wait3A_87, %dma_wait3A_88] : memref<128x128xf32, #tpu.memory_space<vmem>> -> memref<120x128xf32, #tpu.memory_space<vmem>>
      tpu.wait_dma2 semaphore(%run_scoped3A : memref<!tpu.dma_semaphore, #tpu.memory_space<semaphore_mem>>) src(%dma_wait3A_89 : memref<120x128xf32, #tpu.memory_space<vmem>>) dst(%dma_wait3A_86 : memref<120x128xf32, #tpu.memory_space<vmem_shared>>)
      tpu.yield
    }) : () -> ()
    %mul3A_24 = arith.constant 80 : i32
    %mul3A_25 = arith.muli %arg1, %mul3A_24 : i32
    %mul3A_26 = arith.constant 128 : i32
    %mul3A_27 = arith.muli %mul3A_25, %mul3A_26 : i32
    %add3A_28 = arith.constant 0 : i32
    %add3A_29 = arith.addi %mul3A_27, %add3A_28 : i32
    %dma_start3A = tpu.memref_slice %arg4[%add3A_29] : memref<163840xi32, #tpu.memory_space<hbm>> -> memref<128xi32, #tpu.memory_space<hbm>>
    %dma_start3A_30 = tpu.memref_slice %arg4[%add3A_29] : memref<163840xi32, #tpu.memory_space<hbm>> -> memref<128xi32, #tpu.memory_space<hbm>>
    tpu.enqueue_dma source(%dma_start3A_30 : memref<128xi32, #tpu.memory_space<hbm>>) target(%arg8 : memref<128xi32, #tpu.memory_space<vmem>>) target_semaphore(%arg15 : memref<!tpu.dma_semaphore, #tpu.memory_space<semaphore_mem>>)
    %dma_start3A_31 = tpu.memref_slice %arg5[%add3A_29] : memref<163840xi32, #tpu.memory_space<hbm>> -> memref<128xi32, #tpu.memory_space<hbm>>
    %dma_start3A_32 = tpu.memref_slice %arg5[%add3A_29] : memref<163840xi32, #tpu.memory_space<hbm>> -> memref<128xi32, #tpu.memory_space<hbm>>
    tpu.enqueue_dma source(%dma_start3A_32 : memref<128xi32, #tpu.memory_space<hbm>>) target(%arg10 : memref<128xi32, #tpu.memory_space<vmem>>) target_semaphore(%arg15 : memref<!tpu.dma_semaphore, #tpu.memory_space<semaphore_mem>>)
    %dma_wait3A = arith.constant 0 : i32
    %dma_wait3A_33 = tpu.memref_slice %arg4[%dma_wait3A] : memref<163840xi32, #tpu.memory_space<hbm>> -> memref<128xi32, #tpu.memory_space<hbm>>
    %dma_wait3A_34 = arith.constant 0 : i32
    %dma_wait3A_35 = tpu.memref_slice %arg4[%dma_wait3A_34] : memref<163840xi32, #tpu.memory_space<hbm>> -> memref<128xi32, #tpu.memory_space<hbm>>
    tpu.wait_dma2 semaphore(%arg15 : memref<!tpu.dma_semaphore, #tpu.memory_space<semaphore_mem>>) src(%dma_wait3A_35 : memref<128xi32, #tpu.memory_space<hbm>>) dst(%arg8 : memref<128xi32, #tpu.memory_space<vmem>>)
    %dma_wait3A_36 = arith.constant 0 : i32
    %dma_wait3A_37 = tpu.memref_slice %arg4[%dma_wait3A_36] : memref<163840xi32, #tpu.memory_space<hbm>> -> memref<128xi32, #tpu.memory_space<hbm>>
    %dma_wait3A_38 = arith.constant 0 : i32
    %dma_wait3A_39 = tpu.memref_slice %arg4[%dma_wait3A_38] : memref<163840xi32, #tpu.memory_space<hbm>> -> memref<128xi32, #tpu.memory_space<hbm>>
    tpu.wait_dma2 semaphore(%arg15 : memref<!tpu.dma_semaphore, #tpu.memory_space<semaphore_mem>>) src(%dma_wait3A_39 : memref<128xi32, #tpu.memory_space<hbm>>) dst(%arg10 : memref<128xi32, #tpu.memory_space<vmem>>)
    %eq3A = arith.constant 0 : i32
    %eq3A_40 = arith.cmpi eq, %arg0, %eq3A : i32
    %convert_element_type3A = arith.extui %eq3A_40 : i1 to i32
    %cond3A = arith.constant 0 : i32
    %cond3A_41 = arith.cmpi ne, %convert_element_type3A, %cond3A : i32
    scf.if %cond3A_41 {
      %dma_start3A_70 = arith.constant 0 : i32
      %dma_start3A_71 = arith.constant 0 : i32
      %dma_start3A_72 = tpu.memref_slice %arg2[%dma_start3A_70, %dma_start3A_71] : memref<10000x128xf32, #tpu.memory_space<hbm>> -> memref<10000x128xf32, #tpu.memory_space<hbm>>
      tpu.enqueue_indirect_dma source(%dma_start3A_72 : memref<10000x128xf32, #tpu.memory_space<hbm>>) target(%arg12 : memref<128x128xf32, #tpu.memory_space<vmem>>) offsets(%arg8 : memref<128xi32, #tpu.memory_space<vmem>>) semaphore(%arg17 : memref<!tpu.dma_semaphore, #tpu.memory_space<semaphore_mem>>)
    } else {
    }
    %eq3A_42 = arith.constant 1 : i32
    %eq3A_43 = arith.cmpi eq, %arg0, %eq3A_42 : i32
    %convert_element_type3A_44 = arith.extui %eq3A_43 : i1 to i32
    %cond3A_45 = arith.constant 0 : i32
    %cond3A_46 = arith.cmpi ne, %convert_element_type3A_44, %cond3A_45 : i32
    scf.if %cond3A_46 {
      %dma_start3A_70 = arith.constant 0 : i32
      %dma_start3A_71 = arith.constant 0 : i32
      %dma_start3A_72 = tpu.memref_slice %arg3[%dma_start3A_70, %dma_start3A_71] : memref<10000x128xf32, #tpu.memory_space<hbm>> -> memref<10000x128xf32, #tpu.memory_space<hbm>>
      tpu.enqueue_indirect_dma source(%dma_start3A_72 : memref<10000x128xf32, #tpu.memory_space<hbm>>) target(%arg12 : memref<128x128xf32, #tpu.memory_space<vmem>>) offsets(%arg8 : memref<128xi32, #tpu.memory_space<vmem>>) semaphore(%arg17 : memref<!tpu.dma_semaphore, #tpu.memory_space<semaphore_mem>>)
    } else {
    }
    %scan3A_47 = arith.constant 0 : i32
    %scan3A_48 = arith.constant 0 : i32
    %scan3A_49 = arith.constant 40 : i32
    %scan3A_50 = arith.addi %scan3A_48, %scan3A_49 : i32
    %scan3A_51 = arith.constant 1 : i32
    %scan3A_52 = scf.for %scan3A_70 = %scan3A_48 to %scan3A_50 step %scan3A_51 iter_args(%scan3A_71 = %scan3A_47) -> (i32)  : i32 {
      %mul3A_72 = arith.constant 2 : i32
      %mul3A_73 = arith.muli %scan3A_70, %mul3A_72 : i32
      %add3A_74 = arith.constant 0 : i32
      %add3A_75 = arith.addi %mul3A_73, %add3A_74 : i32
      %ge3A = arith.constant 1 : i32
      %ge3A_76 = arith.cmpi sge, %add3A_75, %ge3A : i32
      %convert_element_type3A_77 = arith.extui %ge3A_76 : i1 to i32
      %cond3A_78 = arith.constant 0 : i32
      %cond3A_79 = arith.cmpi ne, %convert_element_type3A_77, %cond3A_78 : i32
      scf.if %cond3A_79 {
        %dma_wait3A_135 = arith.constant 0 : i32
        %dma_wait3A_136 = arith.constant 0 : i32
        %dma_wait3A_137 = tpu.memref_slice %arg2[%dma_wait3A_135, %dma_wait3A_136] : memref<10000x128xf32, #tpu.memory_space<hbm>> -> memref<128x128xf32, #tpu.memory_space<hbm>>
        %dma_wait3A_138 = arith.constant 0 : i32
        %dma_wait3A_139 = arith.constant 0 : i32
        %dma_wait3A_140 = tpu.memref_slice %arg2[%dma_wait3A_138, %dma_wait3A_139] : memref<10000x128xf32, #tpu.memory_space<hbm>> -> memref<128x128xf32, #tpu.memory_space<hbm>>
        tpu.wait_dma2 semaphore(%arg20 : memref<!tpu.dma_semaphore, #tpu.memory_space<semaphore_mem>>) src(%dma_wait3A_140 : memref<128x128xf32, #tpu.memory_space<hbm>>) dst(%arg13 : memref<128x128xf32, #tpu.memory_space<vmem>>)
      } else {
      }
      %add3A_80 = arith.constant 1 : i32
      %add3A_81 = arith.addi %add3A_75, %add3A_80 : i32
      %lt3A = arith.constant 80 : i32
      %lt3A_82 = arith.cmpi slt, %add3A_81, %lt3A : i32
      %convert_element_type3A_83 = arith.extui %lt3A_82 : i1 to i32
      %cond3A_84 = arith.constant 0 : i32
      %cond3A_85 = arith.cmpi ne, %convert_element_type3A_83, %cond3A_84 : i32
      scf.if %cond3A_85 {
        %add3A_135 = arith.constant 1 : i32
        %add3A_136 = arith.addi %add3A_75, %add3A_135 : i32
        %mul3A_137 = arith.constant 128 : i32
        %mul3A_138 = arith.muli %add3A_136, %mul3A_137 : i32
        %add3A_139 = arith.addi %mul3A_27, %mul3A_138 : i32
        %dma_start3A_140 = tpu.memref_slice %arg4[%add3A_139] : memref<163840xi32, #tpu.memory_space<hbm>> -> memref<128xi32, #tpu.memory_space<hbm>>
        %dma_start3A_141 = tpu.memref_slice %arg4[%add3A_139] : memref<163840xi32, #tpu.memory_space<hbm>> -> memref<128xi32, #tpu.memory_space<hbm>>
        tpu.enqueue_dma source(%dma_start3A_141 : memref<128xi32, #tpu.memory_space<hbm>>) target(%arg9 : memref<128xi32, #tpu.memory_space<vmem>>) target_semaphore(%arg16 : memref<!tpu.dma_semaphore, #tpu.memory_space<semaphore_mem>>)
        %dma_start3A_142 = tpu.memref_slice %arg5[%add3A_139] : memref<163840xi32, #tpu.memory_space<hbm>> -> memref<128xi32, #tpu.memory_space<hbm>>
        %dma_start3A_143 = tpu.memref_slice %arg5[%add3A_139] : memref<163840xi32, #tpu.memory_space<hbm>> -> memref<128xi32, #tpu.memory_space<hbm>>
        tpu.enqueue_dma source(%dma_start3A_143 : memref<128xi32, #tpu.memory_space<hbm>>) target(%arg11 : memref<128xi32, #tpu.memory_space<vmem>>) target_semaphore(%arg16 : memref<!tpu.dma_semaphore, #tpu.memory_space<semaphore_mem>>)
      } else {
      }
      %dma_wait3A_86 = arith.constant 0 : i32
      %dma_wait3A_87 = arith.constant 0 : i32
      %dma_wait3A_88 = tpu.memref_slice %arg2[%dma_wait3A_86, %dma_wait3A_87] : memref<10000x128xf32, #tpu.memory_space<hbm>> -> memref<128x128xf32, #tpu.memory_space<hbm>>
      %dma_wait3A_89 = arith.constant 0 : i32
      %dma_wait3A_90 = arith.constant 0 : i32
      %dma_wait3A_91 = tpu.memref_slice %arg2[%dma_wait3A_89, %dma_wait3A_90] : memref<10000x128xf32, #tpu.memory_space<hbm>> -> memref<128x128xf32, #tpu.memory_space<hbm>>
      tpu.wait_dma2 semaphore(%arg17 : memref<!tpu.dma_semaphore, #tpu.memory_space<semaphore_mem>>) src(%dma_wait3A_91 : memref<128x128xf32, #tpu.memory_space<hbm>>) dst(%arg12 : memref<128x128xf32, #tpu.memory_space<vmem>>)
      %dma_start3A_92 = arith.constant 0 : i32
      %dma_start3A_93 = arith.constant 0 : i32
      %dma_start3A_94 = tpu.memref_slice %arg21[%dma_start3A_92, %dma_start3A_93] : memref<10112x128xf32, #tpu.memory_space<vmem_shared>> -> memref<10112x128xf32, #tpu.memory_space<vmem_shared>>
      tpu.enqueue_indirect_dma source(%arg12 : memref<128x128xf32, #tpu.memory_space<vmem>>) target(%dma_start3A_94 : memref<10112x128xf32, #tpu.memory_space<vmem_shared>>) offsets(%arg10 : memref<128xi32, #tpu.memory_space<vmem>>) semaphore(%arg19 : memref<!tpu.dma_semaphore, #tpu.memory_space<semaphore_mem>>) {add = true}
      %add3A_95 = arith.constant 1 : i32
      %add3A_96 = arith.addi %add3A_75, %add3A_95 : i32
      %lt3A_97 = arith.constant 80 : i32
      %lt3A_98 = arith.cmpi slt, %add3A_96, %lt3A_97 : i32
      %convert_element_type3A_99 = arith.extui %lt3A_98 : i1 to i32
      %cond3A_100 = arith.constant 0 : i32
      %cond3A_101 = arith.cmpi ne, %convert_element_type3A_99, %cond3A_100 : i32
      scf.if %cond3A_101 {
        %dma_wait3A_135 = arith.constant 0 : i32
        %dma_wait3A_136 = tpu.memref_slice %arg4[%dma_wait3A_135] : memref<163840xi32, #tpu.memory_space<hbm>> -> memref<128xi32, #tpu.memory_space<hbm>>
        %dma_wait3A_137 = arith.constant 0 : i32
        %dma_wait3A_138 = tpu.memref_slice %arg4[%dma_wait3A_137] : memref<163840xi32, #tpu.memory_space<hbm>> -> memref<128xi32, #tpu.memory_space<hbm>>
        tpu.wait_dma2 semaphore(%arg16 : memref<!tpu.dma_semaphore, #tpu.memory_space<semaphore_mem>>) src(%dma_wait3A_138 : memref<128xi32, #tpu.memory_space<hbm>>) dst(%arg9 : memref<128xi32, #tpu.memory_space<vmem>>)
        %dma_wait3A_139 = arith.constant 0 : i32
        %dma_wait3A_140 = tpu.memref_slice %arg4[%dma_wait3A_139] : memref<163840xi32, #tpu.memory_space<hbm>> -> memref<128xi32, #tpu.memory_space<hbm>>
        %dma_wait3A_141 = arith.constant 0 : i32
        %dma_wait3A_142 = tpu.memref_slice %arg4[%dma_wait3A_141] : memref<163840xi32, #tpu.memory_space<hbm>> -> memref<128xi32, #tpu.memory_space<hbm>>
        tpu.wait_dma2 semaphore(%arg16 : memref<!tpu.dma_semaphore, #tpu.memory_space<semaphore_mem>>) src(%dma_wait3A_142 : memref<128xi32, #tpu.memory_space<hbm>>) dst(%arg11 : memref<128xi32, #tpu.memory_space<vmem>>)
        %eq3A_143 = arith.constant 0 : i32
        %eq3A_144 = arith.cmpi eq, %arg0, %eq3A_143 : i32
        %convert_element_type3A_145 = arith.extui %eq3A_144 : i1 to i32
        %cond3A_146 = arith.constant 0 : i32
        %cond3A_147 = arith.cmpi ne, %convert_element_type3A_145, %cond3A_146 : i32
        scf.if %cond3A_147 {
          %dma_start3A_153 = arith.constant 0 : i32
          %dma_start3A_154 = arith.constant 0 : i32
          %dma_start3A_155 = tpu.memref_slice %arg2[%dma_start3A_153, %dma_start3A_154] : memref<10000x128xf32, #tpu.memory_space<hbm>> -> memref<10000x128xf32, #tpu.memory_space<hbm>>
          tpu.enqueue_indirect_dma source(%dma_start3A_155 : memref<10000x128xf32, #tpu.memory_space<hbm>>) target(%arg13 : memref<128x128xf32, #tpu.memory_space<vmem>>) offsets(%arg9 : memref<128xi32, #tpu.memory_space<vmem>>) semaphore(%arg18 : memref<!tpu.dma_semaphore, #tpu.memory_space<semaphore_mem>>)
        } else {
        }
        %eq3A_148 = arith.constant 1 : i32
        %eq3A_149 = arith.cmpi eq, %arg0, %eq3A_148 : i32
        %convert_element_type3A_150 = arith.extui %eq3A_149 : i1 to i32
        %cond3A_151 = arith.constant 0 : i32
        %cond3A_152 = arith.cmpi ne, %convert_element_type3A_150, %cond3A_151 : i32
        scf.if %cond3A_152 {
          %dma_start3A_153 = arith.constant 0 : i32
          %dma_start3A_154 = arith.constant 0 : i32
          %dma_start3A_155 = tpu.memref_slice %arg3[%dma_start3A_153, %dma_start3A_154] : memref<10000x128xf32, #tpu.memory_space<hbm>> -> memref<10000x128xf32, #tpu.memory_space<hbm>>
          tpu.enqueue_indirect_dma source(%dma_start3A_155 : memref<10000x128xf32, #tpu.memory_space<hbm>>) target(%arg13 : memref<128x128xf32, #tpu.memory_space<vmem>>) offsets(%arg9 : memref<128xi32, #tpu.memory_space<vmem>>) semaphore(%arg18 : memref<!tpu.dma_semaphore, #tpu.memory_space<semaphore_mem>>)
        } else {
        }
      } else {
      }
      %mul3A_102 = arith.constant 2 : i32
      %mul3A_103 = arith.muli %scan3A_70, %mul3A_102 : i32
      %add3A_104 = arith.constant 1 : i32
      %add3A_105 = arith.addi %mul3A_103, %add3A_104 : i32
      %ge3A_106 = arith.constant 1 : i32
      %ge3A_107 = arith.cmpi sge, %add3A_105, %ge3A_106 : i32
      %convert_element_type3A_108 = arith.extui %ge3A_107 : i1 to i32
      %cond3A_109 = arith.constant 0 : i32
      %cond3A_110 = arith.cmpi ne, %convert_element_type3A_108, %cond3A_109 : i32
      scf.if %cond3A_110 {
        %dma_wait3A_135 = arith.constant 0 : i32
        %dma_wait3A_136 = arith.constant 0 : i32
        %dma_wait3A_137 = tpu.memref_slice %arg2[%dma_wait3A_135, %dma_wait3A_136] : memref<10000x128xf32, #tpu.memory_space<hbm>> -> memref<128x128xf32, #tpu.memory_space<hbm>>
        %dma_wait3A_138 = arith.constant 0 : i32
        %dma_wait3A_139 = arith.constant 0 : i32
        %dma_wait3A_140 = tpu.memref_slice %arg2[%dma_wait3A_138, %dma_wait3A_139] : memref<10000x128xf32, #tpu.memory_space<hbm>> -> memref<128x128xf32, #tpu.memory_space<hbm>>
        tpu.wait_dma2 semaphore(%arg19 : memref<!tpu.dma_semaphore, #tpu.memory_space<semaphore_mem>>) src(%dma_wait3A_140 : memref<128x128xf32, #tpu.memory_space<hbm>>) dst(%arg12 : memref<128x128xf32, #tpu.memory_space<vmem>>)
      } else {
      }
      %add3A_111 = arith.constant 1 : i32
      %add3A_112 = arith.addi %add3A_105, %add3A_111 : i32
      %lt3A_113 = arith.constant 80 : i32
      %lt3A_114 = arith.cmpi slt, %add3A_112, %lt3A_113 : i32
      %convert_element_type3A_115 = arith.extui %lt3A_114 : i1 to i32
      %cond3A_116 = arith.constant 0 : i32
      %cond3A_117 = arith.cmpi ne, %convert_element_type3A_115, %cond3A_116 : i32
      scf.if %cond3A_117 {
        %add3A_135 = arith.constant 1 : i32
        %add3A_136 = arith.addi %add3A_105, %add3A_135 : i32
        %mul3A_137 = arith.constant 128 : i32
        %mul3A_138 = arith.muli %add3A_136, %mul3A_137 : i32
        %add3A_139 = arith.addi %mul3A_27, %mul3A_138 : i32
        %dma_start3A_140 = tpu.memref_slice %arg4[%add3A_139] : memref<163840xi32, #tpu.memory_space<hbm>> -> memref<128xi32, #tpu.memory_space<hbm>>
        %dma_start3A_141 = tpu.memref_slice %arg4[%add3A_139] : memref<163840xi32, #tpu.memory_space<hbm>> -> memref<128xi32, #tpu.memory_space<hbm>>
        tpu.enqueue_dma source(%dma_start3A_141 : memref<128xi32, #tpu.memory_space<hbm>>) target(%arg8 : memref<128xi32, #tpu.memory_space<vmem>>) target_semaphore(%arg15 : memref<!tpu.dma_semaphore, #tpu.memory_space<semaphore_mem>>)
        %dma_start3A_142 = tpu.memref_slice %arg5[%add3A_139] : memref<163840xi32, #tpu.memory_space<hbm>> -> memref<128xi32, #tpu.memory_space<hbm>>
        %dma_start3A_143 = tpu.memref_slice %arg5[%add3A_139] : memref<163840xi32, #tpu.memory_space<hbm>> -> memref<128xi32, #tpu.memory_space<hbm>>
        tpu.enqueue_dma source(%dma_start3A_143 : memref<128xi32, #tpu.memory_space<hbm>>) target(%arg10 : memref<128xi32, #tpu.memory_space<vmem>>) target_semaphore(%arg15 : memref<!tpu.dma_semaphore, #tpu.memory_space<semaphore_mem>>)
      } else {
      }
      %dma_wait3A_118 = arith.constant 0 : i32
      %dma_wait3A_119 = arith.constant 0 : i32
      %dma_wait3A_120 = tpu.memref_slice %arg2[%dma_wait3A_118, %dma_wait3A_119] : memref<10000x128xf32, #tpu.memory_space<hbm>> -> memref<128x128xf32, #tpu.memory_space<hbm>>
      %dma_wait3A_121 = arith.constant 0 : i32
      %dma_wait3A_122 = arith.constant 0 : i32
      %dma_wait3A_123 = tpu.memref_slice %arg2[%dma_wait3A_121, %dma_wait3A_122] : memref<10000x128xf32, #tpu.memory_space<hbm>> -> memref<128x128xf32, #tpu.memory_space<hbm>>
      tpu.wait_dma2 semaphore(%arg18 : memref<!tpu.dma_semaphore, #tpu.memory_space<semaphore_mem>>) src(%dma_wait3A_123 : memref<128x128xf32, #tpu.memory_space<hbm>>) dst(%arg13 : memref<128x128xf32, #tpu.memory_space<vmem>>)
      %dma_start3A_124 = arith.constant 0 : i32
      %dma_start3A_125 = arith.constant 0 : i32
      %dma_start3A_126 = tpu.memref_slice %arg21[%dma_start3A_124, %dma_start3A_125] : memref<10112x128xf32, #tpu.memory_space<vmem_shared>> -> memref<10112x128xf32, #tpu.memory_space<vmem_shared>>
      tpu.enqueue_indirect_dma source(%arg13 : memref<128x128xf32, #tpu.memory_space<vmem>>) target(%dma_start3A_126 : memref<10112x128xf32, #tpu.memory_space<vmem_shared>>) offsets(%arg11 : memref<128xi32, #tpu.memory_space<vmem>>) semaphore(%arg20 : memref<!tpu.dma_semaphore, #tpu.memory_space<semaphore_mem>>) {add = true}
      %add3A_127 = arith.constant 1 : i32
      %add3A_128 = arith.addi %add3A_105, %add3A_127 : i32
      %lt3A_129 = arith.constant 80 : i32
      %lt3A_130 = arith.cmpi slt, %add3A_128, %lt3A_129 : i32
      %convert_element_type3A_131 = arith.extui %lt3A_130 : i1 to i32
      %cond3A_132 = arith.constant 0 : i32
      %cond3A_133 = arith.cmpi ne, %convert_element_type3A_131, %cond3A_132 : i32
      scf.if %cond3A_133 {
        %dma_wait3A_135 = arith.constant 0 : i32
        %dma_wait3A_136 = tpu.memref_slice %arg4[%dma_wait3A_135] : memref<163840xi32, #tpu.memory_space<hbm>> -> memref<128xi32, #tpu.memory_space<hbm>>
        %dma_wait3A_137 = arith.constant 0 : i32
        %dma_wait3A_138 = tpu.memref_slice %arg4[%dma_wait3A_137] : memref<163840xi32, #tpu.memory_space<hbm>> -> memref<128xi32, #tpu.memory_space<hbm>>
        tpu.wait_dma2 semaphore(%arg15 : memref<!tpu.dma_semaphore, #tpu.memory_space<semaphore_mem>>) src(%dma_wait3A_138 : memref<128xi32, #tpu.memory_space<hbm>>) dst(%arg8 : memref<128xi32, #tpu.memory_space<vmem>>)
        %dma_wait3A_139 = arith.constant 0 : i32
        %dma_wait3A_140 = tpu.memref_slice %arg4[%dma_wait3A_139] : memref<163840xi32, #tpu.memory_space<hbm>> -> memref<128xi32, #tpu.memory_space<hbm>>
        %dma_wait3A_141 = arith.constant 0 : i32
        %dma_wait3A_142 = tpu.memref_slice %arg4[%dma_wait3A_141] : memref<163840xi32, #tpu.memory_space<hbm>> -> memref<128xi32, #tpu.memory_space<hbm>>
        tpu.wait_dma2 semaphore(%arg15 : memref<!tpu.dma_semaphore, #tpu.memory_space<semaphore_mem>>) src(%dma_wait3A_142 : memref<128xi32, #tpu.memory_space<hbm>>) dst(%arg10 : memref<128xi32, #tpu.memory_space<vmem>>)
        %eq3A_143 = arith.constant 0 : i32
        %eq3A_144 = arith.cmpi eq, %arg0, %eq3A_143 : i32
        %convert_element_type3A_145 = arith.extui %eq3A_144 : i1 to i32
        %cond3A_146 = arith.constant 0 : i32
        %cond3A_147 = arith.cmpi ne, %convert_element_type3A_145, %cond3A_146 : i32
        scf.if %cond3A_147 {
          %dma_start3A_153 = arith.constant 0 : i32
          %dma_start3A_154 = arith.constant 0 : i32
          %dma_start3A_155 = tpu.memref_slice %arg2[%dma_start3A_153, %dma_start3A_154] : memref<10000x128xf32, #tpu.memory_space<hbm>> -> memref<10000x128xf32, #tpu.memory_space<hbm>>
          tpu.enqueue_indirect_dma source(%dma_start3A_155 : memref<10000x128xf32, #tpu.memory_space<hbm>>) target(%arg12 : memref<128x128xf32, #tpu.memory_space<vmem>>) offsets(%arg8 : memref<128xi32, #tpu.memory_space<vmem>>) semaphore(%arg17 : memref<!tpu.dma_semaphore, #tpu.memory_space<semaphore_mem>>)
        } else {
        }
        %eq3A_148 = arith.constant 1 : i32
        %eq3A_149 = arith.cmpi eq, %arg0, %eq3A_148 : i32
        %convert_element_type3A_150 = arith.extui %eq3A_149 : i1 to i32
        %cond3A_151 = arith.constant 0 : i32
        %cond3A_152 = arith.cmpi ne, %convert_element_type3A_150, %cond3A_151 : i32
        scf.if %cond3A_152 {
          %dma_start3A_153 = arith.constant 0 : i32
          %dma_start3A_154 = arith.constant 0 : i32
          %dma_start3A_155 = tpu.memref_slice %arg3[%dma_start3A_153, %dma_start3A_154] : memref<10000x128xf32, #tpu.memory_space<hbm>> -> memref<10000x128xf32, #tpu.memory_space<hbm>>
          tpu.enqueue_indirect_dma source(%dma_start3A_155 : memref<10000x128xf32, #tpu.memory_space<hbm>>) target(%arg12 : memref<128x128xf32, #tpu.memory_space<vmem>>) offsets(%arg8 : memref<128xi32, #tpu.memory_space<vmem>>) semaphore(%arg17 : memref<!tpu.dma_semaphore, #tpu.memory_space<semaphore_mem>>)
        } else {
        }
      } else {
      }
      %scan3A_134 = arith.constant 0 : i32
      scf.yield %scan3A_134 : i32
    }
    %scan3A_53 = arith.constant 40 : i32
    %dma_wait3A_54 = arith.constant 0 : i32
    %dma_wait3A_55 = arith.constant 0 : i32
    %dma_wait3A_56 = tpu.memref_slice %arg2[%dma_wait3A_54, %dma_wait3A_55] : memref<10000x128xf32, #tpu.memory_space<hbm>> -> memref<128x128xf32, #tpu.memory_space<hbm>>
    %dma_wait3A_57 = arith.constant 0 : i32
    %dma_wait3A_58 = arith.constant 0 : i32
    %dma_wait3A_59 = tpu.memref_slice %arg2[%dma_wait3A_57, %dma_wait3A_58] : memref<10000x128xf32, #tpu.memory_space<hbm>> -> memref<128x128xf32, #tpu.memory_space<hbm>>
    tpu.wait_dma2 semaphore(%arg20 : memref<!tpu.dma_semaphore, #tpu.memory_space<semaphore_mem>>) src(%dma_wait3A_59 : memref<128x128xf32, #tpu.memory_space<hbm>>) dst(%arg13 : memref<128x128xf32, #tpu.memory_space<vmem>>)
    %barrier3A = arith.constant 0 : index
    tpu.barrier barrier_id(%barrier3A)
    %eq3A_60 = arith.constant 0 : i32
    %eq3A_61 = arith.cmpi eq, %arg0, %eq3A_60 : i32
    %convert_element_type3A_62 = arith.extui %eq3A_61 : i1 to i32
    %cond3A_63 = arith.constant 0 : i32
    %cond3A_64 = arith.cmpi ne, %convert_element_type3A_62, %cond3A_63 : i32
    scf.if %cond3A_64 {
      %mul3A_70 = arith.constant 632 : i32
      %mul3A_71 = arith.muli %arg1, %mul3A_70 : i32
      %mul3A_72 = arith.constant 632 : i32
      %mul3A_73 = arith.muli %arg1, %mul3A_72 : i32
      "tpu.region"() ({
        %run_scoped3A = tpu.sem_alloc : memref<!tpu.dma_semaphore, #tpu.memory_space<semaphore_mem>>
        %dma_start3A_74 = arith.constant 0 : i32
        %dma_start3A_75 = tpu.memref_slice %arg6[%mul3A_73, %dma_start3A_74] : memref<10112x128xf32, #tpu.memory_space<hbm>> -> memref<632x128xf32, #tpu.memory_space<hbm>>
        %dma_start3A_76 = arith.constant 0 : i32
        %dma_start3A_77 = tpu.memref_slice %arg21[%mul3A_71, %dma_start3A_76] : memref<10112x128xf32, #tpu.memory_space<vmem_shared>> -> memref<632x128xf32, #tpu.memory_space<vmem_shared>>
        tpu.enqueue_dma source(%dma_start3A_77 : memref<632x128xf32, #tpu.memory_space<vmem_shared>>) target(%dma_start3A_75 : memref<632x128xf32, #tpu.memory_space<hbm>>) target_semaphore(%run_scoped3A : memref<!tpu.dma_semaphore, #tpu.memory_space<semaphore_mem>>)
        %dma_wait3A_78 = arith.constant 0 : i32
        %dma_wait3A_79 = tpu.memref_slice %arg6[%mul3A_73, %dma_wait3A_78] : memref<10112x128xf32, #tpu.memory_space<hbm>> -> memref<632x128xf32, #tpu.memory_space<hbm>>
        %dma_wait3A_80 = arith.constant 0 : i32
        %dma_wait3A_81 = tpu.memref_slice %arg21[%mul3A_71, %dma_wait3A_80] : memref<10112x128xf32, #tpu.memory_space<vmem_shared>> -> memref<632x128xf32, #tpu.memory_space<vmem_shared>>
        tpu.wait_dma2 semaphore(%run_scoped3A : memref<!tpu.dma_semaphore, #tpu.memory_space<semaphore_mem>>) src(%dma_wait3A_81 : memref<632x128xf32, #tpu.memory_space<vmem_shared>>) dst(%dma_wait3A_79 : memref<632x128xf32, #tpu.memory_space<hbm>>)
        tpu.yield
      }) : () -> ()
    } else {
    }
    %eq3A_65 = arith.constant 1 : i32
    %eq3A_66 = arith.cmpi eq, %arg0, %eq3A_65 : i32
    %convert_element_type3A_67 = arith.extui %eq3A_66 : i1 to i32
    %cond3A_68 = arith.constant 0 : i32
    %cond3A_69 = arith.cmpi ne, %convert_element_type3A_67, %cond3A_68 : i32
    scf.if %cond3A_69 {
      %mul3A_70 = arith.constant 632 : i32
      %mul3A_71 = arith.muli %arg1, %mul3A_70 : i32
      %mul3A_72 = arith.constant 632 : i32
      %mul3A_73 = arith.muli %arg1, %mul3A_72 : i32
      "tpu.region"() ({
        %run_scoped3A = tpu.sem_alloc : memref<!tpu.dma_semaphore, #tpu.memory_space<semaphore_mem>>
        %dma_start3A_74 = arith.constant 0 : i32
        %dma_start3A_75 = tpu.memref_slice %arg7[%mul3A_73, %dma_start3A_74] : memref<10112x128xf32, #tpu.memory_space<hbm>> -> memref<632x128xf32, #tpu.memory_space<hbm>>
        %dma_start3A_76 = arith.constant 0 : i32
        %dma_start3A_77 = tpu.memref_slice %arg21[%mul3A_71, %dma_start3A_76] : memref<10112x128xf32, #tpu.memory_space<vmem_shared>> -> memref<632x128xf32, #tpu.memory_space<vmem_shared>>
        tpu.enqueue_dma source(%dma_start3A_77 : memref<632x128xf32, #tpu.memory_space<vmem_shared>>) target(%dma_start3A_75 : memref<632x128xf32, #tpu.memory_space<hbm>>) target_semaphore(%run_scoped3A : memref<!tpu.dma_semaphore, #tpu.memory_space<semaphore_mem>>)
        %dma_wait3A_78 = arith.constant 0 : i32
        %dma_wait3A_79 = tpu.memref_slice %arg7[%mul3A_73, %dma_wait3A_78] : memref<10112x128xf32, #tpu.memory_space<hbm>> -> memref<632x128xf32, #tpu.memory_space<hbm>>
        %dma_wait3A_80 = arith.constant 0 : i32
        %dma_wait3A_81 = tpu.memref_slice %arg21[%mul3A_71, %dma_wait3A_80] : memref<10112x128xf32, #tpu.memory_space<vmem_shared>> -> memref<632x128xf32, #tpu.memory_space<vmem_shared>>
        tpu.wait_dma2 semaphore(%run_scoped3A : memref<!tpu.dma_semaphore, #tpu.memory_space<semaphore_mem>>) src(%dma_wait3A_81 : memref<632x128xf32, #tpu.memory_space<vmem_shared>>) dst(%dma_wait3A_79 : memref<632x128xf32, #tpu.memory_space<hbm>>)
        tpu.yield
      }) : () -> ()
    } else {
    }
    return
  }
}

#map = affine_map<(d0, d1) -> (0, 0)>
#map1 = affine_map<(d0, d1) -> (0)>
module attributes {stable_mosaic.version = 14 : i64} {
  func.func @_spmm(%arg0: i32, %arg1: i32, %arg2: memref<10000x128xf32, #tpu.memory_space<hbm>>, %arg3: memref<10000x128xf32, #tpu.memory_space<hbm>>, %arg4: memref<163840xi32, #tpu.memory_space<hbm>>, %arg5: memref<163840xi32, #tpu.memory_space<hbm>>, %arg6: memref<10112x128xf32, #tpu.memory_space<hbm>>, %arg7: memref<10112x128xf32, #tpu.memory_space<hbm>>, %arg8: memref<128xi32, #tpu.memory_space<vmem>>, %arg9: memref<128xi32, #tpu.memory_space<vmem>>, %arg10: memref<128xi32, #tpu.memory_space<vmem>>, %arg11: memref<128xi32, #tpu.memory_space<vmem>>, %arg12: memref<128x128xf32, #tpu.memory_space<vmem>>, %arg13: memref<128x128xf32, #tpu.memory_space<vmem>>, %arg14: memref<128x128xf32, #tpu.memory_space<vmem>>, %arg15: memref<!tpu.dma_semaphore, #tpu.memory_space<semaphore_mem>>, %arg16: memref<!tpu.dma_semaphore, #tpu.memory_space<semaphore_mem>>, %arg17: memref<!tpu.dma_semaphore, #tpu.memory_space<semaphore_mem>>, %arg18: memref<!tpu.dma_semaphore, #tpu.memory_space<semaphore_mem>>, %arg19: memref<!tpu.dma_semaphore, #tpu.memory_space<semaphore_mem>>, %arg20: memref<!tpu.dma_semaphore, #tpu.memory_space<semaphore_mem>>, %arg21: memref<10112x128xf32, #tpu.memory_space<vmem_shared>>) attributes {dimension_semantics = [#tpu.dimension_semantics<core_parallel>, #tpu.dimension_semantics<subcore_parallel>], iteration_bounds = array<i64: 2, 16>, scalar_prefetch = 0 : i64, scratch_operands = 14 : i64, tpu.core_type = #tpu.core_type<sc_vector_subcore>, window_params = [{transform_indices = #map}, {transform_indices = #map}, {transform_indices = #map1}, {transform_indices = #map1}, {transform_indices = #map}, {transform_indices = #map}]} {
    %scan3A = arith.constant 0 : i32
    %scan3A_0 = arith.constant 0 : i32
    %scan3A_1 = arith.constant 128 : i32
    %scan3A_2 = arith.addi %scan3A_0, %scan3A_1 : i32
    %scan3A_3 = arith.constant 1 : i32
    %scan3A_4 = scf.for %scan3A_70 = %scan3A_0 to %scan3A_2 step %scan3A_3 iter_args(%scan3A_71 = %scan3A) -> (i32)  : i32 {
      %broadcast_in_dim3A = arith.constant 0.000000e+00 : f32
      %broadcast_in_dim3A_72 = vector.broadcast %broadcast_in_dim3A : f32 to vector<16xf32>
      %swap3A = arith.index_cast %scan3A_70 : i32 to index
      %swap3A_73 = arith.constant 0 : index
      %swap3A_74 = tpu.vector_load %arg14[%swap3A, %swap3A_73] {strides = array<i32>} : memref<128x128xf32, #tpu.memory_space<vmem>>, vector<1x16xf32>,
      %swap3A_75 = vector.shape_cast %swap3A_74 : vector<1x16xf32> to vector<16xf32>
      %swap3A_76 = vector.shape_cast %broadcast_in_dim3A_72 : vector<16xf32> to vector<1x16xf32>
      tpu.vector_store %arg14[%swap3A, %swap3A_73], %swap3A_76 {strides = array<i32>} : memref<128x128xf32, #tpu.memory_space<vmem>>, vector<1x16xf32>,
      %broadcast_in_dim3A_77 = arith.constant 0.000000e+00 : f32
      %broadcast_in_dim3A_78 = vector.broadcast %broadcast_in_dim3A_77 : f32 to vector<16xf32>
      %swap3A_79 = arith.index_cast %scan3A_70 : i32 to index
      %swap3A_80 = arith.constant 16 : index
      %swap3A_81 = tpu.vector_load %arg14[%swap3A_79, %swap3A_80] {strides = array<i32>} : memref<128x128xf32, #tpu.memory_space<vmem>>, vector<1x16xf32>,
      %swap3A_82 = vector.shape_cast %swap3A_81 : vector<1x16xf32> to vector<16xf32>
      %swap3A_83 = vector.shape_cast %broadcast_in_dim3A_78 : vector<16xf32> to vector<1x16xf32>
      tpu.vector_store %arg14[%swap3A_79, %swap3A_80], %swap3A_83 {strides = array<i32>} : memref<128x128xf32, #tpu.memory_space<vmem>>, vector<1x16xf32>,
      %broadcast_in_dim3A_84 = arith.constant 0.000000e+00 : f32
      %broadcast_in_dim3A_85 = vector.broadcast %broadcast_in_dim3A_84 : f32 to vector<16xf32>
      %swap3A_86 = arith.index_cast %scan3A_70 : i32 to index
      %swap3A_87 = arith.constant 32 : index
      %swap3A_88 = tpu.vector_load %arg14[%swap3A_86, %swap3A_87] {strides = array<i32>} : memref<128x128xf32, #tpu.memory_space<vmem>>, vector<1x16xf32>,
      %swap3A_89 = vector.shape_cast %swap3A_88 : vector<1x16xf32> to vector<16xf32>
      %swap3A_90 = vector.shape_cast %broadcast_in_dim3A_85 : vector<16xf32> to vector<1x16xf32>
      tpu.vector_store %arg14[%swap3A_86, %swap3A_87], %swap3A_90 {strides = array<i32>} : memref<128x128xf32, #tpu.memory_space<vmem>>, vector<1x16xf32>,
      %broadcast_in_dim3A_91 = arith.constant 0.000000e+00 : f32
      %broadcast_in_dim3A_92 = vector.broadcast %broadcast_in_dim3A_91 : f32 to vector<16xf32>
      %swap3A_93 = arith.index_cast %scan3A_70 : i32 to index
      %swap3A_94 = arith.constant 48 : index
      %swap3A_95 = tpu.vector_load %arg14[%swap3A_93, %swap3A_94] {strides = array<i32>} : memref<128x128xf32, #tpu.memory_space<vmem>>, vector<1x16xf32>,
      %swap3A_96 = vector.shape_cast %swap3A_95 : vector<1x16xf32> to vector<16xf32>
      %swap3A_97 = vector.shape_cast %broadcast_in_dim3A_92 : vector<16xf32> to vector<1x16xf32>
      tpu.vector_store %arg14[%swap3A_93, %swap3A_94], %swap3A_97 {strides = array<i32>} : memref<128x128xf32, #tpu.memory_space<vmem>>, vector<1x16xf32>,
      %broadcast_in_dim3A_98 = arith.constant 0.000000e+00 : f32
      %broadcast_in_dim3A_99 = vector.broadcast %broadcast_in_dim3A_98 : f32 to vector<16xf32>
      %swap3A_100 = arith.index_cast %scan3A_70 : i32 to index
      %swap3A_101 = arith.constant 64 : index
      %swap3A_102 = tpu.vector_load %arg14[%swap3A_100, %swap3A_101] {strides = array<i32>} : memref<128x128xf32, #tpu.memory_space<vmem>>, vector<1x16xf32>,
      %swap3A_103 = vector.shape_cast %swap3A_102 : vector<1x16xf32> to vector<16xf32>
      %swap3A_104 = vector.shape_cast %broadcast_in_dim3A_99 : vector<16xf32> to vector<1x16xf32>
      tpu.vector_store %arg14[%swap3A_100, %swap3A_101], %swap3A_104 {strides = array<i32>} : memref<128x128xf32, #tpu.memory_space<vmem>>, vector<1x16xf32>,
      %broadcast_in_dim3A_105 = arith.constant 0.000000e+00 : f32
      %broadcast_in_dim3A_106 = vector.broadcast %broadcast_in_dim3A_105 : f32 to vector<16xf32>
      %swap3A_107 = arith.index_cast %scan3A_70 : i32 to index
      %swap3A_108 = arith.constant 80 : index
      %swap3A_109 = tpu.vector_load %arg14[%swap3A_107, %swap3A_108] {strides = array<i32>} : memref<128x128xf32, #tpu.memory_space<vmem>>, vector<1x16xf32>,
      %swap3A_110 = vector.shape_cast %swap3A_109 : vector<1x16xf32> to vector<16xf32>
      %swap3A_111 = vector.shape_cast %broadcast_in_dim3A_106 : vector<16xf32> to vector<1x16xf32>
      tpu.vector_store %arg14[%swap3A_107, %swap3A_108], %swap3A_111 {strides = array<i32>} : memref<128x128xf32, #tpu.memory_space<vmem>>, vector<1x16xf32>,
      %broadcast_in_dim3A_112 = arith.constant 0.000000e+00 : f32
      %broadcast_in_dim3A_113 = vector.broadcast %broadcast_in_dim3A_112 : f32 to vector<16xf32>
      %swap3A_114 = arith.index_cast %scan3A_70 : i32 to index
      %swap3A_115 = arith.constant 96 : index
      %swap3A_116 = tpu.vector_load %arg14[%swap3A_114, %swap3A_115] {strides = array<i32>} : memref<128x128xf32, #tpu.memory_space<vmem>>, vector<1x16xf32>,
      %swap3A_117 = vector.shape_cast %swap3A_116 : vector<1x16xf32> to vector<16xf32>
      %swap3A_118 = vector.shape_cast %broadcast_in_dim3A_113 : vector<16xf32> to vector<1x16xf32>
      tpu.vector_store %arg14[%swap3A_114, %swap3A_115], %swap3A_118 {strides = array<i32>} : memref<128x128xf32, #tpu.memory_space<vmem>>, vector<1x16xf32>,
      %broadcast_in_dim3A_119 = arith.constant 0.000000e+00 : f32
      %broadcast_in_dim3A_120 = vector.broadcast %broadcast_in_dim3A_119 : f32 to vector<16xf32>
      %swap3A_121 = arith.index_cast %scan3A_70 : i32 to index
      %swap3A_122 = arith.constant 112 : index
      %swap3A_123 = tpu.vector_load %arg14[%swap3A_121, %swap3A_122] {strides = array<i32>} : memref<128x128xf32, #tpu.memory_space<vmem>>, vector<1x16xf32>,
      %swap3A_124 = vector.shape_cast %swap3A_123 : vector<1x16xf32> to vector<16xf32>
      %swap3A_125 = vector.shape_cast %broadcast_in_dim3A_120 : vector<16xf32> to vector<1x16xf32>
      tpu.vector_store %arg14[%swap3A_121, %swap3A_122], %swap3A_125 {strides = array<i32>} : memref<128x128xf32, #tpu.memory_space<vmem>>, vector<1x16xf32>,
      %scan3A_126 = arith.constant 0 : i32
      scf.yield %scan3A_126 : i32
    }
    %scan3A_5 = arith.constant 128 : i32
    %mul3A = arith.constant 632 : i32
    %mul3A_6 = arith.muli %arg1, %mul3A : i32
    %add3A = arith.constant 0 : i32
    %add3A_7 = arith.addi %mul3A_6, %add3A : i32
    "tpu.region"() ({
      %run_scoped3A = tpu.sem_alloc : memref<!tpu.dma_semaphore, #tpu.memory_space<semaphore_mem>>
      %dma_start3A_70 = arith.constant 0 : i32
      %dma_start3A_71 = tpu.memref_slice %arg21[%add3A_7, %dma_start3A_70] : memref<10112x128xf32, #tpu.memory_space<vmem_shared>> -> memref<128x128xf32, #tpu.memory_space<vmem_shared>>
      %dma_start3A_72 = arith.constant 0 : i32
      %dma_start3A_73 = tpu.memref_slice %arg21[%add3A_7, %dma_start3A_72] : memref<10112x128xf32, #tpu.memory_space<vmem_shared>> -> memref<128x128xf32, #tpu.memory_space<vmem_shared>>
      tpu.enqueue_dma source(%arg14 : memref<128x128xf32, #tpu.memory_space<vmem>>) target(%dma_start3A_73 : memref<128x128xf32, #tpu.memory_space<vmem_shared>>) target_semaphore(%run_scoped3A : memref<!tpu.dma_semaphore, #tpu.memory_space<semaphore_mem>>)
      %dma_wait3A_74 = arith.constant 0 : i32
      %dma_wait3A_75 = tpu.memref_slice %arg21[%add3A_7, %dma_wait3A_74] : memref<10112x128xf32, #tpu.memory_space<vmem_shared>> -> memref<128x128xf32, #tpu.memory_space<vmem_shared>>
      %dma_wait3A_76 = arith.constant 0 : i32
      %dma_wait3A_77 = tpu.memref_slice %arg21[%add3A_7, %dma_wait3A_76] : memref<10112x128xf32, #tpu.memory_space<vmem_shared>> -> memref<128x128xf32, #tpu.memory_space<vmem_shared>>
      tpu.wait_dma2 semaphore(%run_scoped3A : memref<!tpu.dma_semaphore, #tpu.memory_space<semaphore_mem>>) src(%arg14 : memref<128x128xf32, #tpu.memory_space<vmem>>) dst(%dma_wait3A_77 : memref<128x128xf32, #tpu.memory_space<vmem_shared>>)
      tpu.yield
    }) : () -> ()
    %mul3A_8 = arith.constant 632 : i32
    %mul3A_9 = arith.muli %arg1, %mul3A_8 : i32
    %add3A_10 = arith.constant 128 : i32
    %add3A_11 = arith.addi %mul3A_9, %add3A_10 : i32
    "tpu.region"() ({
      %run_scoped3A = tpu.sem_alloc : memref<!tpu.dma_semaphore, #tpu.memory_space<semaphore_mem>>
      %dma_start3A_70 = arith.constant 0 : i32
      %dma_start3A_71 = tpu.memref_slice %arg21[%add3A_11, %dma_start3A_70] : memref<10112x128xf32, #tpu.memory_space<vmem_shared>> -> memref<128x128xf32, #tpu.memory_space<vmem_shared>>
      %dma_start3A_72 = arith.constant 0 : i32
      %dma_start3A_73 = tpu.memref_slice %arg21[%add3A_11, %dma_start3A_72] : memref<10112x128xf32, #tpu.memory_space<vmem_shared>> -> memref<128x128xf32, #tpu.memory_space<vmem_shared>>
      tpu.enqueue_dma source(%arg14 : memref<128x128xf32, #tpu.memory_space<vmem>>) target(%dma_start3A_73 : memref<128x128xf32, #tpu.memory_space<vmem_shared>>) target_semaphore(%run_scoped3A : memref<!tpu.dma_semaphore, #tpu.memory_space<semaphore_mem>>)
      %dma_wait3A_74 = arith.constant 0 : i32
      %dma_wait3A_75 = tpu.memref_slice %arg21[%add3A_11, %dma_wait3A_74] : memref<10112x128xf32, #tpu.memory_space<vmem_shared>> -> memref<128x128xf32, #tpu.memory_space<vmem_shared>>
      %dma_wait3A_76 = arith.constant 0 : i32
      %dma_wait3A_77 = tpu.memref_slice %arg21[%add3A_11, %dma_wait3A_76] : memref<10112x128xf32, #tpu.memory_space<vmem_shared>> -> memref<128x128xf32, #tpu.memory_space<vmem_shared>>
      tpu.wait_dma2 semaphore(%run_scoped3A : memref<!tpu.dma_semaphore, #tpu.memory_space<semaphore_mem>>) src(%arg14 : memref<128x128xf32, #tpu.memory_space<vmem>>) dst(%dma_wait3A_77 : memref<128x128xf32, #tpu.memory_space<vmem_shared>>)
      tpu.yield
    }) : () -> ()
    %mul3A_12 = arith.constant 632 : i32
    %mul3A_13 = arith.muli %arg1, %mul3A_12 : i32
    %add3A_14 = arith.constant 256 : i32
    %add3A_15 = arith.addi %mul3A_13, %add3A_14 : i32
    "tpu.region"() ({
      %run_scoped3A = tpu.sem_alloc : memref<!tpu.dma_semaphore, #tpu.memory_space<semaphore_mem>>
      %dma_start3A_70 = arith.constant 0 : i32
      %dma_start3A_71 = tpu.memref_slice %arg21[%add3A_15, %dma_start3A_70] : memref<10112x128xf32, #tpu.memory_space<vmem_shared>> -> memref<128x128xf32, #tpu.memory_space<vmem_shared>>
      %dma_start3A_72 = arith.constant 0 : i32
      %dma_start3A_73 = tpu.memref_slice %arg21[%add3A_15, %dma_start3A_72] : memref<10112x128xf32, #tpu.memory_space<vmem_shared>> -> memref<128x128xf32, #tpu.memory_space<vmem_shared>>
      tpu.enqueue_dma source(%arg14 : memref<128x128xf32, #tpu.memory_space<vmem>>) target(%dma_start3A_73 : memref<128x128xf32, #tpu.memory_space<vmem_shared>>) target_semaphore(%run_scoped3A : memref<!tpu.dma_semaphore, #tpu.memory_space<semaphore_mem>>)
      %dma_wait3A_74 = arith.constant 0 : i32
      %dma_wait3A_75 = tpu.memref_slice %arg21[%add3A_15, %dma_wait3A_74] : memref<10112x128xf32, #tpu.memory_space<vmem_shared>> -> memref<128x128xf32, #tpu.memory_space<vmem_shared>>
      %dma_wait3A_76 = arith.constant 0 : i32
      %dma_wait3A_77 = tpu.memref_slice %arg21[%add3A_15, %dma_wait3A_76] : memref<10112x128xf32, #tpu.memory_space<vmem_shared>> -> memref<128x128xf32, #tpu.memory_space<vmem_shared>>
      tpu.wait_dma2 semaphore(%run_scoped3A : memref<!tpu.dma_semaphore, #tpu.memory_space<semaphore_mem>>) src(%arg14 : memref<128x128xf32, #tpu.memory_space<vmem>>) dst(%dma_wait3A_77 : memref<128x128xf32, #tpu.memory_space<vmem_shared>>)
      tpu.yield
    }) : () -> ()
    %mul3A_16 = arith.constant 632 : i32
    %mul3A_17 = arith.muli %arg1, %mul3A_16 : i32
    %add3A_18 = arith.constant 384 : i32
    %add3A_19 = arith.addi %mul3A_17, %add3A_18 : i32
    "tpu.region"() ({
      %run_scoped3A = tpu.sem_alloc : memref<!tpu.dma_semaphore, #tpu.memory_space<semaphore_mem>>
      %dma_start3A_70 = arith.constant 0 : i32
      %dma_start3A_71 = tpu.memref_slice %arg21[%add3A_19, %dma_start3A_70] : memref<10112x128xf32, #tpu.memory_space<vmem_shared>> -> memref<128x128xf32, #tpu.memory_space<vmem_shared>>
      %dma_start3A_72 = arith.constant 0 : i32
      %dma_start3A_73 = tpu.memref_slice %arg21[%add3A_19, %dma_start3A_72] : memref<10112x128xf32, #tpu.memory_space<vmem_shared>> -> memref<128x128xf32, #tpu.memory_space<vmem_shared>>
      tpu.enqueue_dma source(%arg14 : memref<128x128xf32, #tpu.memory_space<vmem>>) target(%dma_start3A_73 : memref<128x128xf32, #tpu.memory_space<vmem_shared>>) target_semaphore(%run_scoped3A : memref<!tpu.dma_semaphore, #tpu.memory_space<semaphore_mem>>)
      %dma_wait3A_74 = arith.constant 0 : i32
      %dma_wait3A_75 = tpu.memref_slice %arg21[%add3A_19, %dma_wait3A_74] : memref<10112x128xf32, #tpu.memory_space<vmem_shared>> -> memref<128x128xf32, #tpu.memory_space<vmem_shared>>
      %dma_wait3A_76 = arith.constant 0 : i32
      %dma_wait3A_77 = tpu.memref_slice %arg21[%add3A_19, %dma_wait3A_76] : memref<10112x128xf32, #tpu.memory_space<vmem_shared>> -> memref<128x128xf32, #tpu.memory_space<vmem_shared>>
      tpu.wait_dma2 semaphore(%run_scoped3A : memref<!tpu.dma_semaphore, #tpu.memory_space<semaphore_mem>>) src(%arg14 : memref<128x128xf32, #tpu.memory_space<vmem>>) dst(%dma_wait3A_77 : memref<128x128xf32, #tpu.memory_space<vmem_shared>>)
      tpu.yield
    }) : () -> ()
    %mul3A_20 = arith.constant 632 : i32
    %mul3A_21 = arith.muli %arg1, %mul3A_20 : i32
    %add3A_22 = arith.constant 512 : i32
    %add3A_23 = arith.addi %mul3A_21, %add3A_22 : i32
    "tpu.region"() ({
      %run_scoped3A = tpu.sem_alloc : memref<!tpu.dma_semaphore, #tpu.memory_space<semaphore_mem>>
      %dma_start3A_70 = arith.constant 0 : i32
      %dma_start3A_71 = arith.constant 0 : i32
      %dma_start3A_72 = tpu.memref_slice %arg14[%dma_start3A_70, %dma_start3A_71] : memref<128x128xf32, #tpu.memory_space<vmem>> -> memref<120x128xf32, #tpu.memory_space<vmem>>
      %dma_start3A_73 = arith.constant 0 : i32
      %dma_start3A_74 = tpu.memref_slice %arg21[%add3A_23, %dma_start3A_73] : memref<10112x128xf32, #tpu.memory_space<vmem_shared>> -> memref<120x128xf32, #tpu.memory_space<vmem_shared>>
      %dma_start3A_75 = arith.constant 0 : i32
      %dma_start3A_76 = tpu.memref_slice %arg21[%add3A_23, %dma_start3A_75] : memref<10112x128xf32, #tpu.memory_space<vmem_shared>> -> memref<120x128xf32, #tpu.memory_space<vmem_shared>>
      %dma_start3A_77 = arith.constant 0 : i32
      %dma_start3A_78 = arith.constant 0 : i32
      %dma_start3A_79 = tpu.memref_slice %arg14[%dma_start3A_77, %dma_start3A_78] : memref<128x128xf32, #tpu.memory_space<vmem>> -> memref<120x128xf32, #tpu.memory_space<vmem>>
      tpu.enqueue_dma source(%dma_start3A_79 : memref<120x128xf32, #tpu.memory_space<vmem>>) target(%dma_start3A_76 : memref<120x128xf32, #tpu.memory_space<vmem_shared>>) target_semaphore(%run_scoped3A : memref<!tpu.dma_semaphore, #tpu.memory_space<semaphore_mem>>)
      %dma_wait3A_80 = arith.constant 0 : i32
      %dma_wait3A_81 = arith.constant 0 : i32
      %dma_wait3A_82 = tpu.memref_slice %arg14[%dma_wait3A_80, %dma_wait3A_81] : memref<128x128xf32, #tpu.memory_space<vmem>> -> memref<120x128xf32, #tpu.memory_space<vmem>>
      %dma_wait3A_83 = arith.constant 0 : i32
      %dma_wait3A_84 = tpu.memref_slice %arg21[%add3A_23, %dma_wait3A_83] : memref<10112x128xf32, #tpu.memory_space<vmem_shared>> -> memref<120x128xf32, #tpu.memory_space<vmem_shared>>
      %dma_wait3A_85 = arith.constant 0 : i32
      %dma_wait3A_86 = tpu.memref_slice %arg21[%add3A_23, %dma_wait3A_85] : memref<10112x128xf32, #tpu.memory_space<vmem_shared>> -> memref<120x128xf32, #tpu.memory_space<vmem_shared>>
      %dma_wait3A_87 = arith.constant 0 : i32
      %dma_wait3A_88 = arith.constant 0 : i32
      %dma_wait3A_89 = tpu.memref_slice %arg14[%dma_wait3A_87, %dma_wait3A_88] : memref<128x128xf32, #tpu.memory_space<vmem>> -> memref<120x128xf32, #tpu.memory_space<vmem>>
      tpu.wait_dma2 semaphore(%run_scoped3A : memref<!tpu.dma_semaphore, #tpu.memory_space<semaphore_mem>>) src(%dma_wait3A_89 : memref<120x128xf32, #tpu.memory_space<vmem>>) dst(%dma_wait3A_86 : memref<120x128xf32, #tpu.memory_space<vmem_shared>>)
      tpu.yield
    }) : () -> ()
    %mul3A_24 = arith.constant 80 : i32
    %mul3A_25 = arith.muli %arg1, %mul3A_24 : i32
    %mul3A_26 = arith.constant 128 : i32
    %mul3A_27 = arith.muli %mul3A_25, %mul3A_26 : i32
    %add3A_28 = arith.constant 0 : i32
    %add3A_29 = arith.addi %mul3A_27, %add3A_28 : i32
    %dma_start3A = tpu.memref_slice %arg4[%add3A_29] : memref<163840xi32, #tpu.memory_space<hbm>> -> memref<128xi32, #tpu.memory_space<hbm>>
    %dma_start3A_30 = tpu.memref_slice %arg4[%add3A_29] : memref<163840xi32, #tpu.memory_space<hbm>> -> memref<128xi32, #tpu.memory_space<hbm>>
    tpu.enqueue_dma source(%dma_start3A_30 : memref<128xi32, #tpu.memory_space<hbm>>) target(%arg8 : memref<128xi32, #tpu.memory_space<vmem>>) target_semaphore(%arg15 : memref<!tpu.dma_semaphore, #tpu.memory_space<semaphore_mem>>)
    %dma_start3A_31 = tpu.memref_slice %arg5[%add3A_29] : memref<163840xi32, #tpu.memory_space<hbm>> -> memref<128xi32, #tpu.memory_space<hbm>>
    %dma_start3A_32 = tpu.memref_slice %arg5[%add3A_29] : memref<163840xi32, #tpu.memory_space<hbm>> -> memref<128xi32, #tpu.memory_space<hbm>>
    tpu.enqueue_dma source(%dma_start3A_32 : memref<128xi32, #tpu.memory_space<hbm>>) target(%arg10 : memref<128xi32, #tpu.memory_space<vmem>>) target_semaphore(%arg15 : memref<!tpu.dma_semaphore, #tpu.memory_space<semaphore_mem>>)
    %dma_wait3A = arith.constant 0 : i32
    %dma_wait3A_33 = tpu.memref_slice %arg4[%dma_wait3A] : memref<163840xi32, #tpu.memory_space<hbm>> -> memref<128xi32, #tpu.memory_space<hbm>>
    %dma_wait3A_34 = arith.constant 0 : i32
    %dma_wait3A_35 = tpu.memref_slice %arg4[%dma_wait3A_34] : memref<163840xi32, #tpu.memory_space<hbm>> -> memref<128xi32, #tpu.memory_space<hbm>>
    tpu.wait_dma2 semaphore(%arg15 : memref<!tpu.dma_semaphore, #tpu.memory_space<semaphore_mem>>) src(%dma_wait3A_35 : memref<128xi32, #tpu.memory_space<hbm>>) dst(%arg8 : memref<128xi32, #tpu.memory_space<vmem>>)
    %dma_wait3A_36 = arith.constant 0 : i32
    %dma_wait3A_37 = tpu.memref_slice %arg4[%dma_wait3A_36] : memref<163840xi32, #tpu.memory_space<hbm>> -> memref<128xi32, #tpu.memory_space<hbm>>
    %dma_wait3A_38 = arith.constant 0 : i32
    %dma_wait3A_39 = tpu.memref_slice %arg4[%dma_wait3A_38] : memref<163840xi32, #tpu.memory_space<hbm>> -> memref<128xi32, #tpu.memory_space<hbm>>
    tpu.wait_dma2 semaphore(%arg15 : memref<!tpu.dma_semaphore, #tpu.memory_space<semaphore_mem>>) src(%dma_wait3A_39 : memref<128xi32, #tpu.memory_space<hbm>>) dst(%arg10 : memref<128xi32, #tpu.memory_space<vmem>>)
    %eq3A = arith.constant 0 : i32
    %eq3A_40 = arith.cmpi eq, %arg0, %eq3A : i32
    %convert_element_type3A = arith.extui %eq3A_40 : i1 to i32
    %cond3A = arith.constant 0 : i32
    %cond3A_41 = arith.cmpi ne, %convert_element_type3A, %cond3A : i32
    scf.if %cond3A_41 {
      %dma_start3A_70 = arith.constant 0 : i32
      %dma_start3A_71 = arith.constant 0 : i32
      %dma_start3A_72 = tpu.memref_slice %arg2[%dma_start3A_70, %dma_start3A_71] : memref<10000x128xf32, #tpu.memory_space<hbm>> -> memref<10000x128xf32, #tpu.memory_space<hbm>>
      tpu.enqueue_indirect_dma source(%dma_start3A_72 : memref<10000x128xf32, #tpu.memory_space<hbm>>) target(%arg12 : memref<128x128xf32, #tpu.memory_space<vmem>>) offsets(%arg8 : memref<128xi32, #tpu.memory_space<vmem>>) semaphore(%arg17 : memref<!tpu.dma_semaphore, #tpu.memory_space<semaphore_mem>>)
    } else {
    }
    %eq3A_42 = arith.constant 1 : i32
    %eq3A_43 = arith.cmpi eq, %arg0, %eq3A_42 : i32
    %convert_element_type3A_44 = arith.extui %eq3A_43 : i1 to i32
    %cond3A_45 = arith.constant 0 : i32
    %cond3A_46 = arith.cmpi ne, %convert_element_type3A_44, %cond3A_45 : i32
    scf.if %cond3A_46 {
      %dma_start3A_70 = arith.constant 0 : i32
      %dma_start3A_71 = arith.constant 0 : i32
      %dma_start3A_72 = tpu.memref_slice %arg3[%dma_start3A_70, %dma_start3A_71] : memref<10000x128xf32, #tpu.memory_space<hbm>> -> memref<10000x128xf32, #tpu.memory_space<hbm>>
      tpu.enqueue_indirect_dma source(%dma_start3A_72 : memref<10000x128xf32, #tpu.memory_space<hbm>>) target(%arg12 : memref<128x128xf32, #tpu.memory_space<vmem>>) offsets(%arg8 : memref<128xi32, #tpu.memory_space<vmem>>) semaphore(%arg17 : memref<!tpu.dma_semaphore, #tpu.memory_space<semaphore_mem>>)
    } else {
    }
    %scan3A_47 = arith.constant 0 : i32
    %scan3A_48 = arith.constant 0 : i32
    %scan3A_49 = arith.constant 40 : i32
    %scan3A_50 = arith.addi %scan3A_48, %scan3A_49 : i32
    %scan3A_51 = arith.constant 1 : i32
    %scan3A_52 = scf.for %scan3A_70 = %scan3A_48 to %scan3A_50 step %scan3A_51 iter_args(%scan3A_71 = %scan3A_47) -> (i32)  : i32 {
      %mul3A_72 = arith.constant 2 : i32
      %mul3A_73 = arith.muli %scan3A_70, %mul3A_72 : i32
      %add3A_74 = arith.constant 0 : i32
      %add3A_75 = arith.addi %mul3A_73, %add3A_74 : i32
      %ge3A = arith.constant 1 : i32
      %ge3A_76 = arith.cmpi sge, %add3A_75, %ge3A : i32
      %convert_element_type3A_77 = arith.extui %ge3A_76 : i1 to i32
      %cond3A_78 = arith.constant 0 : i32
      %cond3A_79 = arith.cmpi ne, %convert_element_type3A_77, %cond3A_78 : i32
      scf.if %cond3A_79 {
        %dma_wait3A_135 = arith.constant 0 : i32
        %dma_wait3A_136 = arith.constant 0 : i32
        %dma_wait3A_137 = tpu.memref_slice %arg2[%dma_wait3A_135, %dma_wait3A_136] : memref<10000x128xf32, #tpu.memory_space<hbm>> -> memref<128x128xf32, #tpu.memory_space<hbm>>
        %dma_wait3A_138 = arith.constant 0 : i32
        %dma_wait3A_139 = arith.constant 0 : i32
        %dma_wait3A_140 = tpu.memref_slice %arg2[%dma_wait3A_138, %dma_wait3A_139] : memref<10000x128xf32, #tpu.memory_space<hbm>> -> memref<128x128xf32, #tpu.memory_space<hbm>>
        tpu.wait_dma2 semaphore(%arg20 : memref<!tpu.dma_semaphore, #tpu.memory_space<semaphore_mem>>) src(%dma_wait3A_140 : memref<128x128xf32, #tpu.memory_space<hbm>>) dst(%arg13 : memref<128x128xf32, #tpu.memory_space<vmem>>)
      } else {
      }
      %add3A_80 = arith.constant 1 : i32
      %add3A_81 = arith.addi %add3A_75, %add3A_80 : i32
      %lt3A = arith.constant 80 : i32
      %lt3A_82 = arith.cmpi slt, %add3A_81, %lt3A : i32
      %convert_element_type3A_83 = arith.extui %lt3A_82 : i1 to i32
      %cond3A_84 = arith.constant 0 : i32
      %cond3A_85 = arith.cmpi ne, %convert_element_type3A_83, %cond3A_84 : i32
      scf.if %cond3A_85 {
        %add3A_135 = arith.constant 1 : i32
        %add3A_136 = arith.addi %add3A_75, %add3A_135 : i32
        %mul3A_137 = arith.constant 128 : i32
        %mul3A_138 = arith.muli %add3A_136, %mul3A_137 : i32
        %add3A_139 = arith.addi %mul3A_27, %mul3A_138 : i32
        %dma_start3A_140 = tpu.memref_slice %arg4[%add3A_139] : memref<163840xi32, #tpu.memory_space<hbm>> -> memref<128xi32, #tpu.memory_space<hbm>>
        %dma_start3A_141 = tpu.memref_slice %arg4[%add3A_139] : memref<163840xi32, #tpu.memory_space<hbm>> -> memref<128xi32, #tpu.memory_space<hbm>>
        tpu.enqueue_dma source(%dma_start3A_141 : memref<128xi32, #tpu.memory_space<hbm>>) target(%arg9 : memref<128xi32, #tpu.memory_space<vmem>>) target_semaphore(%arg16 : memref<!tpu.dma_semaphore, #tpu.memory_space<semaphore_mem>>)
        %dma_start3A_142 = tpu.memref_slice %arg5[%add3A_139] : memref<163840xi32, #tpu.memory_space<hbm>> -> memref<128xi32, #tpu.memory_space<hbm>>
        %dma_start3A_143 = tpu.memref_slice %arg5[%add3A_139] : memref<163840xi32, #tpu.memory_space<hbm>> -> memref<128xi32, #tpu.memory_space<hbm>>
        tpu.enqueue_dma source(%dma_start3A_143 : memref<128xi32, #tpu.memory_space<hbm>>) target(%arg11 : memref<128xi32, #tpu.memory_space<vmem>>) target_semaphore(%arg16 : memref<!tpu.dma_semaphore, #tpu.memory_space<semaphore_mem>>)
      } else {
      }
      %dma_wait3A_86 = arith.constant 0 : i32
      %dma_wait3A_87 = arith.constant 0 : i32
      %dma_wait3A_88 = tpu.memref_slice %arg2[%dma_wait3A_86, %dma_wait3A_87] : memref<10000x128xf32, #tpu.memory_space<hbm>> -> memref<128x128xf32, #tpu.memory_space<hbm>>
      %dma_wait3A_89 = arith.constant 0 : i32
      %dma_wait3A_90 = arith.constant 0 : i32
      %dma_wait3A_91 = tpu.memref_slice %arg2[%dma_wait3A_89, %dma_wait3A_90] : memref<10000x128xf32, #tpu.memory_space<hbm>> -> memref<128x128xf32, #tpu.memory_space<hbm>>
      tpu.wait_dma2 semaphore(%arg17 : memref<!tpu.dma_semaphore, #tpu.memory_space<semaphore_mem>>) src(%dma_wait3A_91 : memref<128x128xf32, #tpu.memory_space<hbm>>) dst(%arg12 : memref<128x128xf32, #tpu.memory_space<vmem>>)
      %dma_start3A_92 = arith.constant 0 : i32
      %dma_start3A_93 = arith.constant 0 : i32
      %dma_start3A_94 = tpu.memref_slice %arg21[%dma_start3A_92, %dma_start3A_93] : memref<10112x128xf32, #tpu.memory_space<vmem_shared>> -> memref<10112x128xf32, #tpu.memory_space<vmem_shared>>
      tpu.enqueue_indirect_dma source(%arg12 : memref<128x128xf32, #tpu.memory_space<vmem>>) target(%dma_start3A_94 : memref<10112x128xf32, #tpu.memory_space<vmem_shared>>) offsets(%arg10 : memref<128xi32, #tpu.memory_space<vmem>>) semaphore(%arg19 : memref<!tpu.dma_semaphore, #tpu.memory_space<semaphore_mem>>) {add = true}
      %add3A_95 = arith.constant 1 : i32
      %add3A_96 = arith.addi %add3A_75, %add3A_95 : i32
      %lt3A_97 = arith.constant 80 : i32
      %lt3A_98 = arith.cmpi slt, %add3A_96, %lt3A_97 : i32
      %convert_element_type3A_99 = arith.extui %lt3A_98 : i1 to i32
      %cond3A_100 = arith.constant 0 : i32
      %cond3A_101 = arith.cmpi ne, %convert_element_type3A_99, %cond3A_100 : i32
      scf.if %cond3A_101 {
        %dma_wait3A_135 = arith.constant 0 : i32
        %dma_wait3A_136 = tpu.memref_slice %arg4[%dma_wait3A_135] : memref<163840xi32, #tpu.memory_space<hbm>> -> memref<128xi32, #tpu.memory_space<hbm>>
        %dma_wait3A_137 = arith.constant 0 : i32
        %dma_wait3A_138 = tpu.memref_slice %arg4[%dma_wait3A_137] : memref<163840xi32, #tpu.memory_space<hbm>> -> memref<128xi32, #tpu.memory_space<hbm>>
        tpu.wait_dma2 semaphore(%arg16 : memref<!tpu.dma_semaphore, #tpu.memory_space<semaphore_mem>>) src(%dma_wait3A_138 : memref<128xi32, #tpu.memory_space<hbm>>) dst(%arg9 : memref<128xi32, #tpu.memory_space<vmem>>)
        %dma_wait3A_139 = arith.constant 0 : i32
        %dma_wait3A_140 = tpu.memref_slice %arg4[%dma_wait3A_139] : memref<163840xi32, #tpu.memory_space<hbm>> -> memref<128xi32, #tpu.memory_space<hbm>>
        %dma_wait3A_141 = arith.constant 0 : i32
        %dma_wait3A_142 = tpu.memref_slice %arg4[%dma_wait3A_141] : memref<163840xi32, #tpu.memory_space<hbm>> -> memref<128xi32, #tpu.memory_space<hbm>>
        tpu.wait_dma2 semaphore(%arg16 : memref<!tpu.dma_semaphore, #tpu.memory_space<semaphore_mem>>) src(%dma_wait3A_142 : memref<128xi32, #tpu.memory_space<hbm>>) dst(%arg11 : memref<128xi32, #tpu.memory_space<vmem>>)
        %eq3A_143 = arith.constant 0 : i32
        %eq3A_144 = arith.cmpi eq, %arg0, %eq3A_143 : i32
        %convert_element_type3A_145 = arith.extui %eq3A_144 : i1 to i32
        %cond3A_146 = arith.constant 0 : i32
        %cond3A_147 = arith.cmpi ne, %convert_element_type3A_145, %cond3A_146 : i32
        scf.if %cond3A_147 {
          %dma_start3A_153 = arith.constant 0 : i32
          %dma_start3A_154 = arith.constant 0 : i32
          %dma_start3A_155 = tpu.memref_slice %arg2[%dma_start3A_153, %dma_start3A_154] : memref<10000x128xf32, #tpu.memory_space<hbm>> -> memref<10000x128xf32, #tpu.memory_space<hbm>>
          tpu.enqueue_indirect_dma source(%dma_start3A_155 : memref<10000x128xf32, #tpu.memory_space<hbm>>) target(%arg13 : memref<128x128xf32, #tpu.memory_space<vmem>>) offsets(%arg9 : memref<128xi32, #tpu.memory_space<vmem>>) semaphore(%arg18 : memref<!tpu.dma_semaphore, #tpu.memory_space<semaphore_mem>>)
        } else {
        }
        %eq3A_148 = arith.constant 1 : i32
        %eq3A_149 = arith.cmpi eq, %arg0, %eq3A_148 : i32
        %convert_element_type3A_150 = arith.extui %eq3A_149 : i1 to i32
        %cond3A_151 = arith.constant 0 : i32
        %cond3A_152 = arith.cmpi ne, %convert_element_type3A_150, %cond3A_151 : i32
        scf.if %cond3A_152 {
          %dma_start3A_153 = arith.constant 0 : i32
          %dma_start3A_154 = arith.constant 0 : i32
          %dma_start3A_155 = tpu.memref_slice %arg3[%dma_start3A_153, %dma_start3A_154] : memref<10000x128xf32, #tpu.memory_space<hbm>> -> memref<10000x128xf32, #tpu.memory_space<hbm>>
          tpu.enqueue_indirect_dma source(%dma_start3A_155 : memref<10000x128xf32, #tpu.memory_space<hbm>>) target(%arg13 : memref<128x128xf32, #tpu.memory_space<vmem>>) offsets(%arg9 : memref<128xi32, #tpu.memory_space<vmem>>) semaphore(%arg18 : memref<!tpu.dma_semaphore, #tpu.memory_space<semaphore_mem>>)
        } else {
        }
      } else {
      }
      %mul3A_102 = arith.constant 2 : i32
      %mul3A_103 = arith.muli %scan3A_70, %mul3A_102 : i32
      %add3A_104 = arith.constant 1 : i32
      %add3A_105 = arith.addi %mul3A_103, %add3A_104 : i32
      %ge3A_106 = arith.constant 1 : i32
      %ge3A_107 = arith.cmpi sge, %add3A_105, %ge3A_106 : i32
      %convert_element_type3A_108 = arith.extui %ge3A_107 : i1 to i32
      %cond3A_109 = arith.constant 0 : i32
      %cond3A_110 = arith.cmpi ne, %convert_element_type3A_108, %cond3A_109 : i32
      scf.if %cond3A_110 {
        %dma_wait3A_135 = arith.constant 0 : i32
        %dma_wait3A_136 = arith.constant 0 : i32
        %dma_wait3A_137 = tpu.memref_slice %arg2[%dma_wait3A_135, %dma_wait3A_136] : memref<10000x128xf32, #tpu.memory_space<hbm>> -> memref<128x128xf32, #tpu.memory_space<hbm>>
        %dma_wait3A_138 = arith.constant 0 : i32
        %dma_wait3A_139 = arith.constant 0 : i32
        %dma_wait3A_140 = tpu.memref_slice %arg2[%dma_wait3A_138, %dma_wait3A_139] : memref<10000x128xf32, #tpu.memory_space<hbm>> -> memref<128x128xf32, #tpu.memory_space<hbm>>
        tpu.wait_dma2 semaphore(%arg19 : memref<!tpu.dma_semaphore, #tpu.memory_space<semaphore_mem>>) src(%dma_wait3A_140 : memref<128x128xf32, #tpu.memory_space<hbm>>) dst(%arg12 : memref<128x128xf32, #tpu.memory_space<vmem>>)
      } else {
      }
      %add3A_111 = arith.constant 1 : i32
      %add3A_112 = arith.addi %add3A_105, %add3A_111 : i32
      %lt3A_113 = arith.constant 80 : i32
      %lt3A_114 = arith.cmpi slt, %add3A_112, %lt3A_113 : i32
      %convert_element_type3A_115 = arith.extui %lt3A_114 : i1 to i32
      %cond3A_116 = arith.constant 0 : i32
      %cond3A_117 = arith.cmpi ne, %convert_element_type3A_115, %cond3A_116 : i32
      scf.if %cond3A_117 {
        %add3A_135 = arith.constant 1 : i32
        %add3A_136 = arith.addi %add3A_105, %add3A_135 : i32
        %mul3A_137 = arith.constant 128 : i32
        %mul3A_138 = arith.muli %add3A_136, %mul3A_137 : i32
        %add3A_139 = arith.addi %mul3A_27, %mul3A_138 : i32
        %dma_start3A_140 = tpu.memref_slice %arg4[%add3A_139] : memref<163840xi32, #tpu.memory_space<hbm>> -> memref<128xi32, #tpu.memory_space<hbm>>
        %dma_start3A_141 = tpu.memref_slice %arg4[%add3A_139] : memref<163840xi32, #tpu.memory_space<hbm>> -> memref<128xi32, #tpu.memory_space<hbm>>
        tpu.enqueue_dma source(%dma_start3A_141 : memref<128xi32, #tpu.memory_space<hbm>>) target(%arg8 : memref<128xi32, #tpu.memory_space<vmem>>) target_semaphore(%arg15 : memref<!tpu.dma_semaphore, #tpu.memory_space<semaphore_mem>>)
        %dma_start3A_142 = tpu.memref_slice %arg5[%add3A_139] : memref<163840xi32, #tpu.memory_space<hbm>> -> memref<128xi32, #tpu.memory_space<hbm>>
        %dma_start3A_143 = tpu.memref_slice %arg5[%add3A_139] : memref<163840xi32, #tpu.memory_space<hbm>> -> memref<128xi32, #tpu.memory_space<hbm>>
        tpu.enqueue_dma source(%dma_start3A_143 : memref<128xi32, #tpu.memory_space<hbm>>) target(%arg10 : memref<128xi32, #tpu.memory_space<vmem>>) target_semaphore(%arg15 : memref<!tpu.dma_semaphore, #tpu.memory_space<semaphore_mem>>)
      } else {
      }
      %dma_wait3A_118 = arith.constant 0 : i32
      %dma_wait3A_119 = arith.constant 0 : i32
      %dma_wait3A_120 = tpu.memref_slice %arg2[%dma_wait3A_118, %dma_wait3A_119] : memref<10000x128xf32, #tpu.memory_space<hbm>> -> memref<128x128xf32, #tpu.memory_space<hbm>>
      %dma_wait3A_121 = arith.constant 0 : i32
      %dma_wait3A_122 = arith.constant 0 : i32
      %dma_wait3A_123 = tpu.memref_slice %arg2[%dma_wait3A_121, %dma_wait3A_122] : memref<10000x128xf32, #tpu.memory_space<hbm>> -> memref<128x128xf32, #tpu.memory_space<hbm>>
      tpu.wait_dma2 semaphore(%arg18 : memref<!tpu.dma_semaphore, #tpu.memory_space<semaphore_mem>>) src(%dma_wait3A_123 : memref<128x128xf32, #tpu.memory_space<hbm>>) dst(%arg13 : memref<128x128xf32, #tpu.memory_space<vmem>>)
      %dma_start3A_124 = arith.constant 0 : i32
      %dma_start3A_125 = arith.constant 0 : i32
      %dma_start3A_126 = tpu.memref_slice %arg21[%dma_start3A_124, %dma_start3A_125] : memref<10112x128xf32, #tpu.memory_space<vmem_shared>> -> memref<10112x128xf32, #tpu.memory_space<vmem_shared>>
      tpu.enqueue_indirect_dma source(%arg13 : memref<128x128xf32, #tpu.memory_space<vmem>>) target(%dma_start3A_126 : memref<10112x128xf32, #tpu.memory_space<vmem_shared>>) offsets(%arg11 : memref<128xi32, #tpu.memory_space<vmem>>) semaphore(%arg20 : memref<!tpu.dma_semaphore, #tpu.memory_space<semaphore_mem>>) {add = true}
      %add3A_127 = arith.constant 1 : i32
      %add3A_128 = arith.addi %add3A_105, %add3A_127 : i32
      %lt3A_129 = arith.constant 80 : i32
      %lt3A_130 = arith.cmpi slt, %add3A_128, %lt3A_129 : i32
      %convert_element_type3A_131 = arith.extui %lt3A_130 : i1 to i32
      %cond3A_132 = arith.constant 0 : i32
      %cond3A_133 = arith.cmpi ne, %convert_element_type3A_131, %cond3A_132 : i32
      scf.if %cond3A_133 {
        %dma_wait3A_135 = arith.constant 0 : i32
        %dma_wait3A_136 = tpu.memref_slice %arg4[%dma_wait3A_135] : memref<163840xi32, #tpu.memory_space<hbm>> -> memref<128xi32, #tpu.memory_space<hbm>>
        %dma_wait3A_137 = arith.constant 0 : i32
        %dma_wait3A_138 = tpu.memref_slice %arg4[%dma_wait3A_137] : memref<163840xi32, #tpu.memory_space<hbm>> -> memref<128xi32, #tpu.memory_space<hbm>>
        tpu.wait_dma2 semaphore(%arg15 : memref<!tpu.dma_semaphore, #tpu.memory_space<semaphore_mem>>) src(%dma_wait3A_138 : memref<128xi32, #tpu.memory_space<hbm>>) dst(%arg8 : memref<128xi32, #tpu.memory_space<vmem>>)
        %dma_wait3A_139 = arith.constant 0 : i32
        %dma_wait3A_140 = tpu.memref_slice %arg4[%dma_wait3A_139] : memref<163840xi32, #tpu.memory_space<hbm>> -> memref<128xi32, #tpu.memory_space<hbm>>
        %dma_wait3A_141 = arith.constant 0 : i32
        %dma_wait3A_142 = tpu.memref_slice %arg4[%dma_wait3A_141] : memref<163840xi32, #tpu.memory_space<hbm>> -> memref<128xi32, #tpu.memory_space<hbm>>
        tpu.wait_dma2 semaphore(%arg15 : memref<!tpu.dma_semaphore, #tpu.memory_space<semaphore_mem>>) src(%dma_wait3A_142 : memref<128xi32, #tpu.memory_space<hbm>>) dst(%arg10 : memref<128xi32, #tpu.memory_space<vmem>>)
        %eq3A_143 = arith.constant 0 : i32
        %eq3A_144 = arith.cmpi eq, %arg0, %eq3A_143 : i32
        %convert_element_type3A_145 = arith.extui %eq3A_144 : i1 to i32
        %cond3A_146 = arith.constant 0 : i32
        %cond3A_147 = arith.cmpi ne, %convert_element_type3A_145, %cond3A_146 : i32
        scf.if %cond3A_147 {
          %dma_start3A_153 = arith.constant 0 : i32
          %dma_start3A_154 = arith.constant 0 : i32
          %dma_start3A_155 = tpu.memref_slice %arg2[%dma_start3A_153, %dma_start3A_154] : memref<10000x128xf32, #tpu.memory_space<hbm>> -> memref<10000x128xf32, #tpu.memory_space<hbm>>
          tpu.enqueue_indirect_dma source(%dma_start3A_155 : memref<10000x128xf32, #tpu.memory_space<hbm>>) target(%arg12 : memref<128x128xf32, #tpu.memory_space<vmem>>) offsets(%arg8 : memref<128xi32, #tpu.memory_space<vmem>>) semaphore(%arg17 : memref<!tpu.dma_semaphore, #tpu.memory_space<semaphore_mem>>)
        } else {
        }
        %eq3A_148 = arith.constant 1 : i32
        %eq3A_149 = arith.cmpi eq, %arg0, %eq3A_148 : i32
        %convert_element_type3A_150 = arith.extui %eq3A_149 : i1 to i32
        %cond3A_151 = arith.constant 0 : i32
        %cond3A_152 = arith.cmpi ne, %convert_element_type3A_150, %cond3A_151 : i32
        scf.if %cond3A_152 {
          %dma_start3A_153 = arith.constant 0 : i32
          %dma_start3A_154 = arith.constant 0 : i32
          %dma_start3A_155 = tpu.memref_slice %arg3[%dma_start3A_153, %dma_start3A_154] : memref<10000x128xf32, #tpu.memory_space<hbm>> -> memref<10000x128xf32, #tpu.memory_space<hbm>>
          tpu.enqueue_indirect_dma source(%dma_start3A_155 : memref<10000x128xf32, #tpu.memory_space<hbm>>) target(%arg12 : memref<128x128xf32, #tpu.memory_space<vmem>>) offsets(%arg8 : memref<128xi32, #tpu.memory_space<vmem>>) semaphore(%arg17 : memref<!tpu.dma_semaphore, #tpu.memory_space<semaphore_mem>>)
        } else {
        }
      } else {
      }
      %scan3A_134 = arith.constant 0 : i32
      scf.yield %scan3A_134 : i32
    }
    %scan3A_53 = arith.constant 40 : i32
    %dma_wait3A_54 = arith.constant 0 : i32
    %dma_wait3A_55 = arith.constant 0 : i32
    %dma_wait3A_56 = tpu.memref_slice %arg2[%dma_wait3A_54, %dma_wait3A_55] : memref<10000x128xf32, #tpu.memory_space<hbm>> -> memref<128x128xf32, #tpu.memory_space<hbm>>
    %dma_wait3A_57 = arith.constant 0 : i32
    %dma_wait3A_58 = arith.constant 0 : i32
    %dma_wait3A_59 = tpu.memref_slice %arg2[%dma_wait3A_57, %dma_wait3A_58] : memref<10000x128xf32, #tpu.memory_space<hbm>> -> memref<128x128xf32, #tpu.memory_space<hbm>>
    tpu.wait_dma2 semaphore(%arg20 : memref<!tpu.dma_semaphore, #tpu.memory_space<semaphore_mem>>) src(%dma_wait3A_59 : memref<128x128xf32, #tpu.memory_space<hbm>>) dst(%arg13 : memref<128x128xf32, #tpu.memory_space<vmem>>)
    %barrier3A = arith.constant 0 : index
    tpu.barrier barrier_id(%barrier3A)
    %eq3A_60 = arith.constant 0 : i32
    %eq3A_61 = arith.cmpi eq, %arg0, %eq3A_60 : i32
    %convert_element_type3A_62 = arith.extui %eq3A_61 : i1 to i32
    %cond3A_63 = arith.constant 0 : i32
    %cond3A_64 = arith.cmpi ne, %convert_element_type3A_62, %cond3A_63 : i32
    scf.if %cond3A_64 {
      %mul3A_70 = arith.constant 632 : i32
      %mul3A_71 = arith.muli %arg1, %mul3A_70 : i32
      %mul3A_72 = arith.constant 632 : i32
      %mul3A_73 = arith.muli %arg1, %mul3A_72 : i32
      "tpu.region"() ({
        %run_scoped3A = tpu.sem_alloc : memref<!tpu.dma_semaphore, #tpu.memory_space<semaphore_mem>>
        %dma_start3A_74 = arith.constant 0 : i32
        %dma_start3A_75 = tpu.memref_slice %arg6[%mul3A_73, %dma_start3A_74] : memref<10112x128xf32, #tpu.memory_space<hbm>> -> memref<632x128xf32, #tpu.memory_space<hbm>>
        %dma_start3A_76 = arith.constant 0 : i32
        %dma_start3A_77 = tpu.memref_slice %arg21[%mul3A_71, %dma_start3A_76] : memref<10112x128xf32, #tpu.memory_space<vmem_shared>> -> memref<632x128xf32, #tpu.memory_space<vmem_shared>>
        tpu.enqueue_dma source(%dma_start3A_77 : memref<632x128xf32, #tpu.memory_space<vmem_shared>>) target(%dma_start3A_75 : memref<632x128xf32, #tpu.memory_space<hbm>>) target_semaphore(%run_scoped3A : memref<!tpu.dma_semaphore, #tpu.memory_space<semaphore_mem>>)
        %dma_wait3A_78 = arith.constant 0 : i32
        %dma_wait3A_79 = tpu.memref_slice %arg6[%mul3A_73, %dma_wait3A_78] : memref<10112x128xf32, #tpu.memory_space<hbm>> -> memref<632x128xf32, #tpu.memory_space<hbm>>
        %dma_wait3A_80 = arith.constant 0 : i32
        %dma_wait3A_81 = tpu.memref_slice %arg21[%mul3A_71, %dma_wait3A_80] : memref<10112x128xf32, #tpu.memory_space<vmem_shared>> -> memref<632x128xf32, #tpu.memory_space<vmem_shared>>
        tpu.wait_dma2 semaphore(%run_scoped3A : memref<!tpu.dma_semaphore, #tpu.memory_space<semaphore_mem>>) src(%dma_wait3A_81 : memref<632x128xf32, #tpu.memory_space<vmem_shared>>) dst(%dma_wait3A_79 : memref<632x128xf32, #tpu.memory_space<hbm>>)
        tpu.yield
      }) : () -> ()
    } else {
    }
    %eq3A_65 = arith.constant 1 : i32
    %eq3A_66 = arith.cmpi eq, %arg0, %eq3A_65 : i32
    %convert_element_type3A_67 = arith.extui %eq3A_66 : i1 to i32
    %cond3A_68 = arith.constant 0 : i32
    %cond3A_69 = arith.cmpi ne, %convert_element_type3A_67, %cond3A_68 : i32
    scf.if %cond3A_69 {
      %mul3A_70 = arith.constant 632 : i32
      %mul3A_71 = arith.muli %arg1, %mul3A_70 : i32
      %mul3A_72 = arith.constant 632 : i32
      %mul3A_73 = arith.muli %arg1, %mul3A_72 : i32
      "tpu.region"() ({
        %run_scoped3A = tpu.sem_alloc : memref<!tpu.dma_semaphore, #tpu.memory_space<semaphore_mem>>
        %dma_start3A_74 = arith.constant 0 : i32
        %dma_start3A_75 = tpu.memref_slice %arg7[%mul3A_73, %dma_start3A_74] : memref<10112x128xf32, #tpu.memory_space<hbm>> -> memref<632x128xf32, #tpu.memory_space<hbm>>
        %dma_start3A_76 = arith.constant 0 : i32
        %dma_start3A_77 = tpu.memref_slice %arg21[%mul3A_71, %dma_start3A_76] : memref<10112x128xf32, #tpu.memory_space<vmem_shared>> -> memref<632x128xf32, #tpu.memory_space<vmem_shared>>
        tpu.enqueue_dma source(%dma_start3A_77 : memref<632x128xf32, #tpu.memory_space<vmem_shared>>) target(%dma_start3A_75 : memref<632x128xf32, #tpu.memory_space<hbm>>) target_semaphore(%run_scoped3A : memref<!tpu.dma_semaphore, #tpu.memory_space<semaphore_mem>>)
        %dma_wait3A_78 = arith.constant 0 : i32
        %dma_wait3A_79 = tpu.memref_slice %arg7[%mul3A_73, %dma_wait3A_78] : memref<10112x128xf32, #tpu.memory_space<hbm>> -> memref<632x128xf32, #tpu.memory_space<hbm>>
        %dma_wait3A_80 = arith.constant 0 : i32
        %dma_wait3A_81 = tpu.memref_slice %arg21[%mul3A_71, %dma_wait3A_80] : memref<10112x128xf32, #tpu.memory_space<vmem_shared>> -> memref<632x128xf32, #tpu.memory_space<vmem_shared>>
        tpu.wait_dma2 semaphore(%run_scoped3A : memref<!tpu.dma_semaphore, #tpu.memory_space<semaphore_mem>>) src(%dma_wait3A_81 : memref<632x128xf32, #tpu.memory_space<vmem_shared>>) dst(%dma_wait3A_79 : memref<632x128xf32, #tpu.memory_space<hbm>>)
        tpu.yield
      }) : () -> ()
    } else {
    }
    return
  }
}

#map = affine_map<(d0, d1) -> (0)>
#map1 = affine_map<(d0, d1) -> (0, 0)>
module attributes {stable_mosaic.version = 14 : i64} {
  func.func @_degrees(%arg0: i32, %arg1: i32, %arg2: memref<160000xi32, #tpu.memory_space<hbm>>, %arg3: memref<160000xi32, #tpu.memory_space<hbm>>, %arg4: memref<10240x16xf32, #tpu.memory_space<hbm>>, %arg5: memref<10240x16xf32, #tpu.memory_space<hbm>>, %arg6: memref<10000xi32, #tpu.memory_space<vmem>>, %arg7: memref<10240xf32, #tpu.memory_space<vmem>>, %arg8: memref<16x640xf32, #tpu.memory_space<vmem>>, %arg9: memref<640x16xf32, #tpu.memory_space<vmem>>, %arg10: memref<16x10240xf32, #tpu.memory_space<vmem_shared>>) attributes {dimension_semantics = [#tpu.dimension_semantics<core_parallel>, #tpu.dimension_semantics<subcore_parallel>], iteration_bounds = array<i64: 2, 16>, scalar_prefetch = 0 : i64, scratch_operands = 5 : i64, tpu.core_type = #tpu.core_type<sc_vector_subcore>, window_params = [{transform_indices = #map}, {transform_indices = #map}, {transform_indices = #map1}, {transform_indices = #map1}]} {
    %broadcast_in_dim3A = arith.constant 0.000000e+00 : f32
    %broadcast_in_dim3A_0 = vector.broadcast %broadcast_in_dim3A : f32 to vector<16xf32>
    %broadcast_in_dim3A_1 = arith.constant 1.000000e+00 : f32
    %broadcast_in_dim3A_2 = vector.broadcast %broadcast_in_dim3A_1 : f32 to vector<16xf32>
    %scan3A = arith.constant 0 : i32
    %scan3A_3 = arith.constant 0 : i32
    %scan3A_4 = arith.constant 640 : i32
    %scan3A_5 = arith.addi %scan3A_3, %scan3A_4 : i32
    %scan3A_6 = arith.constant 1 : i32
    %scan3A_7 = scf.for %scan3A_43 = %scan3A_3 to %scan3A_5 step %scan3A_6 iter_args(%scan3A_44 = %scan3A) -> (i32)  : i32 {
      %mul3A_45 = arith.constant 16 : i32
      %mul3A_46 = arith.muli %scan3A_43, %mul3A_45 : i32
      %swap3A = arith.index_cast %mul3A_46 : i32 to index
      %swap3A_47 = tpu.vector_load %arg7[%swap3A] {strides = array<i32>} : memref<10240xf32, #tpu.memory_space<vmem>>, vector<16xf32>,
      tpu.vector_store %arg7[%swap3A], %broadcast_in_dim3A_0 {strides = array<i32>} : memref<10240xf32, #tpu.memory_space<vmem>>, vector<16xf32>,
      %scan3A_48 = arith.constant 0 : i32
      scf.yield %scan3A_48 : i32
    }
    %scan3A_8 = arith.constant 640 : i32
    %eq3A = arith.constant 0 : i32
    %eq3A_9 = arith.cmpi eq, %arg0, %eq3A : i32
    %convert_element_type3A = arith.extui %eq3A_9 : i1 to i32
    %cond3A = arith.constant 0 : i32
    %cond3A_10 = arith.cmpi ne, %convert_element_type3A, %cond3A : i32
    scf.if %cond3A_10 {
      %mul3A_43 = arith.constant 10000 : i32
      %mul3A_44 = arith.muli %arg1, %mul3A_43 : i32
      "tpu.region"() ({
        %run_scoped3A = tpu.sem_alloc : memref<!tpu.dma_semaphore, #tpu.memory_space<semaphore_mem>>
        %dma_start3A = tpu.memref_slice %arg2[%mul3A_44] : memref<160000xi32, #tpu.memory_space<hbm>> -> memref<10000xi32, #tpu.memory_space<hbm>>
        %dma_start3A_45 = tpu.memref_slice %arg2[%mul3A_44] : memref<160000xi32, #tpu.memory_space<hbm>> -> memref<10000xi32, #tpu.memory_space<hbm>>
        tpu.enqueue_dma source(%dma_start3A_45 : memref<10000xi32, #tpu.memory_space<hbm>>) target(%arg6 : memref<10000xi32, #tpu.memory_space<vmem>>) target_semaphore(%run_scoped3A : memref<!tpu.dma_semaphore, #tpu.memory_space<semaphore_mem>>)
        %dma_wait3A = tpu.memref_slice %arg2[%mul3A_44] : memref<160000xi32, #tpu.memory_space<hbm>> -> memref<10000xi32, #tpu.memory_space<hbm>>
        %dma_wait3A_46 = tpu.memref_slice %arg2[%mul3A_44] : memref<160000xi32, #tpu.memory_space<hbm>> -> memref<10000xi32, #tpu.memory_space<hbm>>
        tpu.wait_dma2 semaphore(%run_scoped3A : memref<!tpu.dma_semaphore, #tpu.memory_space<semaphore_mem>>) src(%dma_wait3A_46 : memref<10000xi32, #tpu.memory_space<hbm>>) dst(%arg6 : memref<10000xi32, #tpu.memory_space<vmem>>)
        tpu.yield
      }) : () -> ()
    } else {
    }
    %eq3A_11 = arith.constant 1 : i32
    %eq3A_12 = arith.cmpi eq, %arg0, %eq3A_11 : i32
    %convert_element_type3A_13 = arith.extui %eq3A_12 : i1 to i32
    %cond3A_14 = arith.constant 0 : i32
    %cond3A_15 = arith.cmpi ne, %convert_element_type3A_13, %cond3A_14 : i32
    scf.if %cond3A_15 {
      %mul3A_43 = arith.constant 10000 : i32
      %mul3A_44 = arith.muli %arg1, %mul3A_43 : i32
      "tpu.region"() ({
        %run_scoped3A = tpu.sem_alloc : memref<!tpu.dma_semaphore, #tpu.memory_space<semaphore_mem>>
        %dma_start3A = tpu.memref_slice %arg3[%mul3A_44] : memref<160000xi32, #tpu.memory_space<hbm>> -> memref<10000xi32, #tpu.memory_space<hbm>>
        %dma_start3A_45 = tpu.memref_slice %arg3[%mul3A_44] : memref<160000xi32, #tpu.memory_space<hbm>> -> memref<10000xi32, #tpu.memory_space<hbm>>
        tpu.enqueue_dma source(%dma_start3A_45 : memref<10000xi32, #tpu.memory_space<hbm>>) target(%arg6 : memref<10000xi32, #tpu.memory_space<vmem>>) target_semaphore(%run_scoped3A : memref<!tpu.dma_semaphore, #tpu.memory_space<semaphore_mem>>)
        %dma_wait3A = tpu.memref_slice %arg3[%mul3A_44] : memref<160000xi32, #tpu.memory_space<hbm>> -> memref<10000xi32, #tpu.memory_space<hbm>>
        %dma_wait3A_46 = tpu.memref_slice %arg3[%mul3A_44] : memref<160000xi32, #tpu.memory_space<hbm>> -> memref<10000xi32, #tpu.memory_space<hbm>>
        tpu.wait_dma2 semaphore(%run_scoped3A : memref<!tpu.dma_semaphore, #tpu.memory_space<semaphore_mem>>) src(%dma_wait3A_46 : memref<10000xi32, #tpu.memory_space<hbm>>) dst(%arg6 : memref<10000xi32, #tpu.memory_space<vmem>>)
        tpu.yield
      }) : () -> ()
    } else {
    }
    %scan3A_16 = arith.constant 0 : i32
    %scan3A_17 = arith.constant 0 : i32
    %scan3A_18 = arith.constant 625 : i32
    %scan3A_19 = arith.addi %scan3A_17, %scan3A_18 : i32
    %scan3A_20 = arith.constant 1 : i32
    %scan3A_21 = scf.for %scan3A_43 = %scan3A_17 to %scan3A_19 step %scan3A_20 iter_args(%scan3A_44 = %scan3A_16) -> (i32)  : i32 {
      %mul3A_45 = arith.constant 16 : i32
      %mul3A_46 = arith.muli %scan3A_43, %mul3A_45 : i32
      %get3A = arith.index_cast %mul3A_46 : i32 to index
      %get3A_47 = tpu.vector_load %arg6[%get3A] {strides = array<i32>} : memref<10000xi32, #tpu.memory_space<vmem>>, vector<16xi32>,
      tpu.vector_store_idx %arg7[%get3A_47], %broadcast_in_dim3A_2 {add = true} : memref<10240xf32, #tpu.memory_space<vmem>>[vector<16xi32>], vector<16xf32>,
      %scan3A_48 = arith.constant 0 : i32
      scf.yield %scan3A_48 : i32
    }
    %scan3A_22 = arith.constant 625 : i32
    "tpu.region"() ({
      %run_scoped3A = tpu.sem_alloc : memref<!tpu.dma_semaphore, #tpu.memory_space<semaphore_mem>>
      %dma_start3A = arith.constant 0 : i32
      %dma_start3A_43 = tpu.memref_slice %arg10[%arg1, %dma_start3A] : memref<16x10240xf32, #tpu.memory_space<vmem_shared>> -> memref<1x10240xf32, #tpu.memory_space<vmem_shared>>
      %dma_start3A_44 = tpu.memref_squeeze %dma_start3A_43 : memref<1x10240xf32, #tpu.memory_space<vmem_shared>> -> memref<10240xf32, #tpu.memory_space<vmem_shared>>
      %dma_start3A_45 = arith.constant 0 : i32
      %dma_start3A_46 = tpu.memref_slice %arg10[%arg1, %dma_start3A_45] : memref<16x10240xf32, #tpu.memory_space<vmem_shared>> -> memref<1x10240xf32, #tpu.memory_space<vmem_shared>>
      %dma_start3A_47 = tpu.memref_squeeze %dma_start3A_46 : memref<1x10240xf32, #tpu.memory_space<vmem_shared>> -> memref<10240xf32, #tpu.memory_space<vmem_shared>>
      tpu.enqueue_dma source(%arg7 : memref<10240xf32, #tpu.memory_space<vmem>>) target(%dma_start3A_47 : memref<10240xf32, #tpu.memory_space<vmem_shared>>) target_semaphore(%run_scoped3A : memref<!tpu.dma_semaphore, #tpu.memory_space<semaphore_mem>>)
      %dma_wait3A = arith.constant 0 : i32
      %dma_wait3A_48 = tpu.memref_slice %arg10[%arg1, %dma_wait3A] : memref<16x10240xf32, #tpu.memory_space<vmem_shared>> -> memref<1x10240xf32, #tpu.memory_space<vmem_shared>>
      %dma_wait3A_49 = tpu.memref_squeeze %dma_wait3A_48 : memref<1x10240xf32, #tpu.memory_space<vmem_shared>> -> memref<10240xf32, #tpu.memory_space<vmem_shared>>
      %dma_wait3A_50 = arith.constant 0 : i32
      %dma_wait3A_51 = tpu.memref_slice %arg10[%arg1, %dma_wait3A_50] : memref<16x10240xf32, #tpu.memory_space<vmem_shared>> -> memref<1x10240xf32, #tpu.memory_space<vmem_shared>>
      %dma_wait3A_52 = tpu.memref_squeeze %dma_wait3A_51 : memref<1x10240xf32, #tpu.memory_space<vmem_shared>> -> memref<10240xf32, #tpu.memory_space<vmem_shared>>
      tpu.wait_dma2 semaphore(%run_scoped3A : memref<!tpu.dma_semaphore, #tpu.memory_space<semaphore_mem>>) src(%arg7 : memref<10240xf32, #tpu.memory_space<vmem>>) dst(%dma_wait3A_52 : memref<10240xf32, #tpu.memory_space<vmem_shared>>)
      tpu.yield
    }) : () -> ()
    %barrier3A = arith.constant 0 : index
    tpu.barrier barrier_id(%barrier3A)
    %mul3A = arith.constant 640 : i32
    %mul3A_23 = arith.muli %arg1, %mul3A : i32
    "tpu.region"() ({
      %run_scoped3A = tpu.sem_alloc : memref<!tpu.dma_semaphore, #tpu.memory_space<semaphore_mem>>
      %dma_start3A = arith.constant 0 : i32
      %dma_start3A_43 = tpu.memref_slice %arg10[%dma_start3A, %mul3A_23] : memref<16x10240xf32, #tpu.memory_space<vmem_shared>> -> memref<16x640xf32, #tpu.memory_space<vmem_shared>>
      %dma_start3A_44 = arith.constant 0 : i32
      %dma_start3A_45 = tpu.memref_slice %arg10[%dma_start3A_44, %mul3A_23] : memref<16x10240xf32, #tpu.memory_space<vmem_shared>> -> memref<16x640xf32, #tpu.memory_space<vmem_shared>>
      tpu.enqueue_dma source(%dma_start3A_45 : memref<16x640xf32, #tpu.memory_space<vmem_shared>>) target(%arg8 : memref<16x640xf32, #tpu.memory_space<vmem>>) target_semaphore(%run_scoped3A : memref<!tpu.dma_semaphore, #tpu.memory_space<semaphore_mem>>)
      %dma_wait3A = arith.constant 0 : i32
      %dma_wait3A_46 = tpu.memref_slice %arg10[%dma_wait3A, %mul3A_23] : memref<16x10240xf32, #tpu.memory_space<vmem_shared>> -> memref<16x640xf32, #tpu.memory_space<vmem_shared>>
      %dma_wait3A_47 = arith.constant 0 : i32
      %dma_wait3A_48 = tpu.memref_slice %arg10[%dma_wait3A_47, %mul3A_23] : memref<16x10240xf32, #tpu.memory_space<vmem_shared>> -> memref<16x640xf32, #tpu.memory_space<vmem_shared>>
      tpu.wait_dma2 semaphore(%run_scoped3A : memref<!tpu.dma_semaphore, #tpu.memory_space<semaphore_mem>>) src(%dma_wait3A_48 : memref<16x640xf32, #tpu.memory_space<vmem_shared>>) dst(%arg8 : memref<16x640xf32, #tpu.memory_space<vmem>>)
      tpu.yield
    }) : () -> ()
    %iota3A = tpu.iota {dimensions = array<i32: 0>} : vector<16xi32>
    %broadcast_in_dim3A_24 = arith.constant 0 : i32
    %broadcast_in_dim3A_25 = vector.broadcast %broadcast_in_dim3A_24 : i32 to vector<16xi32>
    %scan3A_26 = arith.constant 0 : i32
    %scan3A_27 = arith.constant 0 : i32
    %scan3A_28 = arith.constant 40 : i32
    %scan3A_29 = arith.addi %scan3A_27, %scan3A_28 : i32
    %scan3A_30 = arith.constant 1 : i32
    %scan3A_31 = scf.for %scan3A_43 = %scan3A_27 to %scan3A_29 step %scan3A_30 iter_args(%scan3A_44 = %scan3A_26) -> (i32)  : i32 {
      %mul3A_45 = arith.constant 16 : i32
      %mul3A_46 = arith.muli %scan3A_43, %mul3A_45 : i32
      %get3A = arith.constant 0 : i32
      %get3A_47 = arith.index_cast %get3A : i32 to index
      %get3A_48 = arith.index_cast %mul3A_46 : i32 to index
      %get3A_49 = tpu.vector_load %arg8[%get3A_47, %get3A_48] {strides = array<i32>} : memref<16x640xf32, #tpu.memory_space<vmem>>, vector<16xf32>,
      %add3A = arith.addf %broadcast_in_dim3A_0, %get3A_49 : vector<16xf32>
      %mul3A_50 = arith.constant 16 : i32
      %mul3A_51 = arith.muli %scan3A_43, %mul3A_50 : i32
      %get3A_52 = arith.constant 1 : i32
      %get3A_53 = arith.index_cast %get3A_52 : i32 to index
      %get3A_54 = arith.index_cast %mul3A_51 : i32 to index
      %get3A_55 = tpu.vector_load %arg8[%get3A_53, %get3A_54] {strides = array<i32>} : memref<16x640xf32, #tpu.memory_space<vmem>>, vector<16xf32>,
      %add3A_56 = arith.addf %add3A, %get3A_55 : vector<16xf32>
      %mul3A_57 = arith.constant 16 : i32
      %mul3A_58 = arith.muli %scan3A_43, %mul3A_57 : i32
      %get3A_59 = arith.constant 2 : i32
      %get3A_60 = arith.index_cast %get3A_59 : i32 to index
      %get3A_61 = arith.index_cast %mul3A_58 : i32 to index
      %get3A_62 = tpu.vector_load %arg8[%get3A_60, %get3A_61] {strides = array<i32>} : memref<16x640xf32, #tpu.memory_space<vmem>>, vector<16xf32>,
      %add3A_63 = arith.addf %add3A_56, %get3A_62 : vector<16xf32>
      %mul3A_64 = arith.constant 16 : i32
      %mul3A_65 = arith.muli %scan3A_43, %mul3A_64 : i32
      %get3A_66 = arith.constant 3 : i32
      %get3A_67 = arith.index_cast %get3A_66 : i32 to index
      %get3A_68 = arith.index_cast %mul3A_65 : i32 to index
      %get3A_69 = tpu.vector_load %arg8[%get3A_67, %get3A_68] {strides = array<i32>} : memref<16x640xf32, #tpu.memory_space<vmem>>, vector<16xf32>,
      %add3A_70 = arith.addf %add3A_63, %get3A_69 : vector<16xf32>
      %mul3A_71 = arith.constant 16 : i32
      %mul3A_72 = arith.muli %scan3A_43, %mul3A_71 : i32
      %get3A_73 = arith.constant 4 : i32
      %get3A_74 = arith.index_cast %get3A_73 : i32 to index
      %get3A_75 = arith.index_cast %mul3A_72 : i32 to index
      %get3A_76 = tpu.vector_load %arg8[%get3A_74, %get3A_75] {strides = array<i32>} : memref<16x640xf32, #tpu.memory_space<vmem>>, vector<16xf32>,
      %add3A_77 = arith.addf %add3A_70, %get3A_76 : vector<16xf32>
      %mul3A_78 = arith.constant 16 : i32
      %mul3A_79 = arith.muli %scan3A_43, %mul3A_78 : i32
      %get3A_80 = arith.constant 5 : i32
      %get3A_81 = arith.index_cast %get3A_80 : i32 to index
      %get3A_82 = arith.index_cast %mul3A_79 : i32 to index
      %get3A_83 = tpu.vector_load %arg8[%get3A_81, %get3A_82] {strides = array<i32>} : memref<16x640xf32, #tpu.memory_space<vmem>>, vector<16xf32>,
      %add3A_84 = arith.addf %add3A_77, %get3A_83 : vector<16xf32>
      %mul3A_85 = arith.constant 16 : i32
      %mul3A_86 = arith.muli %scan3A_43, %mul3A_85 : i32
      %get3A_87 = arith.constant 6 : i32
      %get3A_88 = arith.index_cast %get3A_87 : i32 to index
      %get3A_89 = arith.index_cast %mul3A_86 : i32 to index
      %get3A_90 = tpu.vector_load %arg8[%get3A_88, %get3A_89] {strides = array<i32>} : memref<16x640xf32, #tpu.memory_space<vmem>>, vector<16xf32>,
      %add3A_91 = arith.addf %add3A_84, %get3A_90 : vector<16xf32>
      %mul3A_92 = arith.constant 16 : i32
      %mul3A_93 = arith.muli %scan3A_43, %mul3A_92 : i32
      %get3A_94 = arith.constant 7 : i32
      %get3A_95 = arith.index_cast %get3A_94 : i32 to index
      %get3A_96 = arith.index_cast %mul3A_93 : i32 to index
      %get3A_97 = tpu.vector_load %arg8[%get3A_95, %get3A_96] {strides = array<i32>} : memref<16x640xf32, #tpu.memory_space<vmem>>, vector<16xf32>,
      %add3A_98 = arith.addf %add3A_91, %get3A_97 : vector<16xf32>
      %mul3A_99 = arith.constant 16 : i32
      %mul3A_100 = arith.muli %scan3A_43, %mul3A_99 : i32
      %get3A_101 = arith.constant 8 : i32
      %get3A_102 = arith.index_cast %get3A_101 : i32 to index
      %get3A_103 = arith.index_cast %mul3A_100 : i32 to index
      %get3A_104 = tpu.vector_load %arg8[%get3A_102, %get3A_103] {strides = array<i32>} : memref<16x640xf32, #tpu.memory_space<vmem>>, vector<16xf32>,
      %add3A_105 = arith.addf %add3A_98, %get3A_104 : vector<16xf32>
      %mul3A_106 = arith.constant 16 : i32
      %mul3A_107 = arith.muli %scan3A_43, %mul3A_106 : i32
      %get3A_108 = arith.constant 9 : i32
      %get3A_109 = arith.index_cast %get3A_108 : i32 to index
      %get3A_110 = arith.index_cast %mul3A_107 : i32 to index
      %get3A_111 = tpu.vector_load %arg8[%get3A_109, %get3A_110] {strides = array<i32>} : memref<16x640xf32, #tpu.memory_space<vmem>>, vector<16xf32>,
      %add3A_112 = arith.addf %add3A_105, %get3A_111 : vector<16xf32>
      %mul3A_113 = arith.constant 16 : i32
      %mul3A_114 = arith.muli %scan3A_43, %mul3A_113 : i32
      %get3A_115 = arith.constant 10 : i32
      %get3A_116 = arith.index_cast %get3A_115 : i32 to index
      %get3A_117 = arith.index_cast %mul3A_114 : i32 to index
      %get3A_118 = tpu.vector_load %arg8[%get3A_116, %get3A_117] {strides = array<i32>} : memref<16x640xf32, #tpu.memory_space<vmem>>, vector<16xf32>,
      %add3A_119 = arith.addf %add3A_112, %get3A_118 : vector<16xf32>
      %mul3A_120 = arith.constant 16 : i32
      %mul3A_121 = arith.muli %scan3A_43, %mul3A_120 : i32
      %get3A_122 = arith.constant 11 : i32
      %get3A_123 = arith.index_cast %get3A_122 : i32 to index
      %get3A_124 = arith.index_cast %mul3A_121 : i32 to index
      %get3A_125 = tpu.vector_load %arg8[%get3A_123, %get3A_124] {strides = array<i32>} : memref<16x640xf32, #tpu.memory_space<vmem>>, vector<16xf32>,
      %add3A_126 = arith.addf %add3A_119, %get3A_125 : vector<16xf32>
      %mul3A_127 = arith.constant 16 : i32
      %mul3A_128 = arith.muli %scan3A_43, %mul3A_127 : i32
      %get3A_129 = arith.constant 12 : i32
      %get3A_130 = arith.index_cast %get3A_129 : i32 to index
      %get3A_131 = arith.index_cast %mul3A_128 : i32 to index
      %get3A_132 = tpu.vector_load %arg8[%get3A_130, %get3A_131] {strides = array<i32>} : memref<16x640xf32, #tpu.memory_space<vmem>>, vector<16xf32>,
      %add3A_133 = arith.addf %add3A_126, %get3A_132 : vector<16xf32>
      %mul3A_134 = arith.constant 16 : i32
      %mul3A_135 = arith.muli %scan3A_43, %mul3A_134 : i32
      %get3A_136 = arith.constant 13 : i32
      %get3A_137 = arith.index_cast %get3A_136 : i32 to index
      %get3A_138 = arith.index_cast %mul3A_135 : i32 to index
      %get3A_139 = tpu.vector_load %arg8[%get3A_137, %get3A_138] {strides = array<i32>} : memref<16x640xf32, #tpu.memory_space<vmem>>, vector<16xf32>,
      %add3A_140 = arith.addf %add3A_133, %get3A_139 : vector<16xf32>
      %mul3A_141 = arith.constant 16 : i32
      %mul3A_142 = arith.muli %scan3A_43, %mul3A_141 : i32
      %get3A_143 = arith.constant 14 : i32
      %get3A_144 = arith.index_cast %get3A_143 : i32 to index
      %get3A_145 = arith.index_cast %mul3A_142 : i32 to index
      %get3A_146 = tpu.vector_load %arg8[%get3A_144, %get3A_145] {strides = array<i32>} : memref<16x640xf32, #tpu.memory_space<vmem>>, vector<16xf32>,
      %add3A_147 = arith.addf %add3A_140, %get3A_146 : vector<16xf32>
      %mul3A_148 = arith.constant 16 : i32
      %mul3A_149 = arith.muli %scan3A_43, %mul3A_148 : i32
      %get3A_150 = arith.constant 15 : i32
      %get3A_151 = arith.index_cast %get3A_150 : i32 to index
      %get3A_152 = arith.index_cast %mul3A_149 : i32 to index
      %get3A_153 = tpu.vector_load %arg8[%get3A_151, %get3A_152] {strides = array<i32>} : memref<16x640xf32, #tpu.memory_space<vmem>>, vector<16xf32>,
      %add3A_154 = arith.addf %add3A_147, %get3A_153 : vector<16xf32>
      %mul3A_155 = arith.constant 16 : i32
      %mul3A_156 = arith.muli %scan3A_43, %mul3A_155 : i32
      %add3A_157 = vector.broadcast %mul3A_156 : i32 to vector<16xi32>
      %add3A_158 = arith.addi %iota3A, %add3A_157 : vector<16xi32>
      tpu.vector_store_idx %arg9[%add3A_158, %broadcast_in_dim3A_25], %add3A_154 : memref<640x16xf32, #tpu.memory_space<vmem>>[vector<16xi32>, vector<16xi32>], vector<16xf32>,
      %scan3A_159 = arith.constant 0 : i32
      scf.yield %scan3A_159 : i32
    }
    %scan3A_32 = arith.constant 40 : i32
    %eq3A_33 = arith.constant 0 : i32
    %eq3A_34 = arith.cmpi eq, %arg0, %eq3A_33 : i32
    %convert_element_type3A_35 = arith.extui %eq3A_34 : i1 to i32
    %cond3A_36 = arith.constant 0 : i32
    %cond3A_37 = arith.cmpi ne, %convert_element_type3A_35, %cond3A_36 : i32
    scf.if %cond3A_37 {
      %mul3A_43 = arith.constant 640 : i32
      %mul3A_44 = arith.muli %arg1, %mul3A_43 : i32
      "tpu.region"() ({
        %run_scoped3A = tpu.sem_alloc : memref<!tpu.dma_semaphore, #tpu.memory_space<semaphore_mem>>
        %dma_start3A = arith.constant 0 : i32
        %dma_start3A_45 = tpu.memref_slice %arg4[%mul3A_44, %dma_start3A] : memref<10240x16xf32, #tpu.memory_space<hbm>> -> memref<640x16xf32, #tpu.memory_space<hbm>>
        %dma_start3A_46 = arith.constant 0 : i32
        %dma_start3A_47 = tpu.memref_slice %arg4[%mul3A_44, %dma_start3A_46] : memref<10240x16xf32, #tpu.memory_space<hbm>> -> memref<640x16xf32, #tpu.memory_space<hbm>>
        tpu.enqueue_dma source(%arg9 : memref<640x16xf32, #tpu.memory_space<vmem>>) target(%dma_start3A_47 : memref<640x16xf32, #tpu.memory_space<hbm>>) target_semaphore(%run_scoped3A : memref<!tpu.dma_semaphore, #tpu.memory_space<semaphore_mem>>)
        %dma_wait3A = arith.constant 0 : i32
        %dma_wait3A_48 = tpu.memref_slice %arg4[%mul3A_44, %dma_wait3A] : memref<10240x16xf32, #tpu.memory_space<hbm>> -> memref<640x16xf32, #tpu.memory_space<hbm>>
        %dma_wait3A_49 = arith.constant 0 : i32
        %dma_wait3A_50 = tpu.memref_slice %arg4[%mul3A_44, %dma_wait3A_49] : memref<10240x16xf32, #tpu.memory_space<hbm>> -> memref<640x16xf32, #tpu.memory_space<hbm>>
        tpu.wait_dma2 semaphore(%run_scoped3A : memref<!tpu.dma_semaphore, #tpu.memory_space<semaphore_mem>>) src(%arg9 : memref<640x16xf32, #tpu.memory_space<vmem>>) dst(%dma_wait3A_50 : memref<640x16xf32, #tpu.memory_space<hbm>>)
        tpu.yield
      }) : () -> ()
    } else {
    }
    %eq3A_38 = arith.constant 1 : i32
    %eq3A_39 = arith.cmpi eq, %arg0, %eq3A_38 : i32
    %convert_element_type3A_40 = arith.extui %eq3A_39 : i1 to i32
    %cond3A_41 = arith.constant 0 : i32
    %cond3A_42 = arith.cmpi ne, %convert_element_type3A_40, %cond3A_41 : i32
    scf.if %cond3A_42 {
      %mul3A_43 = arith.constant 640 : i32
      %mul3A_44 = arith.muli %arg1, %mul3A_43 : i32
      "tpu.region"() ({
        %run_scoped3A = tpu.sem_alloc : memref<!tpu.dma_semaphore, #tpu.memory_space<semaphore_mem>>
        %dma_start3A = arith.constant 0 : i32
        %dma_start3A_45 = tpu.memref_slice %arg5[%mul3A_44, %dma_start3A] : memref<10240x16xf32, #tpu.memory_space<hbm>> -> memref<640x16xf32, #tpu.memory_space<hbm>>
        %dma_start3A_46 = arith.constant 0 : i32
        %dma_start3A_47 = tpu.memref_slice %arg5[%mul3A_44, %dma_start3A_46] : memref<10240x16xf32, #tpu.memory_space<hbm>> -> memref<640x16xf32, #tpu.memory_space<hbm>>
        tpu.enqueue_dma source(%arg9 : memref<640x16xf32, #tpu.memory_space<vmem>>) target(%dma_start3A_47 : memref<640x16xf32, #tpu.memory_space<hbm>>) target_semaphore(%run_scoped3A : memref<!tpu.dma_semaphore, #tpu.memory_space<semaphore_mem>>)
        %dma_wait3A = arith.constant 0 : i32
        %dma_wait3A_48 = tpu.memref_slice %arg5[%mul3A_44, %dma_wait3A] : memref<10240x16xf32, #tpu.memory_space<hbm>> -> memref<640x16xf32, #tpu.memory_space<hbm>>
        %dma_wait3A_49 = arith.constant 0 : i32
        %dma_wait3A_50 = tpu.memref_slice %arg5[%mul3A_44, %dma_wait3A_49] : memref<10240x16xf32, #tpu.memory_space<hbm>> -> memref<640x16xf32, #tpu.memory_space<hbm>>
        tpu.wait_dma2 semaphore(%run_scoped3A : memref<!tpu.dma_semaphore, #tpu.memory_space<semaphore_mem>>) src(%arg9 : memref<640x16xf32, #tpu.memory_space<vmem>>) dst(%dma_wait3A_50 : memref<640x16xf32, #tpu.memory_space<hbm>>)
        tpu.yield
      }) : () -> ()
    } else {
    }
    return
  }
}

#map = affine_map<(d0, d1) -> (0, 0)>
#map1 = affine_map<(d0, d1) -> (0)>
module attributes {stable_mosaic.version = 14 : i64} {
  func.func @_spmm(%arg0: i32, %arg1: i32, %arg2: memref<10000x128xf32, #tpu.memory_space<hbm>>, %arg3: memref<10000x128xf32, #tpu.memory_space<hbm>>, %arg4: memref<163840xi32, #tpu.memory_space<hbm>>, %arg5: memref<163840xi32, #tpu.memory_space<hbm>>, %arg6: memref<10112x128xf32, #tpu.memory_space<hbm>>, %arg7: memref<10112x128xf32, #tpu.memory_space<hbm>>, %arg8: memref<128xi32, #tpu.memory_space<vmem>>, %arg9: memref<128xi32, #tpu.memory_space<vmem>>, %arg10: memref<128xi32, #tpu.memory_space<vmem>>, %arg11: memref<128xi32, #tpu.memory_space<vmem>>, %arg12: memref<128x128xf32, #tpu.memory_space<vmem>>, %arg13: memref<128x128xf32, #tpu.memory_space<vmem>>, %arg14: memref<128x128xf32, #tpu.memory_space<vmem>>, %arg15: memref<!tpu.dma_semaphore, #tpu.memory_space<semaphore_mem>>, %arg16: memref<!tpu.dma_semaphore, #tpu.memory_space<semaphore_mem>>, %arg17: memref<!tpu.dma_semaphore, #tpu.memory_space<semaphore_mem>>, %arg18: memref<!tpu.dma_semaphore, #tpu.memory_space<semaphore_mem>>, %arg19: memref<!tpu.dma_semaphore, #tpu.memory_space<semaphore_mem>>, %arg20: memref<!tpu.dma_semaphore, #tpu.memory_space<semaphore_mem>>, %arg21: memref<10112x128xf32, #tpu.memory_space<vmem_shared>>) attributes {dimension_semantics = [#tpu.dimension_semantics<core_parallel>, #tpu.dimension_semantics<subcore_parallel>], iteration_bounds = array<i64: 2, 16>, scalar_prefetch = 0 : i64, scratch_operands = 14 : i64, tpu.core_type = #tpu.core_type<sc_vector_subcore>, window_params = [{transform_indices = #map}, {transform_indices = #map}, {transform_indices = #map1}, {transform_indices = #map1}, {transform_indices = #map}, {transform_indices = #map}]} {
    %scan3A = arith.constant 0 : i32
    %scan3A_0 = arith.constant 0 : i32
    %scan3A_1 = arith.constant 128 : i32
    %scan3A_2 = arith.addi %scan3A_0, %scan3A_1 : i32
    %scan3A_3 = arith.constant 1 : i32
    %scan3A_4 = scf.for %scan3A_70 = %scan3A_0 to %scan3A_2 step %scan3A_3 iter_args(%scan3A_71 = %scan3A) -> (i32)  : i32 {
      %broadcast_in_dim3A = arith.constant 0.000000e+00 : f32
      %broadcast_in_dim3A_72 = vector.broadcast %broadcast_in_dim3A : f32 to vector<16xf32>
      %swap3A = arith.index_cast %scan3A_70 : i32 to index
      %swap3A_73 = arith.constant 0 : index
      %swap3A_74 = tpu.vector_load %arg14[%swap3A, %swap3A_73] {strides = array<i32>} : memref<128x128xf32, #tpu.memory_space<vmem>>, vector<1x16xf32>,
      %swap3A_75 = vector.shape_cast %swap3A_74 : vector<1x16xf32> to vector<16xf32>
      %swap3A_76 = vector.shape_cast %broadcast_in_dim3A_72 : vector<16xf32> to vector<1x16xf32>
      tpu.vector_store %arg14[%swap3A, %swap3A_73], %swap3A_76 {strides = array<i32>} : memref<128x128xf32, #tpu.memory_space<vmem>>, vector<1x16xf32>,
      %broadcast_in_dim3A_77 = arith.constant 0.000000e+00 : f32
      %broadcast_in_dim3A_78 = vector.broadcast %broadcast_in_dim3A_77 : f32 to vector<16xf32>
      %swap3A_79 = arith.index_cast %scan3A_70 : i32 to index
      %swap3A_80 = arith.constant 16 : index
      %swap3A_81 = tpu.vector_load %arg14[%swap3A_79, %swap3A_80] {strides = array<i32>} : memref<128x128xf32, #tpu.memory_space<vmem>>, vector<1x16xf32>,
      %swap3A_82 = vector.shape_cast %swap3A_81 : vector<1x16xf32> to vector<16xf32>
      %swap3A_83 = vector.shape_cast %broadcast_in_dim3A_78 : vector<16xf32> to vector<1x16xf32>
      tpu.vector_store %arg14[%swap3A_79, %swap3A_80], %swap3A_83 {strides = array<i32>} : memref<128x128xf32, #tpu.memory_space<vmem>>, vector<1x16xf32>,
      %broadcast_in_dim3A_84 = arith.constant 0.000000e+00 : f32
      %broadcast_in_dim3A_85 = vector.broadcast %broadcast_in_dim3A_84 : f32 to vector<16xf32>
      %swap3A_86 = arith.index_cast %scan3A_70 : i32 to index
      %swap3A_87 = arith.constant 32 : index
      %swap3A_88 = tpu.vector_load %arg14[%swap3A_86, %swap3A_87] {strides = array<i32>} : memref<128x128xf32, #tpu.memory_space<vmem>>, vector<1x16xf32>,
      %swap3A_89 = vector.shape_cast %swap3A_88 : vector<1x16xf32> to vector<16xf32>
      %swap3A_90 = vector.shape_cast %broadcast_in_dim3A_85 : vector<16xf32> to vector<1x16xf32>
      tpu.vector_store %arg14[%swap3A_86, %swap3A_87], %swap3A_90 {strides = array<i32>} : memref<128x128xf32, #tpu.memory_space<vmem>>, vector<1x16xf32>,
      %broadcast_in_dim3A_91 = arith.constant 0.000000e+00 : f32
      %broadcast_in_dim3A_92 = vector.broadcast %broadcast_in_dim3A_91 : f32 to vector<16xf32>
      %swap3A_93 = arith.index_cast %scan3A_70 : i32 to index
      %swap3A_94 = arith.constant 48 : index
      %swap3A_95 = tpu.vector_load %arg14[%swap3A_93, %swap3A_94] {strides = array<i32>} : memref<128x128xf32, #tpu.memory_space<vmem>>, vector<1x16xf32>,
      %swap3A_96 = vector.shape_cast %swap3A_95 : vector<1x16xf32> to vector<16xf32>
      %swap3A_97 = vector.shape_cast %broadcast_in_dim3A_92 : vector<16xf32> to vector<1x16xf32>
      tpu.vector_store %arg14[%swap3A_93, %swap3A_94], %swap3A_97 {strides = array<i32>} : memref<128x128xf32, #tpu.memory_space<vmem>>, vector<1x16xf32>,
      %broadcast_in_dim3A_98 = arith.constant 0.000000e+00 : f32
      %broadcast_in_dim3A_99 = vector.broadcast %broadcast_in_dim3A_98 : f32 to vector<16xf32>
      %swap3A_100 = arith.index_cast %scan3A_70 : i32 to index
      %swap3A_101 = arith.constant 64 : index
      %swap3A_102 = tpu.vector_load %arg14[%swap3A_100, %swap3A_101] {strides = array<i32>} : memref<128x128xf32, #tpu.memory_space<vmem>>, vector<1x16xf32>,
      %swap3A_103 = vector.shape_cast %swap3A_102 : vector<1x16xf32> to vector<16xf32>
      %swap3A_104 = vector.shape_cast %broadcast_in_dim3A_99 : vector<16xf32> to vector<1x16xf32>
      tpu.vector_store %arg14[%swap3A_100, %swap3A_101], %swap3A_104 {strides = array<i32>} : memref<128x128xf32, #tpu.memory_space<vmem>>, vector<1x16xf32>,
      %broadcast_in_dim3A_105 = arith.constant 0.000000e+00 : f32
      %broadcast_in_dim3A_106 = vector.broadcast %broadcast_in_dim3A_105 : f32 to vector<16xf32>
      %swap3A_107 = arith.index_cast %scan3A_70 : i32 to index
      %swap3A_108 = arith.constant 80 : index
      %swap3A_109 = tpu.vector_load %arg14[%swap3A_107, %swap3A_108] {strides = array<i32>} : memref<128x128xf32, #tpu.memory_space<vmem>>, vector<1x16xf32>,
      %swap3A_110 = vector.shape_cast %swap3A_109 : vector<1x16xf32> to vector<16xf32>
      %swap3A_111 = vector.shape_cast %broadcast_in_dim3A_106 : vector<16xf32> to vector<1x16xf32>
      tpu.vector_store %arg14[%swap3A_107, %swap3A_108], %swap3A_111 {strides = array<i32>} : memref<128x128xf32, #tpu.memory_space<vmem>>, vector<1x16xf32>,
      %broadcast_in_dim3A_112 = arith.constant 0.000000e+00 : f32
      %broadcast_in_dim3A_113 = vector.broadcast %broadcast_in_dim3A_112 : f32 to vector<16xf32>
      %swap3A_114 = arith.index_cast %scan3A_70 : i32 to index
      %swap3A_115 = arith.constant 96 : index
      %swap3A_116 = tpu.vector_load %arg14[%swap3A_114, %swap3A_115] {strides = array<i32>} : memref<128x128xf32, #tpu.memory_space<vmem>>, vector<1x16xf32>,
      %swap3A_117 = vector.shape_cast %swap3A_116 : vector<1x16xf32> to vector<16xf32>
      %swap3A_118 = vector.shape_cast %broadcast_in_dim3A_113 : vector<16xf32> to vector<1x16xf32>
      tpu.vector_store %arg14[%swap3A_114, %swap3A_115], %swap3A_118 {strides = array<i32>} : memref<128x128xf32, #tpu.memory_space<vmem>>, vector<1x16xf32>,
      %broadcast_in_dim3A_119 = arith.constant 0.000000e+00 : f32
      %broadcast_in_dim3A_120 = vector.broadcast %broadcast_in_dim3A_119 : f32 to vector<16xf32>
      %swap3A_121 = arith.index_cast %scan3A_70 : i32 to index
      %swap3A_122 = arith.constant 112 : index
      %swap3A_123 = tpu.vector_load %arg14[%swap3A_121, %swap3A_122] {strides = array<i32>} : memref<128x128xf32, #tpu.memory_space<vmem>>, vector<1x16xf32>,
      %swap3A_124 = vector.shape_cast %swap3A_123 : vector<1x16xf32> to vector<16xf32>
      %swap3A_125 = vector.shape_cast %broadcast_in_dim3A_120 : vector<16xf32> to vector<1x16xf32>
      tpu.vector_store %arg14[%swap3A_121, %swap3A_122], %swap3A_125 {strides = array<i32>} : memref<128x128xf32, #tpu.memory_space<vmem>>, vector<1x16xf32>,
      %scan3A_126 = arith.constant 0 : i32
      scf.yield %scan3A_126 : i32
    }
    %scan3A_5 = arith.constant 128 : i32
    %mul3A = arith.constant 632 : i32
    %mul3A_6 = arith.muli %arg1, %mul3A : i32
    %add3A = arith.constant 0 : i32
    %add3A_7 = arith.addi %mul3A_6, %add3A : i32
    "tpu.region"() ({
      %run_scoped3A = tpu.sem_alloc : memref<!tpu.dma_semaphore, #tpu.memory_space<semaphore_mem>>
      %dma_start3A_70 = arith.constant 0 : i32
      %dma_start3A_71 = tpu.memref_slice %arg21[%add3A_7, %dma_start3A_70] : memref<10112x128xf32, #tpu.memory_space<vmem_shared>> -> memref<128x128xf32, #tpu.memory_space<vmem_shared>>
      %dma_start3A_72 = arith.constant 0 : i32
      %dma_start3A_73 = tpu.memref_slice %arg21[%add3A_7, %dma_start3A_72] : memref<10112x128xf32, #tpu.memory_space<vmem_shared>> -> memref<128x128xf32, #tpu.memory_space<vmem_shared>>
      tpu.enqueue_dma source(%arg14 : memref<128x128xf32, #tpu.memory_space<vmem>>) target(%dma_start3A_73 : memref<128x128xf32, #tpu.memory_space<vmem_shared>>) target_semaphore(%run_scoped3A : memref<!tpu.dma_semaphore, #tpu.memory_space<semaphore_mem>>)
      %dma_wait3A_74 = arith.constant 0 : i32
      %dma_wait3A_75 = tpu.memref_slice %arg21[%add3A_7, %dma_wait3A_74] : memref<10112x128xf32, #tpu.memory_space<vmem_shared>> -> memref<128x128xf32, #tpu.memory_space<vmem_shared>>
      %dma_wait3A_76 = arith.constant 0 : i32
      %dma_wait3A_77 = tpu.memref_slice %arg21[%add3A_7, %dma_wait3A_76] : memref<10112x128xf32, #tpu.memory_space<vmem_shared>> -> memref<128x128xf32, #tpu.memory_space<vmem_shared>>
      tpu.wait_dma2 semaphore(%run_scoped3A : memref<!tpu.dma_semaphore, #tpu.memory_space<semaphore_mem>>) src(%arg14 : memref<128x128xf32, #tpu.memory_space<vmem>>) dst(%dma_wait3A_77 : memref<128x128xf32, #tpu.memory_space<vmem_shared>>)
      tpu.yield
    }) : () -> ()
    %mul3A_8 = arith.constant 632 : i32
    %mul3A_9 = arith.muli %arg1, %mul3A_8 : i32
    %add3A_10 = arith.constant 128 : i32
    %add3A_11 = arith.addi %mul3A_9, %add3A_10 : i32
    "tpu.region"() ({
      %run_scoped3A = tpu.sem_alloc : memref<!tpu.dma_semaphore, #tpu.memory_space<semaphore_mem>>
      %dma_start3A_70 = arith.constant 0 : i32
      %dma_start3A_71 = tpu.memref_slice %arg21[%add3A_11, %dma_start3A_70] : memref<10112x128xf32, #tpu.memory_space<vmem_shared>> -> memref<128x128xf32, #tpu.memory_space<vmem_shared>>
      %dma_start3A_72 = arith.constant 0 : i32
      %dma_start3A_73 = tpu.memref_slice %arg21[%add3A_11, %dma_start3A_72] : memref<10112x128xf32, #tpu.memory_space<vmem_shared>> -> memref<128x128xf32, #tpu.memory_space<vmem_shared>>
      tpu.enqueue_dma source(%arg14 : memref<128x128xf32, #tpu.memory_space<vmem>>) target(%dma_start3A_73 : memref<128x128xf32, #tpu.memory_space<vmem_shared>>) target_semaphore(%run_scoped3A : memref<!tpu.dma_semaphore, #tpu.memory_space<semaphore_mem>>)
      %dma_wait3A_74 = arith.constant 0 : i32
      %dma_wait3A_75 = tpu.memref_slice %arg21[%add3A_11, %dma_wait3A_74] : memref<10112x128xf32, #tpu.memory_space<vmem_shared>> -> memref<128x128xf32, #tpu.memory_space<vmem_shared>>
      %dma_wait3A_76 = arith.constant 0 : i32
      %dma_wait3A_77 = tpu.memref_slice %arg21[%add3A_11, %dma_wait3A_76] : memref<10112x128xf32, #tpu.memory_space<vmem_shared>> -> memref<128x128xf32, #tpu.memory_space<vmem_shared>>
      tpu.wait_dma2 semaphore(%run_scoped3A : memref<!tpu.dma_semaphore, #tpu.memory_space<semaphore_mem>>) src(%arg14 : memref<128x128xf32, #tpu.memory_space<vmem>>) dst(%dma_wait3A_77 : memref<128x128xf32, #tpu.memory_space<vmem_shared>>)
      tpu.yield
    }) : () -> ()
    %mul3A_12 = arith.constant 632 : i32
    %mul3A_13 = arith.muli %arg1, %mul3A_12 : i32
    %add3A_14 = arith.constant 256 : i32
    %add3A_15 = arith.addi %mul3A_13, %add3A_14 : i32
    "tpu.region"() ({
      %run_scoped3A = tpu.sem_alloc : memref<!tpu.dma_semaphore, #tpu.memory_space<semaphore_mem>>
      %dma_start3A_70 = arith.constant 0 : i32
      %dma_start3A_71 = tpu.memref_slice %arg21[%add3A_15, %dma_start3A_70] : memref<10112x128xf32, #tpu.memory_space<vmem_shared>> -> memref<128x128xf32, #tpu.memory_space<vmem_shared>>
      %dma_start3A_72 = arith.constant 0 : i32
      %dma_start3A_73 = tpu.memref_slice %arg21[%add3A_15, %dma_start3A_72] : memref<10112x128xf32, #tpu.memory_space<vmem_shared>> -> memref<128x128xf32, #tpu.memory_space<vmem_shared>>
      tpu.enqueue_dma source(%arg14 : memref<128x128xf32, #tpu.memory_space<vmem>>) target(%dma_start3A_73 : memref<128x128xf32, #tpu.memory_space<vmem_shared>>) target_semaphore(%run_scoped3A : memref<!tpu.dma_semaphore, #tpu.memory_space<semaphore_mem>>)
      %dma_wait3A_74 = arith.constant 0 : i32
      %dma_wait3A_75 = tpu.memref_slice %arg21[%add3A_15, %dma_wait3A_74] : memref<10112x128xf32, #tpu.memory_space<vmem_shared>> -> memref<128x128xf32, #tpu.memory_space<vmem_shared>>
      %dma_wait3A_76 = arith.constant 0 : i32
      %dma_wait3A_77 = tpu.memref_slice %arg21[%add3A_15, %dma_wait3A_76] : memref<10112x128xf32, #tpu.memory_space<vmem_shared>> -> memref<128x128xf32, #tpu.memory_space<vmem_shared>>
      tpu.wait_dma2 semaphore(%run_scoped3A : memref<!tpu.dma_semaphore, #tpu.memory_space<semaphore_mem>>) src(%arg14 : memref<128x128xf32, #tpu.memory_space<vmem>>) dst(%dma_wait3A_77 : memref<128x128xf32, #tpu.memory_space<vmem_shared>>)
      tpu.yield
    }) : () -> ()
    %mul3A_16 = arith.constant 632 : i32
    %mul3A_17 = arith.muli %arg1, %mul3A_16 : i32
    %add3A_18 = arith.constant 384 : i32
    %add3A_19 = arith.addi %mul3A_17, %add3A_18 : i32
    "tpu.region"() ({
      %run_scoped3A = tpu.sem_alloc : memref<!tpu.dma_semaphore, #tpu.memory_space<semaphore_mem>>
      %dma_start3A_70 = arith.constant 0 : i32
      %dma_start3A_71 = tpu.memref_slice %arg21[%add3A_19, %dma_start3A_70] : memref<10112x128xf32, #tpu.memory_space<vmem_shared>> -> memref<128x128xf32, #tpu.memory_space<vmem_shared>>
      %dma_start3A_72 = arith.constant 0 : i32
      %dma_start3A_73 = tpu.memref_slice %arg21[%add3A_19, %dma_start3A_72] : memref<10112x128xf32, #tpu.memory_space<vmem_shared>> -> memref<128x128xf32, #tpu.memory_space<vmem_shared>>
      tpu.enqueue_dma source(%arg14 : memref<128x128xf32, #tpu.memory_space<vmem>>) target(%dma_start3A_73 : memref<128x128xf32, #tpu.memory_space<vmem_shared>>) target_semaphore(%run_scoped3A : memref<!tpu.dma_semaphore, #tpu.memory_space<semaphore_mem>>)
      %dma_wait3A_74 = arith.constant 0 : i32
      %dma_wait3A_75 = tpu.memref_slice %arg21[%add3A_19, %dma_wait3A_74] : memref<10112x128xf32, #tpu.memory_space<vmem_shared>> -> memref<128x128xf32, #tpu.memory_space<vmem_shared>>
      %dma_wait3A_76 = arith.constant 0 : i32
      %dma_wait3A_77 = tpu.memref_slice %arg21[%add3A_19, %dma_wait3A_76] : memref<10112x128xf32, #tpu.memory_space<vmem_shared>> -> memref<128x128xf32, #tpu.memory_space<vmem_shared>>
      tpu.wait_dma2 semaphore(%run_scoped3A : memref<!tpu.dma_semaphore, #tpu.memory_space<semaphore_mem>>) src(%arg14 : memref<128x128xf32, #tpu.memory_space<vmem>>) dst(%dma_wait3A_77 : memref<128x128xf32, #tpu.memory_space<vmem_shared>>)
      tpu.yield
    }) : () -> ()
    %mul3A_20 = arith.constant 632 : i32
    %mul3A_21 = arith.muli %arg1, %mul3A_20 : i32
    %add3A_22 = arith.constant 512 : i32
    %add3A_23 = arith.addi %mul3A_21, %add3A_22 : i32
    "tpu.region"() ({
      %run_scoped3A = tpu.sem_alloc : memref<!tpu.dma_semaphore, #tpu.memory_space<semaphore_mem>>
      %dma_start3A_70 = arith.constant 0 : i32
      %dma_start3A_71 = arith.constant 0 : i32
      %dma_start3A_72 = tpu.memref_slice %arg14[%dma_start3A_70, %dma_start3A_71] : memref<128x128xf32, #tpu.memory_space<vmem>> -> memref<120x128xf32, #tpu.memory_space<vmem>>
      %dma_start3A_73 = arith.constant 0 : i32
      %dma_start3A_74 = tpu.memref_slice %arg21[%add3A_23, %dma_start3A_73] : memref<10112x128xf32, #tpu.memory_space<vmem_shared>> -> memref<120x128xf32, #tpu.memory_space<vmem_shared>>
      %dma_start3A_75 = arith.constant 0 : i32
      %dma_start3A_76 = tpu.memref_slice %arg21[%add3A_23, %dma_start3A_75] : memref<10112x128xf32, #tpu.memory_space<vmem_shared>> -> memref<120x128xf32, #tpu.memory_space<vmem_shared>>
      %dma_start3A_77 = arith.constant 0 : i32
      %dma_start3A_78 = arith.constant 0 : i32
      %dma_start3A_79 = tpu.memref_slice %arg14[%dma_start3A_77, %dma_start3A_78] : memref<128x128xf32, #tpu.memory_space<vmem>> -> memref<120x128xf32, #tpu.memory_space<vmem>>
      tpu.enqueue_dma source(%dma_start3A_79 : memref<120x128xf32, #tpu.memory_space<vmem>>) target(%dma_start3A_76 : memref<120x128xf32, #tpu.memory_space<vmem_shared>>) target_semaphore(%run_scoped3A : memref<!tpu.dma_semaphore, #tpu.memory_space<semaphore_mem>>)
      %dma_wait3A_80 = arith.constant 0 : i32
      %dma_wait3A_81 = arith.constant 0 : i32
      %dma_wait3A_82 = tpu.memref_slice %arg14[%dma_wait3A_80, %dma_wait3A_81] : memref<128x128xf32, #tpu.memory_space<vmem>> -> memref<120x128xf32, #tpu.memory_space<vmem>>
      %dma_wait3A_83 = arith.constant 0 : i32
      %dma_wait3A_84 = tpu.memref_slice %arg21[%add3A_23, %dma_wait3A_83] : memref<10112x128xf32, #tpu.memory_space<vmem_shared>> -> memref<120x128xf32, #tpu.memory_space<vmem_shared>>
      %dma_wait3A_85 = arith.constant 0 : i32
      %dma_wait3A_86 = tpu.memref_slice %arg21[%add3A_23, %dma_wait3A_85] : memref<10112x128xf32, #tpu.memory_space<vmem_shared>> -> memref<120x128xf32, #tpu.memory_space<vmem_shared>>
      %dma_wait3A_87 = arith.constant 0 : i32
      %dma_wait3A_88 = arith.constant 0 : i32
      %dma_wait3A_89 = tpu.memref_slice %arg14[%dma_wait3A_87, %dma_wait3A_88] : memref<128x128xf32, #tpu.memory_space<vmem>> -> memref<120x128xf32, #tpu.memory_space<vmem>>
      tpu.wait_dma2 semaphore(%run_scoped3A : memref<!tpu.dma_semaphore, #tpu.memory_space<semaphore_mem>>) src(%dma_wait3A_89 : memref<120x128xf32, #tpu.memory_space<vmem>>) dst(%dma_wait3A_86 : memref<120x128xf32, #tpu.memory_space<vmem_shared>>)
      tpu.yield
    }) : () -> ()
    %mul3A_24 = arith.constant 80 : i32
    %mul3A_25 = arith.muli %arg1, %mul3A_24 : i32
    %mul3A_26 = arith.constant 128 : i32
    %mul3A_27 = arith.muli %mul3A_25, %mul3A_26 : i32
    %add3A_28 = arith.constant 0 : i32
    %add3A_29 = arith.addi %mul3A_27, %add3A_28 : i32
    %dma_start3A = tpu.memref_slice %arg4[%add3A_29] : memref<163840xi32, #tpu.memory_space<hbm>> -> memref<128xi32, #tpu.memory_space<hbm>>
    %dma_start3A_30 = tpu.memref_slice %arg4[%add3A_29] : memref<163840xi32, #tpu.memory_space<hbm>> -> memref<128xi32, #tpu.memory_space<hbm>>
    tpu.enqueue_dma source(%dma_start3A_30 : memref<128xi32, #tpu.memory_space<hbm>>) target(%arg8 : memref<128xi32, #tpu.memory_space<vmem>>) target_semaphore(%arg15 : memref<!tpu.dma_semaphore, #tpu.memory_space<semaphore_mem>>)
    %dma_start3A_31 = tpu.memref_slice %arg5[%add3A_29] : memref<163840xi32, #tpu.memory_space<hbm>> -> memref<128xi32, #tpu.memory_space<hbm>>
    %dma_start3A_32 = tpu.memref_slice %arg5[%add3A_29] : memref<163840xi32, #tpu.memory_space<hbm>> -> memref<128xi32, #tpu.memory_space<hbm>>
    tpu.enqueue_dma source(%dma_start3A_32 : memref<128xi32, #tpu.memory_space<hbm>>) target(%arg10 : memref<128xi32, #tpu.memory_space<vmem>>) target_semaphore(%arg15 : memref<!tpu.dma_semaphore, #tpu.memory_space<semaphore_mem>>)
    %dma_wait3A = arith.constant 0 : i32
    %dma_wait3A_33 = tpu.memref_slice %arg4[%dma_wait3A] : memref<163840xi32, #tpu.memory_space<hbm>> -> memref<128xi32, #tpu.memory_space<hbm>>
    %dma_wait3A_34 = arith.constant 0 : i32
    %dma_wait3A_35 = tpu.memref_slice %arg4[%dma_wait3A_34] : memref<163840xi32, #tpu.memory_space<hbm>> -> memref<128xi32, #tpu.memory_space<hbm>>
    tpu.wait_dma2 semaphore(%arg15 : memref<!tpu.dma_semaphore, #tpu.memory_space<semaphore_mem>>) src(%dma_wait3A_35 : memref<128xi32, #tpu.memory_space<hbm>>) dst(%arg8 : memref<128xi32, #tpu.memory_space<vmem>>)
    %dma_wait3A_36 = arith.constant 0 : i32
    %dma_wait3A_37 = tpu.memref_slice %arg4[%dma_wait3A_36] : memref<163840xi32, #tpu.memory_space<hbm>> -> memref<128xi32, #tpu.memory_space<hbm>>
    %dma_wait3A_38 = arith.constant 0 : i32
    %dma_wait3A_39 = tpu.memref_slice %arg4[%dma_wait3A_38] : memref<163840xi32, #tpu.memory_space<hbm>> -> memref<128xi32, #tpu.memory_space<hbm>>
    tpu.wait_dma2 semaphore(%arg15 : memref<!tpu.dma_semaphore, #tpu.memory_space<semaphore_mem>>) src(%dma_wait3A_39 : memref<128xi32, #tpu.memory_space<hbm>>) dst(%arg10 : memref<128xi32, #tpu.memory_space<vmem>>)
    %eq3A = arith.constant 0 : i32
    %eq3A_40 = arith.cmpi eq, %arg0, %eq3A : i32
    %convert_element_type3A = arith.extui %eq3A_40 : i1 to i32
    %cond3A = arith.constant 0 : i32
    %cond3A_41 = arith.cmpi ne, %convert_element_type3A, %cond3A : i32
    scf.if %cond3A_41 {
      %dma_start3A_70 = arith.constant 0 : i32
      %dma_start3A_71 = arith.constant 0 : i32
      %dma_start3A_72 = tpu.memref_slice %arg2[%dma_start3A_70, %dma_start3A_71] : memref<10000x128xf32, #tpu.memory_space<hbm>> -> memref<10000x128xf32, #tpu.memory_space<hbm>>
      tpu.enqueue_indirect_dma source(%dma_start3A_72 : memref<10000x128xf32, #tpu.memory_space<hbm>>) target(%arg12 : memref<128x128xf32, #tpu.memory_space<vmem>>) offsets(%arg8 : memref<128xi32, #tpu.memory_space<vmem>>) semaphore(%arg17 : memref<!tpu.dma_semaphore, #tpu.memory_space<semaphore_mem>>)
    } else {
    }
    %eq3A_42 = arith.constant 1 : i32
    %eq3A_43 = arith.cmpi eq, %arg0, %eq3A_42 : i32
    %convert_element_type3A_44 = arith.extui %eq3A_43 : i1 to i32
    %cond3A_45 = arith.constant 0 : i32
    %cond3A_46 = arith.cmpi ne, %convert_element_type3A_44, %cond3A_45 : i32
    scf.if %cond3A_46 {
      %dma_start3A_70 = arith.constant 0 : i32
      %dma_start3A_71 = arith.constant 0 : i32
      %dma_start3A_72 = tpu.memref_slice %arg3[%dma_start3A_70, %dma_start3A_71] : memref<10000x128xf32, #tpu.memory_space<hbm>> -> memref<10000x128xf32, #tpu.memory_space<hbm>>
      tpu.enqueue_indirect_dma source(%dma_start3A_72 : memref<10000x128xf32, #tpu.memory_space<hbm>>) target(%arg12 : memref<128x128xf32, #tpu.memory_space<vmem>>) offsets(%arg8 : memref<128xi32, #tpu.memory_space<vmem>>) semaphore(%arg17 : memref<!tpu.dma_semaphore, #tpu.memory_space<semaphore_mem>>)
    } else {
    }
    %scan3A_47 = arith.constant 0 : i32
    %scan3A_48 = arith.constant 0 : i32
    %scan3A_49 = arith.constant 40 : i32
    %scan3A_50 = arith.addi %scan3A_48, %scan3A_49 : i32
    %scan3A_51 = arith.constant 1 : i32
    %scan3A_52 = scf.for %scan3A_70 = %scan3A_48 to %scan3A_50 step %scan3A_51 iter_args(%scan3A_71 = %scan3A_47) -> (i32)  : i32 {
      %mul3A_72 = arith.constant 2 : i32
      %mul3A_73 = arith.muli %scan3A_70, %mul3A_72 : i32
      %add3A_74 = arith.constant 0 : i32
      %add3A_75 = arith.addi %mul3A_73, %add3A_74 : i32
      %ge3A = arith.constant 1 : i32
      %ge3A_76 = arith.cmpi sge, %add3A_75, %ge3A : i32
      %convert_element_type3A_77 = arith.extui %ge3A_76 : i1 to i32
      %cond3A_78 = arith.constant 0 : i32
      %cond3A_79 = arith.cmpi ne, %convert_element_type3A_77, %cond3A_78 : i32
      scf.if %cond3A_79 {
        %dma_wait3A_135 = arith.constant 0 : i32
        %dma_wait3A_136 = arith.constant 0 : i32
        %dma_wait3A_137 = tpu.memref_slice %arg2[%dma_wait3A_135, %dma_wait3A_136] : memref<10000x128xf32, #tpu.memory_space<hbm>> -> memref<128x128xf32, #tpu.memory_space<hbm>>
        %dma_wait3A_138 = arith.constant 0 : i32
        %dma_wait3A_139 = arith.constant 0 : i32
        %dma_wait3A_140 = tpu.memref_slice %arg2[%dma_wait3A_138, %dma_wait3A_139] : memref<10000x128xf32, #tpu.memory_space<hbm>> -> memref<128x128xf32, #tpu.memory_space<hbm>>
        tpu.wait_dma2 semaphore(%arg20 : memref<!tpu.dma_semaphore, #tpu.memory_space<semaphore_mem>>) src(%dma_wait3A_140 : memref<128x128xf32, #tpu.memory_space<hbm>>) dst(%arg13 : memref<128x128xf32, #tpu.memory_space<vmem>>)
      } else {
      }
      %add3A_80 = arith.constant 1 : i32
      %add3A_81 = arith.addi %add3A_75, %add3A_80 : i32
      %lt3A = arith.constant 80 : i32
      %lt3A_82 = arith.cmpi slt, %add3A_81, %lt3A : i32
      %convert_element_type3A_83 = arith.extui %lt3A_82 : i1 to i32
      %cond3A_84 = arith.constant 0 : i32
      %cond3A_85 = arith.cmpi ne, %convert_element_type3A_83, %cond3A_84 : i32
      scf.if %cond3A_85 {
        %add3A_135 = arith.constant 1 : i32
        %add3A_136 = arith.addi %add3A_75, %add3A_135 : i32
        %mul3A_137 = arith.constant 128 : i32
        %mul3A_138 = arith.muli %add3A_136, %mul3A_137 : i32
        %add3A_139 = arith.addi %mul3A_27, %mul3A_138 : i32
        %dma_start3A_140 = tpu.memref_slice %arg4[%add3A_139] : memref<163840xi32, #tpu.memory_space<hbm>> -> memref<128xi32, #tpu.memory_space<hbm>>
        %dma_start3A_141 = tpu.memref_slice %arg4[%add3A_139] : memref<163840xi32, #tpu.memory_space<hbm>> -> memref<128xi32, #tpu.memory_space<hbm>>
        tpu.enqueue_dma source(%dma_start3A_141 : memref<128xi32, #tpu.memory_space<hbm>>) target(%arg9 : memref<128xi32, #tpu.memory_space<vmem>>) target_semaphore(%arg16 : memref<!tpu.dma_semaphore, #tpu.memory_space<semaphore_mem>>)
        %dma_start3A_142 = tpu.memref_slice %arg5[%add3A_139] : memref<163840xi32, #tpu.memory_space<hbm>> -> memref<128xi32, #tpu.memory_space<hbm>>
        %dma_start3A_143 = tpu.memref_slice %arg5[%add3A_139] : memref<163840xi32, #tpu.memory_space<hbm>> -> memref<128xi32, #tpu.memory_space<hbm>>
        tpu.enqueue_dma source(%dma_start3A_143 : memref<128xi32, #tpu.memory_space<hbm>>) target(%arg11 : memref<128xi32, #tpu.memory_space<vmem>>) target_semaphore(%arg16 : memref<!tpu.dma_semaphore, #tpu.memory_space<semaphore_mem>>)
      } else {
      }
      %dma_wait3A_86 = arith.constant 0 : i32
      %dma_wait3A_87 = arith.constant 0 : i32
      %dma_wait3A_88 = tpu.memref_slice %arg2[%dma_wait3A_86, %dma_wait3A_87] : memref<10000x128xf32, #tpu.memory_space<hbm>> -> memref<128x128xf32, #tpu.memory_space<hbm>>
      %dma_wait3A_89 = arith.constant 0 : i32
      %dma_wait3A_90 = arith.constant 0 : i32
      %dma_wait3A_91 = tpu.memref_slice %arg2[%dma_wait3A_89, %dma_wait3A_90] : memref<10000x128xf32, #tpu.memory_space<hbm>> -> memref<128x128xf32, #tpu.memory_space<hbm>>
      tpu.wait_dma2 semaphore(%arg17 : memref<!tpu.dma_semaphore, #tpu.memory_space<semaphore_mem>>) src(%dma_wait3A_91 : memref<128x128xf32, #tpu.memory_space<hbm>>) dst(%arg12 : memref<128x128xf32, #tpu.memory_space<vmem>>)
      %dma_start3A_92 = arith.constant 0 : i32
      %dma_start3A_93 = arith.constant 0 : i32
      %dma_start3A_94 = tpu.memref_slice %arg21[%dma_start3A_92, %dma_start3A_93] : memref<10112x128xf32, #tpu.memory_space<vmem_shared>> -> memref<10112x128xf32, #tpu.memory_space<vmem_shared>>
      tpu.enqueue_indirect_dma source(%arg12 : memref<128x128xf32, #tpu.memory_space<vmem>>) target(%dma_start3A_94 : memref<10112x128xf32, #tpu.memory_space<vmem_shared>>) offsets(%arg10 : memref<128xi32, #tpu.memory_space<vmem>>) semaphore(%arg19 : memref<!tpu.dma_semaphore, #tpu.memory_space<semaphore_mem>>) {add = true}
      %add3A_95 = arith.constant 1 : i32
      %add3A_96 = arith.addi %add3A_75, %add3A_95 : i32
      %lt3A_97 = arith.constant 80 : i32
      %lt3A_98 = arith.cmpi slt, %add3A_96, %lt3A_97 : i32
      %convert_element_type3A_99 = arith.extui %lt3A_98 : i1 to i32
      %cond3A_100 = arith.constant 0 : i32
      %cond3A_101 = arith.cmpi ne, %convert_element_type3A_99, %cond3A_100 : i32
      scf.if %cond3A_101 {
        %dma_wait3A_135 = arith.constant 0 : i32
        %dma_wait3A_136 = tpu.memref_slice %arg4[%dma_wait3A_135] : memref<163840xi32, #tpu.memory_space<hbm>> -> memref<128xi32, #tpu.memory_space<hbm>>
        %dma_wait3A_137 = arith.constant 0 : i32
        %dma_wait3A_138 = tpu.memref_slice %arg4[%dma_wait3A_137] : memref<163840xi32, #tpu.memory_space<hbm>> -> memref<128xi32, #tpu.memory_space<hbm>>
        tpu.wait_dma2 semaphore(%arg16 : memref<!tpu.dma_semaphore, #tpu.memory_space<semaphore_mem>>) src(%dma_wait3A_138 : memref<128xi32, #tpu.memory_space<hbm>>) dst(%arg9 : memref<128xi32, #tpu.memory_space<vmem>>)
        %dma_wait3A_139 = arith.constant 0 : i32
        %dma_wait3A_140 = tpu.memref_slice %arg4[%dma_wait3A_139] : memref<163840xi32, #tpu.memory_space<hbm>> -> memref<128xi32, #tpu.memory_space<hbm>>
        %dma_wait3A_141 = arith.constant 0 : i32
        %dma_wait3A_142 = tpu.memref_slice %arg4[%dma_wait3A_141] : memref<163840xi32, #tpu.memory_space<hbm>> -> memref<128xi32, #tpu.memory_space<hbm>>
        tpu.wait_dma2 semaphore(%arg16 : memref<!tpu.dma_semaphore, #tpu.memory_space<semaphore_mem>>) src(%dma_wait3A_142 : memref<128xi32, #tpu.memory_space<hbm>>) dst(%arg11 : memref<128xi32, #tpu.memory_space<vmem>>)
        %eq3A_143 = arith.constant 0 : i32
        %eq3A_144 = arith.cmpi eq, %arg0, %eq3A_143 : i32
        %convert_element_type3A_145 = arith.extui %eq3A_144 : i1 to i32
        %cond3A_146 = arith.constant 0 : i32
        %cond3A_147 = arith.cmpi ne, %convert_element_type3A_145, %cond3A_146 : i32
        scf.if %cond3A_147 {
          %dma_start3A_153 = arith.constant 0 : i32
          %dma_start3A_154 = arith.constant 0 : i32
          %dma_start3A_155 = tpu.memref_slice %arg2[%dma_start3A_153, %dma_start3A_154] : memref<10000x128xf32, #tpu.memory_space<hbm>> -> memref<10000x128xf32, #tpu.memory_space<hbm>>
          tpu.enqueue_indirect_dma source(%dma_start3A_155 : memref<10000x128xf32, #tpu.memory_space<hbm>>) target(%arg13 : memref<128x128xf32, #tpu.memory_space<vmem>>) offsets(%arg9 : memref<128xi32, #tpu.memory_space<vmem>>) semaphore(%arg18 : memref<!tpu.dma_semaphore, #tpu.memory_space<semaphore_mem>>)
        } else {
        }
        %eq3A_148 = arith.constant 1 : i32
        %eq3A_149 = arith.cmpi eq, %arg0, %eq3A_148 : i32
        %convert_element_type3A_150 = arith.extui %eq3A_149 : i1 to i32
        %cond3A_151 = arith.constant 0 : i32
        %cond3A_152 = arith.cmpi ne, %convert_element_type3A_150, %cond3A_151 : i32
        scf.if %cond3A_152 {
          %dma_start3A_153 = arith.constant 0 : i32
          %dma_start3A_154 = arith.constant 0 : i32
          %dma_start3A_155 = tpu.memref_slice %arg3[%dma_start3A_153, %dma_start3A_154] : memref<10000x128xf32, #tpu.memory_space<hbm>> -> memref<10000x128xf32, #tpu.memory_space<hbm>>
          tpu.enqueue_indirect_dma source(%dma_start3A_155 : memref<10000x128xf32, #tpu.memory_space<hbm>>) target(%arg13 : memref<128x128xf32, #tpu.memory_space<vmem>>) offsets(%arg9 : memref<128xi32, #tpu.memory_space<vmem>>) semaphore(%arg18 : memref<!tpu.dma_semaphore, #tpu.memory_space<semaphore_mem>>)
        } else {
        }
      } else {
      }
      %mul3A_102 = arith.constant 2 : i32
      %mul3A_103 = arith.muli %scan3A_70, %mul3A_102 : i32
      %add3A_104 = arith.constant 1 : i32
      %add3A_105 = arith.addi %mul3A_103, %add3A_104 : i32
      %ge3A_106 = arith.constant 1 : i32
      %ge3A_107 = arith.cmpi sge, %add3A_105, %ge3A_106 : i32
      %convert_element_type3A_108 = arith.extui %ge3A_107 : i1 to i32
      %cond3A_109 = arith.constant 0 : i32
      %cond3A_110 = arith.cmpi ne, %convert_element_type3A_108, %cond3A_109 : i32
      scf.if %cond3A_110 {
        %dma_wait3A_135 = arith.constant 0 : i32
        %dma_wait3A_136 = arith.constant 0 : i32
        %dma_wait3A_137 = tpu.memref_slice %arg2[%dma_wait3A_135, %dma_wait3A_136] : memref<10000x128xf32, #tpu.memory_space<hbm>> -> memref<128x128xf32, #tpu.memory_space<hbm>>
        %dma_wait3A_138 = arith.constant 0 : i32
        %dma_wait3A_139 = arith.constant 0 : i32
        %dma_wait3A_140 = tpu.memref_slice %arg2[%dma_wait3A_138, %dma_wait3A_139] : memref<10000x128xf32, #tpu.memory_space<hbm>> -> memref<128x128xf32, #tpu.memory_space<hbm>>
        tpu.wait_dma2 semaphore(%arg19 : memref<!tpu.dma_semaphore, #tpu.memory_space<semaphore_mem>>) src(%dma_wait3A_140 : memref<128x128xf32, #tpu.memory_space<hbm>>) dst(%arg12 : memref<128x128xf32, #tpu.memory_space<vmem>>)
      } else {
      }
      %add3A_111 = arith.constant 1 : i32
      %add3A_112 = arith.addi %add3A_105, %add3A_111 : i32
      %lt3A_113 = arith.constant 80 : i32
      %lt3A_114 = arith.cmpi slt, %add3A_112, %lt3A_113 : i32
      %convert_element_type3A_115 = arith.extui %lt3A_114 : i1 to i32
      %cond3A_116 = arith.constant 0 : i32
      %cond3A_117 = arith.cmpi ne, %convert_element_type3A_115, %cond3A_116 : i32
      scf.if %cond3A_117 {
        %add3A_135 = arith.constant 1 : i32
        %add3A_136 = arith.addi %add3A_105, %add3A_135 : i32
        %mul3A_137 = arith.constant 128 : i32
        %mul3A_138 = arith.muli %add3A_136, %mul3A_137 : i32
        %add3A_139 = arith.addi %mul3A_27, %mul3A_138 : i32
        %dma_start3A_140 = tpu.memref_slice %arg4[%add3A_139] : memref<163840xi32, #tpu.memory_space<hbm>> -> memref<128xi32, #tpu.memory_space<hbm>>
        %dma_start3A_141 = tpu.memref_slice %arg4[%add3A_139] : memref<163840xi32, #tpu.memory_space<hbm>> -> memref<128xi32, #tpu.memory_space<hbm>>
        tpu.enqueue_dma source(%dma_start3A_141 : memref<128xi32, #tpu.memory_space<hbm>>) target(%arg8 : memref<128xi32, #tpu.memory_space<vmem>>) target_semaphore(%arg15 : memref<!tpu.dma_semaphore, #tpu.memory_space<semaphore_mem>>)
        %dma_start3A_142 = tpu.memref_slice %arg5[%add3A_139] : memref<163840xi32, #tpu.memory_space<hbm>> -> memref<128xi32, #tpu.memory_space<hbm>>
        %dma_start3A_143 = tpu.memref_slice %arg5[%add3A_139] : memref<163840xi32, #tpu.memory_space<hbm>> -> memref<128xi32, #tpu.memory_space<hbm>>
        tpu.enqueue_dma source(%dma_start3A_143 : memref<128xi32, #tpu.memory_space<hbm>>) target(%arg10 : memref<128xi32, #tpu.memory_space<vmem>>) target_semaphore(%arg15 : memref<!tpu.dma_semaphore, #tpu.memory_space<semaphore_mem>>)
      } else {
      }
      %dma_wait3A_118 = arith.constant 0 : i32
      %dma_wait3A_119 = arith.constant 0 : i32
      %dma_wait3A_120 = tpu.memref_slice %arg2[%dma_wait3A_118, %dma_wait3A_119] : memref<10000x128xf32, #tpu.memory_space<hbm>> -> memref<128x128xf32, #tpu.memory_space<hbm>>
      %dma_wait3A_121 = arith.constant 0 : i32
      %dma_wait3A_122 = arith.constant 0 : i32
      %dma_wait3A_123 = tpu.memref_slice %arg2[%dma_wait3A_121, %dma_wait3A_122] : memref<10000x128xf32, #tpu.memory_space<hbm>> -> memref<128x128xf32, #tpu.memory_space<hbm>>
      tpu.wait_dma2 semaphore(%arg18 : memref<!tpu.dma_semaphore, #tpu.memory_space<semaphore_mem>>) src(%dma_wait3A_123 : memref<128x128xf32, #tpu.memory_space<hbm>>) dst(%arg13 : memref<128x128xf32, #tpu.memory_space<vmem>>)
      %dma_start3A_124 = arith.constant 0 : i32
      %dma_start3A_125 = arith.constant 0 : i32
      %dma_start3A_126 = tpu.memref_slice %arg21[%dma_start3A_124, %dma_start3A_125] : memref<10112x128xf32, #tpu.memory_space<vmem_shared>> -> memref<10112x128xf32, #tpu.memory_space<vmem_shared>>
      tpu.enqueue_indirect_dma source(%arg13 : memref<128x128xf32, #tpu.memory_space<vmem>>) target(%dma_start3A_126 : memref<10112x128xf32, #tpu.memory_space<vmem_shared>>) offsets(%arg11 : memref<128xi32, #tpu.memory_space<vmem>>) semaphore(%arg20 : memref<!tpu.dma_semaphore, #tpu.memory_space<semaphore_mem>>) {add = true}
      %add3A_127 = arith.constant 1 : i32
      %add3A_128 = arith.addi %add3A_105, %add3A_127 : i32
      %lt3A_129 = arith.constant 80 : i32
      %lt3A_130 = arith.cmpi slt, %add3A_128, %lt3A_129 : i32
      %convert_element_type3A_131 = arith.extui %lt3A_130 : i1 to i32
      %cond3A_132 = arith.constant 0 : i32
      %cond3A_133 = arith.cmpi ne, %convert_element_type3A_131, %cond3A_132 : i32
      scf.if %cond3A_133 {
        %dma_wait3A_135 = arith.constant 0 : i32
        %dma_wait3A_136 = tpu.memref_slice %arg4[%dma_wait3A_135] : memref<163840xi32, #tpu.memory_space<hbm>> -> memref<128xi32, #tpu.memory_space<hbm>>
        %dma_wait3A_137 = arith.constant 0 : i32
        %dma_wait3A_138 = tpu.memref_slice %arg4[%dma_wait3A_137] : memref<163840xi32, #tpu.memory_space<hbm>> -> memref<128xi32, #tpu.memory_space<hbm>>
        tpu.wait_dma2 semaphore(%arg15 : memref<!tpu.dma_semaphore, #tpu.memory_space<semaphore_mem>>) src(%dma_wait3A_138 : memref<128xi32, #tpu.memory_space<hbm>>) dst(%arg8 : memref<128xi32, #tpu.memory_space<vmem>>)
        %dma_wait3A_139 = arith.constant 0 : i32
        %dma_wait3A_140 = tpu.memref_slice %arg4[%dma_wait3A_139] : memref<163840xi32, #tpu.memory_space<hbm>> -> memref<128xi32, #tpu.memory_space<hbm>>
        %dma_wait3A_141 = arith.constant 0 : i32
        %dma_wait3A_142 = tpu.memref_slice %arg4[%dma_wait3A_141] : memref<163840xi32, #tpu.memory_space<hbm>> -> memref<128xi32, #tpu.memory_space<hbm>>
        tpu.wait_dma2 semaphore(%arg15 : memref<!tpu.dma_semaphore, #tpu.memory_space<semaphore_mem>>) src(%dma_wait3A_142 : memref<128xi32, #tpu.memory_space<hbm>>) dst(%arg10 : memref<128xi32, #tpu.memory_space<vmem>>)
        %eq3A_143 = arith.constant 0 : i32
        %eq3A_144 = arith.cmpi eq, %arg0, %eq3A_143 : i32
        %convert_element_type3A_145 = arith.extui %eq3A_144 : i1 to i32
        %cond3A_146 = arith.constant 0 : i32
        %cond3A_147 = arith.cmpi ne, %convert_element_type3A_145, %cond3A_146 : i32
        scf.if %cond3A_147 {
          %dma_start3A_153 = arith.constant 0 : i32
          %dma_start3A_154 = arith.constant 0 : i32
          %dma_start3A_155 = tpu.memref_slice %arg2[%dma_start3A_153, %dma_start3A_154] : memref<10000x128xf32, #tpu.memory_space<hbm>> -> memref<10000x128xf32, #tpu.memory_space<hbm>>
          tpu.enqueue_indirect_dma source(%dma_start3A_155 : memref<10000x128xf32, #tpu.memory_space<hbm>>) target(%arg12 : memref<128x128xf32, #tpu.memory_space<vmem>>) offsets(%arg8 : memref<128xi32, #tpu.memory_space<vmem>>) semaphore(%arg17 : memref<!tpu.dma_semaphore, #tpu.memory_space<semaphore_mem>>)
        } else {
        }
        %eq3A_148 = arith.constant 1 : i32
        %eq3A_149 = arith.cmpi eq, %arg0, %eq3A_148 : i32
        %convert_element_type3A_150 = arith.extui %eq3A_149 : i1 to i32
        %cond3A_151 = arith.constant 0 : i32
        %cond3A_152 = arith.cmpi ne, %convert_element_type3A_150, %cond3A_151 : i32
        scf.if %cond3A_152 {
          %dma_start3A_153 = arith.constant 0 : i32
          %dma_start3A_154 = arith.constant 0 : i32
          %dma_start3A_155 = tpu.memref_slice %arg3[%dma_start3A_153, %dma_start3A_154] : memref<10000x128xf32, #tpu.memory_space<hbm>> -> memref<10000x128xf32, #tpu.memory_space<hbm>>
          tpu.enqueue_indirect_dma source(%dma_start3A_155 : memref<10000x128xf32, #tpu.memory_space<hbm>>) target(%arg12 : memref<128x128xf32, #tpu.memory_space<vmem>>) offsets(%arg8 : memref<128xi32, #tpu.memory_space<vmem>>) semaphore(%arg17 : memref<!tpu.dma_semaphore, #tpu.memory_space<semaphore_mem>>)
        } else {
        }
      } else {
      }
      %scan3A_134 = arith.constant 0 : i32
      scf.yield %scan3A_134 : i32
    }
    %scan3A_53 = arith.constant 40 : i32
    %dma_wait3A_54 = arith.constant 0 : i32
    %dma_wait3A_55 = arith.constant 0 : i32
    %dma_wait3A_56 = tpu.memref_slice %arg2[%dma_wait3A_54, %dma_wait3A_55] : memref<10000x128xf32, #tpu.memory_space<hbm>> -> memref<128x128xf32, #tpu.memory_space<hbm>>
    %dma_wait3A_57 = arith.constant 0 : i32
    %dma_wait3A_58 = arith.constant 0 : i32
    %dma_wait3A_59 = tpu.memref_slice %arg2[%dma_wait3A_57, %dma_wait3A_58] : memref<10000x128xf32, #tpu.memory_space<hbm>> -> memref<128x128xf32, #tpu.memory_space<hbm>>
    tpu.wait_dma2 semaphore(%arg20 : memref<!tpu.dma_semaphore, #tpu.memory_space<semaphore_mem>>) src(%dma_wait3A_59 : memref<128x128xf32, #tpu.memory_space<hbm>>) dst(%arg13 : memref<128x128xf32, #tpu.memory_space<vmem>>)
    %barrier3A = arith.constant 0 : index
    tpu.barrier barrier_id(%barrier3A)
    %eq3A_60 = arith.constant 0 : i32
    %eq3A_61 = arith.cmpi eq, %arg0, %eq3A_60 : i32
    %convert_element_type3A_62 = arith.extui %eq3A_61 : i1 to i32
    %cond3A_63 = arith.constant 0 : i32
    %cond3A_64 = arith.cmpi ne, %convert_element_type3A_62, %cond3A_63 : i32
    scf.if %cond3A_64 {
      %mul3A_70 = arith.constant 632 : i32
      %mul3A_71 = arith.muli %arg1, %mul3A_70 : i32
      %mul3A_72 = arith.constant 632 : i32
      %mul3A_73 = arith.muli %arg1, %mul3A_72 : i32
      "tpu.region"() ({
        %run_scoped3A = tpu.sem_alloc : memref<!tpu.dma_semaphore, #tpu.memory_space<semaphore_mem>>
        %dma_start3A_74 = arith.constant 0 : i32
        %dma_start3A_75 = tpu.memref_slice %arg6[%mul3A_73, %dma_start3A_74] : memref<10112x128xf32, #tpu.memory_space<hbm>> -> memref<632x128xf32, #tpu.memory_space<hbm>>
        %dma_start3A_76 = arith.constant 0 : i32
        %dma_start3A_77 = tpu.memref_slice %arg21[%mul3A_71, %dma_start3A_76] : memref<10112x128xf32, #tpu.memory_space<vmem_shared>> -> memref<632x128xf32, #tpu.memory_space<vmem_shared>>
        tpu.enqueue_dma source(%dma_start3A_77 : memref<632x128xf32, #tpu.memory_space<vmem_shared>>) target(%dma_start3A_75 : memref<632x128xf32, #tpu.memory_space<hbm>>) target_semaphore(%run_scoped3A : memref<!tpu.dma_semaphore, #tpu.memory_space<semaphore_mem>>)
        %dma_wait3A_78 = arith.constant 0 : i32
        %dma_wait3A_79 = tpu.memref_slice %arg6[%mul3A_73, %dma_wait3A_78] : memref<10112x128xf32, #tpu.memory_space<hbm>> -> memref<632x128xf32, #tpu.memory_space<hbm>>
        %dma_wait3A_80 = arith.constant 0 : i32
        %dma_wait3A_81 = tpu.memref_slice %arg21[%mul3A_71, %dma_wait3A_80] : memref<10112x128xf32, #tpu.memory_space<vmem_shared>> -> memref<632x128xf32, #tpu.memory_space<vmem_shared>>
        tpu.wait_dma2 semaphore(%run_scoped3A : memref<!tpu.dma_semaphore, #tpu.memory_space<semaphore_mem>>) src(%dma_wait3A_81 : memref<632x128xf32, #tpu.memory_space<vmem_shared>>) dst(%dma_wait3A_79 : memref<632x128xf32, #tpu.memory_space<hbm>>)
        tpu.yield
      }) : () -> ()
    } else {
    }
    %eq3A_65 = arith.constant 1 : i32
    %eq3A_66 = arith.cmpi eq, %arg0, %eq3A_65 : i32
    %convert_element_type3A_67 = arith.extui %eq3A_66 : i1 to i32
    %cond3A_68 = arith.constant 0 : i32
    %cond3A_69 = arith.cmpi ne, %convert_element_type3A_67, %cond3A_68 : i32
    scf.if %cond3A_69 {
      %mul3A_70 = arith.constant 632 : i32
      %mul3A_71 = arith.muli %arg1, %mul3A_70 : i32
      %mul3A_72 = arith.constant 632 : i32
      %mul3A_73 = arith.muli %arg1, %mul3A_72 : i32
      "tpu.region"() ({
        %run_scoped3A = tpu.sem_alloc : memref<!tpu.dma_semaphore, #tpu.memory_space<semaphore_mem>>
        %dma_start3A_74 = arith.constant 0 : i32
        %dma_start3A_75 = tpu.memref_slice %arg7[%mul3A_73, %dma_start3A_74] : memref<10112x128xf32, #tpu.memory_space<hbm>> -> memref<632x128xf32, #tpu.memory_space<hbm>>
        %dma_start3A_76 = arith.constant 0 : i32
        %dma_start3A_77 = tpu.memref_slice %arg21[%mul3A_71, %dma_start3A_76] : memref<10112x128xf32, #tpu.memory_space<vmem_shared>> -> memref<632x128xf32, #tpu.memory_space<vmem_shared>>
        tpu.enqueue_dma source(%dma_start3A_77 : memref<632x128xf32, #tpu.memory_space<vmem_shared>>) target(%dma_start3A_75 : memref<632x128xf32, #tpu.memory_space<hbm>>) target_semaphore(%run_scoped3A : memref<!tpu.dma_semaphore, #tpu.memory_space<semaphore_mem>>)
        %dma_wait3A_78 = arith.constant 0 : i32
        %dma_wait3A_79 = tpu.memref_slice %arg7[%mul3A_73, %dma_wait3A_78] : memref<10112x128xf32, #tpu.memory_space<hbm>> -> memref<632x128xf32, #tpu.memory_space<hbm>>
        %dma_wait3A_80 = arith.constant 0 : i32
        %dma_wait3A_81 = tpu.memref_slice %arg21[%mul3A_71, %dma_wait3A_80] : memref<10112x128xf32, #tpu.memory_space<vmem_shared>> -> memref<632x128xf32, #tpu.memory_space<vmem_shared>>
        tpu.wait_dma2 semaphore(%run_scoped3A : memref<!tpu.dma_semaphore, #tpu.memory_space<semaphore_mem>>) src(%dma_wait3A_81 : memref<632x128xf32, #tpu.memory_space<vmem_shared>>) dst(%dma_wait3A_79 : memref<632x128xf32, #tpu.memory_space<hbm>>)
        tpu.yield
      }) : () -> ()
    } else {
    }
    return
  }
}

module attributes {stable_mosaic.version = 14 : i64} {
  func.func @_head_body(%arg0: i32, %arg1: memref<1000x128xf32, #tpu.memory_space<vmem>>, %arg2: memref<64x128xf32, #tpu.memory_space<vmem>>, %arg3: memref<256x256xf32, #tpu.memory_space<vmem>>, %arg4: memref<1000x16xf32, #tpu.memory_space<vmem>>, %arg5: memref<1000x256xf32, #tpu.memory_space<vmem>>, %arg6: memref<1000x128xf32, #tpu.memory_space<vmem>>, %arg7: memref<1000x128xf32, #tpu.memory_space<vmem>>, %arg8: memref<1000x128xf32, #tpu.memory_space<vmem>>) attributes {dimension_semantics = [#tpu.dimension_semantics<arbitrary>], iteration_bounds = array<i64: 10>, scalar_prefetch = 0 : i64, scratch_operands = 0 : i64, tpu.core_type = #tpu.core_type<tc>, window_params = [{transform_indices = @transform_0, window_bounds = array<i64: 1000, 128>}, {pipeline_mode = #tpu.pipeline_mode<synchronous>, transform_indices = @transform_1, window_bounds = array<i64: 64, 128>}, {pipeline_mode = #tpu.pipeline_mode<synchronous>, transform_indices = @transform_2, window_bounds = array<i64: 256, 256>}, {transform_indices = @transform_3, window_bounds = array<i64: 1000, 16>}, {transform_indices = @transform_4, window_bounds = array<i64: 1000, 256>}, {transform_indices = @transform_5, window_bounds = array<i64: 1000, 128>}, {transform_indices = @transform_6, window_bounds = array<i64: 1000, 128>}, {transform_indices = @transform_7, window_bounds = array<i64: 1000, 128>}]} {
    %get3A = arith.constant 0 : index
    %get3A_0 = arith.constant 0 : index
    %get3A_1 = vector.load %arg1[%get3A, %get3A_0] : memref<1000x128xf32, #tpu.memory_space<vmem>>, vector<1000x128xf32>
    %get3A_2 = arith.constant 0 : index
    %get3A_3 = arith.constant 0 : index
    %get3A_4 = vector.load %arg2[%get3A_2, %get3A_3] : memref<64x128xf32, #tpu.memory_space<vmem>>, vector<64x128xf32>
    %dot_general3A = arith.constant dense<0.000000e+00> : vector<1000x64xf32>
    %dot_general3A_5 = tpu.matmul %get3A_1, %get3A_4, %dot_general3A {dimension_numbers = #tpu.dot_dimension_numbers<[1], [1], [0], [0], [0, 0, 1, 0], [], []>, transpose_lhs_hint = false} : vector<1000x128xf32>, vector<64x128xf32>, vector<1000x64xf32> -> vector<1000x64xf32>
    %reduce_max3A = arith.constant dense<0xFF800000> : vector<1000xf32>
    %reduce_max3A_6 = vector.multi_reduction <maximumf>, %dot_general3A_5, %reduce_max3A [1] : vector<1000x64xf32> to vector<1000xf32>
    %broadcast_in_dim3A = vector.shape_cast %reduce_max3A_6 : vector<1000xf32> to vector<1000x1xf32>
    %iota3A = tpu.iota {dimensions = array<i32: 1>} : vector<1000x64xi32>
    %eq3A = vector.broadcast %broadcast_in_dim3A : vector<1000x1xf32> to vector<1000x64xf32>
    %eq3A_7 = arith.cmpf oeq, %dot_general3A_5, %eq3A : vector<1000x64xf32>
    %jit3A = arith.constant 64 : i32
    %broadcast_in_dim3A_8 = vector.broadcast %jit3A : i32 to vector<1000x64xi32>
    %select_n3A = arith.select %eq3A_7, %iota3A, %broadcast_in_dim3A_8 : vector<1000x64xi1>, vector<1000x64xi32>
    %reduce_min3A = arith.constant dense<2147483647> : vector<1000xi32>
    %reduce_min3A_9 = vector.multi_reduction <minsi>, %select_n3A, %reduce_min3A [1] : vector<1000x64xi32> to vector<1000xi32>
    %broadcast_in_dim3A_10 = vector.shape_cast %reduce_min3A_9 : vector<1000xi32> to vector<1000x1xi32>
    %eq3A_11 = vector.broadcast %broadcast_in_dim3A_10 : vector<1000x1xi32> to vector<1000x64xi32>
    %eq3A_12 = arith.cmpi eq, %iota3A, %eq3A_11 : vector<1000x64xi32>
    %convert_element_type3A = arith.extui %eq3A_12 : vector<1000x64xi1> to vector<1000x64xi32>
    %convert_element_type3A_13 = arith.sitofp %convert_element_type3A : vector<1000x64xi32> to vector<1000x64xf32>
    %dot_general3A_14 = arith.constant dense<0.000000e+00> : vector<1000x128xf32>
    %dot_general3A_15 = tpu.matmul %convert_element_type3A_13, %get3A_4, %dot_general3A_14 {dimension_numbers = #tpu.dot_dimension_numbers<[1], [0], [0], [1], [0, 0, 1, 1], [], []>, transpose_lhs_hint = false} : vector<1000x64xf32>, vector<64x128xf32>, vector<1000x128xf32> -> vector<1000x128xf32>
    %get3A_16 = arith.constant 0 : index
    %get3A_17 = arith.constant 0 : index
    %get3A_18 = vector.load %arg3[%get3A_16, %get3A_17] : memref<256x256xf32, #tpu.memory_space<vmem>>, vector<256x256xf32>
    %slice3A = vector.extract_strided_slice %get3A_18 {offsets = [0, 0], sizes = [128, 256], strides = [1, 1]} : vector<256x256xf32> to vector<128x256xf32>
    %dot_general3A_19 = arith.constant dense<0.000000e+00> : vector<1000x256xf32>
    %dot_general3A_20 = tpu.matmul %get3A_1, %slice3A, %dot_general3A_19 {dimension_numbers = #tpu.dot_dimension_numbers<[1], [0], [0], [1], [0, 0, 1, 1], [], []>, transpose_lhs_hint = false} : vector<1000x128xf32>, vector<128x256xf32>, vector<1000x256xf32> -> vector<1000x256xf32>
    %slice3A_21 = vector.extract_strided_slice %get3A_18 {offsets = [128, 0], sizes = [128, 256], strides = [1, 1]} : vector<256x256xf32> to vector<128x256xf32>
    %dot_general3A_22 = arith.constant dense<0.000000e+00> : vector<1000x256xf32>
    %dot_general3A_23 = tpu.matmul %dot_general3A_15, %slice3A_21, %dot_general3A_22 {dimension_numbers = #tpu.dot_dimension_numbers<[1], [0], [0], [1], [0, 0, 1, 1], [], []>, transpose_lhs_hint = false} : vector<1000x128xf32>, vector<128x256xf32>, vector<1000x256xf32> -> vector<1000x256xf32>
    %add3A = arith.addf %dot_general3A_20, %dot_general3A_23 : vector<1000x256xf32>
    %get3A_24 = arith.constant 0 : index
    %get3A_25 = arith.constant 0 : index
    %get3A_26 = vector.load %arg4[%get3A_24, %get3A_25] : memref<1000x16xf32, #tpu.memory_space<vmem>>, vector<1000x16xf32>
    %slice3A_27 = vector.extract_strided_slice %get3A_26 {offsets = [0, 0], sizes = [1000, 1], strides = [1, 1]} : vector<1000x16xf32> to vector<1000x1xf32>
    %gt3A = arith.constant 0.000000e+00 : f32
    %gt3A_28 = vector.broadcast %gt3A : f32 to vector<1000x1xf32>
    %gt3A_29 = arith.cmpf ogt, %slice3A_27, %gt3A_28 : vector<1000x1xf32>
    %rsqrt3A = math.rsqrt %slice3A_27 : vector<1000x1xf32>
    %jit3A_30 = arith.constant 0.000000e+00 : f32
    %broadcast_in_dim3A_31 = vector.broadcast %jit3A_30 : f32 to vector<1000x1xf32>
    %select_n3A_32 = arith.select %gt3A_29, %rsqrt3A, %broadcast_in_dim3A_31 : vector<1000x1xi1>, vector<1000x1xf32>
    %mul3A = vector.broadcast %select_n3A_32 : vector<1000x1xf32> to vector<1000x256xf32>
    %mul3A_33 = arith.mulf %add3A, %mul3A : vector<1000x256xf32>
    %swap3A = arith.constant 0 : index
    %swap3A_34 = arith.constant 0 : index
    %swap3A_35 = vector.load %arg5[%swap3A, %swap3A_34] : memref<1000x256xf32, #tpu.memory_space<vmem>>, vector<1000x256xf32>
    tpu.vector_store %arg5[%swap3A, %swap3A_34], %add3A {strides = array<i32>} : memref<1000x256xf32, #tpu.memory_space<vmem>>, vector<1000x256xf32>,
    %swap3A_36 = arith.constant 0 : index
    %swap3A_37 = arith.constant 0 : index
    %swap3A_38 = vector.load %arg6[%swap3A_36, %swap3A_37] : memref<1000x128xf32, #tpu.memory_space<vmem>>, vector<1000x128xf32>
    tpu.vector_store %arg6[%swap3A_36, %swap3A_37], %dot_general3A_15 {strides = array<i32>} : memref<1000x128xf32, #tpu.memory_space<vmem>>, vector<1000x128xf32>,
    %slice3A_39 = vector.extract_strided_slice %mul3A_33 {offsets = [0, 0], sizes = [1000, 128], strides = [1, 1]} : vector<1000x256xf32> to vector<1000x128xf32>
    %swap3A_40 = arith.constant 0 : index
    %swap3A_41 = arith.constant 0 : index
    %swap3A_42 = vector.load %arg7[%swap3A_40, %swap3A_41] : memref<1000x128xf32, #tpu.memory_space<vmem>>, vector<1000x128xf32>
    tpu.vector_store %arg7[%swap3A_40, %swap3A_41], %slice3A_39 {strides = array<i32>} : memref<1000x128xf32, #tpu.memory_space<vmem>>, vector<1000x128xf32>,
    %slice3A_43 = vector.extract_strided_slice %mul3A_33 {offsets = [0, 128], sizes = [1000, 128], strides = [1, 1]} : vector<1000x256xf32> to vector<1000x128xf32>
    %swap3A_44 = arith.constant 0 : index
    %swap3A_45 = arith.constant 0 : index
    %swap3A_46 = vector.load %arg8[%swap3A_44, %swap3A_45] : memref<1000x128xf32, #tpu.memory_space<vmem>>, vector<1000x128xf32>
    tpu.vector_store %arg8[%swap3A_44, %swap3A_45], %slice3A_43 {strides = array<i32>} : memref<1000x128xf32, #tpu.memory_space<vmem>>, vector<1000x128xf32>,
    return
  }
  func.func @transform_0(%arg0: i32) -> (i32, i32) {
    %c0_i32 = arith.constant 0 : i32
    %c0_i32_0 = arith.constant 0 : i32
    return %arg0, %c0_i32 : i32, i32
  }
  func.func @transform_1(%arg0: i32) -> (i32, i32) {
    %c0_i32 = arith.constant 0 : i32
    %c0_i32_0 = arith.constant 0 : i32
    %c0_i32_1 = arith.constant 0 : i32
    return %c0_i32, %c0_i32_0 : i32, i32
  }
  func.func @transform_2(%arg0: i32) -> (i32, i32) {
    %c0_i32 = arith.constant 0 : i32
    %c0_i32_0 = arith.constant 0 : i32
    %c0_i32_1 = arith.constant 0 : i32
    return %c0_i32, %c0_i32_0 : i32, i32
  }
  func.func @transform_3(%arg0: i32) -> (i32, i32) {
    %c0_i32 = arith.constant 0 : i32
    %c0_i32_0 = arith.constant 0 : i32
    return %arg0, %c0_i32 : i32, i32
  }
  func.func @transform_4(%arg0: i32) -> (i32, i32) {
    %c0_i32 = arith.constant 0 : i32
    %c0_i32_0 = arith.constant 0 : i32
    return %arg0, %c0_i32 : i32, i32
  }
  func.func @transform_5(%arg0: i32) -> (i32, i32) {
    %c0_i32 = arith.constant 0 : i32
    %c0_i32_0 = arith.constant 0 : i32
    return %arg0, %c0_i32 : i32, i32
  }
  func.func @transform_6(%arg0: i32) -> (i32, i32) {
    %c0_i32 = arith.constant 0 : i32
    %c0_i32_0 = arith.constant 0 : i32
    return %arg0, %c0_i32 : i32, i32
  }
  func.func @transform_7(%arg0: i32) -> (i32, i32) {
    %c0_i32 = arith.constant 0 : i32
    %c0_i32_0 = arith.constant 0 : i32
    return %arg0, %c0_i32 : i32, i32
  }
}

module attributes {stable_mosaic.version = 14 : i64} {
  func.func @_mid_body(%arg0: i32, %arg1: memref<1000x128xf32, #tpu.memory_space<vmem>>, %arg2: memref<1000x128xf32, #tpu.memory_space<vmem>>, %arg3: memref<1000x256xf32, #tpu.memory_space<vmem>>, %arg4: memref<1000x16xf32, #tpu.memory_space<vmem>>, %arg5: memref<1000x16xf32, #tpu.memory_space<vmem>>, %arg6: memref<256x256xf32, #tpu.memory_space<vmem>>, %arg7: memref<1x256xf32, #tpu.memory_space<vmem>>, %arg8: memref<1000x128xf32, #tpu.memory_space<vmem>>, %arg9: memref<1000x128xf32, #tpu.memory_space<vmem>>) attributes {dimension_semantics = [#tpu.dimension_semantics<arbitrary>], iteration_bounds = array<i64: 10>, scalar_prefetch = 0 : i64, scratch_operands = 0 : i64, tpu.core_type = #tpu.core_type<tc>, window_params = [{transform_indices = @transform_0, window_bounds = array<i64: 1000, 128>}, {transform_indices = @transform_1, window_bounds = array<i64: 1000, 128>}, {transform_indices = @transform_2, window_bounds = array<i64: 1000, 256>}, {transform_indices = @transform_3, window_bounds = array<i64: 1000, 16>}, {transform_indices = @transform_4, window_bounds = array<i64: 1000, 16>}, {pipeline_mode = #tpu.pipeline_mode<synchronous>, transform_indices = @transform_5, window_bounds = array<i64: 256, 256>}, {pipeline_mode = #tpu.pipeline_mode<synchronous>, transform_indices = @transform_6, window_bounds = array<i64: 1, 256>}, {transform_indices = @transform_7, window_bounds = array<i64: 1000, 128>}, {transform_indices = @transform_8, window_bounds = array<i64: 1000, 128>}]} {
    %get3A = arith.constant 0 : index
    %get3A_0 = arith.constant 0 : index
    %get3A_1 = vector.load %arg1[%get3A, %get3A_0] : memref<1000x128xf32, #tpu.memory_space<vmem>>, vector<1000x128xf32>
    %get3A_2 = arith.constant 0 : index
    %get3A_3 = arith.constant 0 : index
    %get3A_4 = vector.load %arg2[%get3A_2, %get3A_3] : memref<1000x128xf32, #tpu.memory_space<vmem>>, vector<1000x128xf32>
    %concatenate3A = tpu.concatenate %get3A_1, %get3A_4 in 1 : vector<1000x128xf32>, vector<1000x128xf32> -> vector<1000x256xf32>
    %get3A_5 = arith.constant 0 : index
    %get3A_6 = arith.constant 0 : index
    %get3A_7 = vector.load %arg4[%get3A_5, %get3A_6] : memref<1000x16xf32, #tpu.memory_space<vmem>>, vector<1000x16xf32>
    %slice3A = vector.extract_strided_slice %get3A_7 {offsets = [0, 0], sizes = [1000, 1], strides = [1, 1]} : vector<1000x16xf32> to vector<1000x1xf32>
    %gt3A = arith.constant 0.000000e+00 : f32
    %gt3A_8 = vector.broadcast %gt3A : f32 to vector<1000x1xf32>
    %gt3A_9 = arith.cmpf ogt, %slice3A, %gt3A_8 : vector<1000x1xf32>
    %rsqrt3A = math.rsqrt %slice3A : vector<1000x1xf32>
    %jit3A = arith.constant 0.000000e+00 : f32
    %broadcast_in_dim3A = vector.broadcast %jit3A : f32 to vector<1000x1xf32>
    %select_n3A = arith.select %gt3A_9, %rsqrt3A, %broadcast_in_dim3A : vector<1000x1xi1>, vector<1000x1xf32>
    %mul3A = vector.broadcast %select_n3A : vector<1000x1xf32> to vector<1000x256xf32>
    %mul3A_10 = arith.mulf %concatenate3A, %mul3A : vector<1000x256xf32>
    %mul3A_11 = arith.constant 0.899999976 : f32
    %mul3A_12 = vector.broadcast %mul3A_11 : f32 to vector<1000x256xf32>
    %mul3A_13 = arith.mulf %mul3A_12, %mul3A_10 : vector<1000x256xf32>
    %get3A_14 = arith.constant 0 : index
    %get3A_15 = arith.constant 0 : index
    %get3A_16 = vector.load %arg3[%get3A_14, %get3A_15] : memref<1000x256xf32, #tpu.memory_space<vmem>>, vector<1000x256xf32>
    %mul3A_17 = arith.constant 1.000000e-01 : f32
    %mul3A_18 = vector.broadcast %mul3A_17 : f32 to vector<1000x256xf32>
    %mul3A_19 = arith.mulf %mul3A_18, %get3A_16 : vector<1000x256xf32>
    %add3A = arith.addf %mul3A_13, %mul3A_19 : vector<1000x256xf32>
    %mul3A_20 = arith.constant 0.306852818 : f32
    %mul3A_21 = vector.broadcast %mul3A_20 : f32 to vector<1000x256xf32>
    %mul3A_22 = arith.mulf %add3A, %mul3A_21 : vector<1000x256xf32>
    %get3A_23 = arith.constant 0 : index
    %get3A_24 = arith.constant 0 : index
    %get3A_25 = vector.load %arg6[%get3A_23, %get3A_24] : memref<256x256xf32, #tpu.memory_space<vmem>>, vector<256x256xf32>
    %dot_general3A = arith.constant dense<0.000000e+00> : vector<1000x256xf32>
    %dot_general3A_26 = tpu.matmul %add3A, %get3A_25, %dot_general3A {dimension_numbers = #tpu.dot_dimension_numbers<[1], [0], [0], [1], [0, 0, 1, 1], [], []>, transpose_lhs_hint = false} : vector<1000x256xf32>, vector<256x256xf32>, vector<1000x256xf32> -> vector<1000x256xf32>
    %mul3A_27 = arith.constant 0.693147182 : f32
    %mul3A_28 = vector.broadcast %mul3A_27 : f32 to vector<1000x256xf32>
    %mul3A_29 = arith.mulf %mul3A_28, %dot_general3A_26 : vector<1000x256xf32>
    %add3A_30 = arith.addf %mul3A_22, %mul3A_29 : vector<1000x256xf32>
    %get3A_31 = arith.constant 0 : index
    %get3A_32 = arith.constant 0 : index
    %get3A_33 = vector.load %arg7[%get3A_31, %get3A_32] : memref<1x256xf32, #tpu.memory_space<vmem>>, vector<1x256xf32>
    %add3A_34 = vector.broadcast %get3A_33 : vector<1x256xf32> to vector<1000x256xf32>
    %add3A_35 = arith.addf %add3A_30, %add3A_34 : vector<1000x256xf32>
    %get3A_36 = arith.constant 0 : index
    %get3A_37 = arith.constant 0 : index
    %get3A_38 = vector.load %arg5[%get3A_36, %get3A_37] : memref<1000x16xf32, #tpu.memory_space<vmem>>, vector<1000x16xf32>
    %slice3A_39 = vector.extract_strided_slice %get3A_38 {offsets = [0, 0], sizes = [1000, 1], strides = [1, 1]} : vector<1000x16xf32> to vector<1000x1xf32>
    %gt3A_40 = arith.constant 0.000000e+00 : f32
    %gt3A_41 = vector.broadcast %gt3A_40 : f32 to vector<1000x1xf32>
    %gt3A_42 = arith.cmpf ogt, %slice3A_39, %gt3A_41 : vector<1000x1xf32>
    %rsqrt3A_43 = math.rsqrt %slice3A_39 : vector<1000x1xf32>
    %jit3A_44 = arith.constant 0.000000e+00 : f32
    %broadcast_in_dim3A_45 = vector.broadcast %jit3A_44 : f32 to vector<1000x1xf32>
    %select_n3A_46 = arith.select %gt3A_42, %rsqrt3A_43, %broadcast_in_dim3A_45 : vector<1000x1xi1>, vector<1000x1xf32>
    %mul3A_47 = vector.broadcast %select_n3A_46 : vector<1000x1xf32> to vector<1000x256xf32>
    %mul3A_48 = arith.mulf %add3A_35, %mul3A_47 : vector<1000x256xf32>
    %slice3A_49 = vector.extract_strided_slice %mul3A_48 {offsets = [0, 0], sizes = [1000, 128], strides = [1, 1]} : vector<1000x256xf32> to vector<1000x128xf32>
    %swap3A = arith.constant 0 : index
    %swap3A_50 = arith.constant 0 : index
    %swap3A_51 = vector.load %arg8[%swap3A, %swap3A_50] : memref<1000x128xf32, #tpu.memory_space<vmem>>, vector<1000x128xf32>
    tpu.vector_store %arg8[%swap3A, %swap3A_50], %slice3A_49 {strides = array<i32>} : memref<1000x128xf32, #tpu.memory_space<vmem>>, vector<1000x128xf32>,
    %slice3A_52 = vector.extract_strided_slice %mul3A_48 {offsets = [0, 128], sizes = [1000, 128], strides = [1, 1]} : vector<1000x256xf32> to vector<1000x128xf32>
    %swap3A_53 = arith.constant 0 : index
    %swap3A_54 = arith.constant 0 : index
    %swap3A_55 = vector.load %arg9[%swap3A_53, %swap3A_54] : memref<1000x128xf32, #tpu.memory_space<vmem>>, vector<1000x128xf32>
    tpu.vector_store %arg9[%swap3A_53, %swap3A_54], %slice3A_52 {strides = array<i32>} : memref<1000x128xf32, #tpu.memory_space<vmem>>, vector<1000x128xf32>,
    return
  }
  func.func @transform_0(%arg0: i32) -> (i32, i32) {
    %c0_i32 = arith.constant 0 : i32
    %c0_i32_0 = arith.constant 0 : i32
    return %arg0, %c0_i32 : i32, i32
  }
  func.func @transform_1(%arg0: i32) -> (i32, i32) {
    %c0_i32 = arith.constant 0 : i32
    %c0_i32_0 = arith.constant 0 : i32
    return %arg0, %c0_i32 : i32, i32
  }
  func.func @transform_2(%arg0: i32) -> (i32, i32) {
    %c0_i32 = arith.constant 0 : i32
    %c0_i32_0 = arith.constant 0 : i32
    return %arg0, %c0_i32 : i32, i32
  }
  func.func @transform_3(%arg0: i32) -> (i32, i32) {
    %c0_i32 = arith.constant 0 : i32
    %c0_i32_0 = arith.constant 0 : i32
    return %arg0, %c0_i32 : i32, i32
  }
  func.func @transform_4(%arg0: i32) -> (i32, i32) {
    %c0_i32 = arith.constant 0 : i32
    %c0_i32_0 = arith.constant 0 : i32
    return %arg0, %c0_i32 : i32, i32
  }
  func.func @transform_5(%arg0: i32) -> (i32, i32) {
    %c0_i32 = arith.constant 0 : i32
    %c0_i32_0 = arith.constant 0 : i32
    %c0_i32_1 = arith.constant 0 : i32
    return %c0_i32, %c0_i32_0 : i32, i32
  }
  func.func @transform_6(%arg0: i32) -> (i32, i32) {
    %c0_i32 = arith.constant 0 : i32
    %c0_i32_0 = arith.constant 0 : i32
    %c0_i32_1 = arith.constant 0 : i32
    return %c0_i32, %c0_i32_0 : i32, i32
  }
  func.func @transform_7(%arg0: i32) -> (i32, i32) {
    %c0_i32 = arith.constant 0 : i32
    %c0_i32_0 = arith.constant 0 : i32
    return %arg0, %c0_i32 : i32, i32
  }
  func.func @transform_8(%arg0: i32) -> (i32, i32) {
    %c0_i32 = arith.constant 0 : i32
    %c0_i32_0 = arith.constant 0 : i32
    return %arg0, %c0_i32 : i32, i32
  }
}

module attributes {stable_mosaic.version = 14 : i64} {
  func.func @_mid_body(%arg0: i32, %arg1: memref<1000x128xf32, #tpu.memory_space<vmem>>, %arg2: memref<1000x128xf32, #tpu.memory_space<vmem>>, %arg3: memref<1000x256xf32, #tpu.memory_space<vmem>>, %arg4: memref<1000x16xf32, #tpu.memory_space<vmem>>, %arg5: memref<1000x16xf32, #tpu.memory_space<vmem>>, %arg6: memref<256x256xf32, #tpu.memory_space<vmem>>, %arg7: memref<1x256xf32, #tpu.memory_space<vmem>>, %arg8: memref<1000x128xf32, #tpu.memory_space<vmem>>, %arg9: memref<1000x128xf32, #tpu.memory_space<vmem>>) attributes {dimension_semantics = [#tpu.dimension_semantics<arbitrary>], iteration_bounds = array<i64: 10>, scalar_prefetch = 0 : i64, scratch_operands = 0 : i64, tpu.core_type = #tpu.core_type<tc>, window_params = [{transform_indices = @transform_0, window_bounds = array<i64: 1000, 128>}, {transform_indices = @transform_1, window_bounds = array<i64: 1000, 128>}, {transform_indices = @transform_2, window_bounds = array<i64: 1000, 256>}, {transform_indices = @transform_3, window_bounds = array<i64: 1000, 16>}, {transform_indices = @transform_4, window_bounds = array<i64: 1000, 16>}, {pipeline_mode = #tpu.pipeline_mode<synchronous>, transform_indices = @transform_5, window_bounds = array<i64: 256, 256>}, {pipeline_mode = #tpu.pipeline_mode<synchronous>, transform_indices = @transform_6, window_bounds = array<i64: 1, 256>}, {transform_indices = @transform_7, window_bounds = array<i64: 1000, 128>}, {transform_indices = @transform_8, window_bounds = array<i64: 1000, 128>}]} {
    %get3A = arith.constant 0 : index
    %get3A_0 = arith.constant 0 : index
    %get3A_1 = vector.load %arg1[%get3A, %get3A_0] : memref<1000x128xf32, #tpu.memory_space<vmem>>, vector<1000x128xf32>
    %get3A_2 = arith.constant 0 : index
    %get3A_3 = arith.constant 0 : index
    %get3A_4 = vector.load %arg2[%get3A_2, %get3A_3] : memref<1000x128xf32, #tpu.memory_space<vmem>>, vector<1000x128xf32>
    %concatenate3A = tpu.concatenate %get3A_1, %get3A_4 in 1 : vector<1000x128xf32>, vector<1000x128xf32> -> vector<1000x256xf32>
    %get3A_5 = arith.constant 0 : index
    %get3A_6 = arith.constant 0 : index
    %get3A_7 = vector.load %arg4[%get3A_5, %get3A_6] : memref<1000x16xf32, #tpu.memory_space<vmem>>, vector<1000x16xf32>
    %slice3A = vector.extract_strided_slice %get3A_7 {offsets = [0, 0], sizes = [1000, 1], strides = [1, 1]} : vector<1000x16xf32> to vector<1000x1xf32>
    %gt3A = arith.constant 0.000000e+00 : f32
    %gt3A_8 = vector.broadcast %gt3A : f32 to vector<1000x1xf32>
    %gt3A_9 = arith.cmpf ogt, %slice3A, %gt3A_8 : vector<1000x1xf32>
    %rsqrt3A = math.rsqrt %slice3A : vector<1000x1xf32>
    %jit3A = arith.constant 0.000000e+00 : f32
    %broadcast_in_dim3A = vector.broadcast %jit3A : f32 to vector<1000x1xf32>
    %select_n3A = arith.select %gt3A_9, %rsqrt3A, %broadcast_in_dim3A : vector<1000x1xi1>, vector<1000x1xf32>
    %mul3A = vector.broadcast %select_n3A : vector<1000x1xf32> to vector<1000x256xf32>
    %mul3A_10 = arith.mulf %concatenate3A, %mul3A : vector<1000x256xf32>
    %mul3A_11 = arith.constant 0.899999976 : f32
    %mul3A_12 = vector.broadcast %mul3A_11 : f32 to vector<1000x256xf32>
    %mul3A_13 = arith.mulf %mul3A_12, %mul3A_10 : vector<1000x256xf32>
    %get3A_14 = arith.constant 0 : index
    %get3A_15 = arith.constant 0 : index
    %get3A_16 = vector.load %arg3[%get3A_14, %get3A_15] : memref<1000x256xf32, #tpu.memory_space<vmem>>, vector<1000x256xf32>
    %mul3A_17 = arith.constant 1.000000e-01 : f32
    %mul3A_18 = vector.broadcast %mul3A_17 : f32 to vector<1000x256xf32>
    %mul3A_19 = arith.mulf %mul3A_18, %get3A_16 : vector<1000x256xf32>
    %add3A = arith.addf %mul3A_13, %mul3A_19 : vector<1000x256xf32>
    %mul3A_20 = arith.constant 0.594534874 : f32
    %mul3A_21 = vector.broadcast %mul3A_20 : f32 to vector<1000x256xf32>
    %mul3A_22 = arith.mulf %add3A, %mul3A_21 : vector<1000x256xf32>
    %get3A_23 = arith.constant 0 : index
    %get3A_24 = arith.constant 0 : index
    %get3A_25 = vector.load %arg6[%get3A_23, %get3A_24] : memref<256x256xf32, #tpu.memory_space<vmem>>, vector<256x256xf32>
    %dot_general3A = arith.constant dense<0.000000e+00> : vector<1000x256xf32>
    %dot_general3A_26 = tpu.matmul %add3A, %get3A_25, %dot_general3A {dimension_numbers = #tpu.dot_dimension_numbers<[1], [0], [0], [1], [0, 0, 1, 1], [], []>, transpose_lhs_hint = false} : vector<1000x256xf32>, vector<256x256xf32>, vector<1000x256xf32> -> vector<1000x256xf32>
    %mul3A_27 = arith.constant 0.405465096 : f32
    %mul3A_28 = vector.broadcast %mul3A_27 : f32 to vector<1000x256xf32>
    %mul3A_29 = arith.mulf %mul3A_28, %dot_general3A_26 : vector<1000x256xf32>
    %add3A_30 = arith.addf %mul3A_22, %mul3A_29 : vector<1000x256xf32>
    %get3A_31 = arith.constant 0 : index
    %get3A_32 = arith.constant 0 : index
    %get3A_33 = vector.load %arg7[%get3A_31, %get3A_32] : memref<1x256xf32, #tpu.memory_space<vmem>>, vector<1x256xf32>
    %add3A_34 = vector.broadcast %get3A_33 : vector<1x256xf32> to vector<1000x256xf32>
    %add3A_35 = arith.addf %add3A_30, %add3A_34 : vector<1000x256xf32>
    %get3A_36 = arith.constant 0 : index
    %get3A_37 = arith.constant 0 : index
    %get3A_38 = vector.load %arg5[%get3A_36, %get3A_37] : memref<1000x16xf32, #tpu.memory_space<vmem>>, vector<1000x16xf32>
    %slice3A_39 = vector.extract_strided_slice %get3A_38 {offsets = [0, 0], sizes = [1000, 1], strides = [1, 1]} : vector<1000x16xf32> to vector<1000x1xf32>
    %gt3A_40 = arith.constant 0.000000e+00 : f32
    %gt3A_41 = vector.broadcast %gt3A_40 : f32 to vector<1000x1xf32>
    %gt3A_42 = arith.cmpf ogt, %slice3A_39, %gt3A_41 : vector<1000x1xf32>
    %rsqrt3A_43 = math.rsqrt %slice3A_39 : vector<1000x1xf32>
    %jit3A_44 = arith.constant 0.000000e+00 : f32
    %broadcast_in_dim3A_45 = vector.broadcast %jit3A_44 : f32 to vector<1000x1xf32>
    %select_n3A_46 = arith.select %gt3A_42, %rsqrt3A_43, %broadcast_in_dim3A_45 : vector<1000x1xi1>, vector<1000x1xf32>
    %mul3A_47 = vector.broadcast %select_n3A_46 : vector<1000x1xf32> to vector<1000x256xf32>
    %mul3A_48 = arith.mulf %add3A_35, %mul3A_47 : vector<1000x256xf32>
    %slice3A_49 = vector.extract_strided_slice %mul3A_48 {offsets = [0, 0], sizes = [1000, 128], strides = [1, 1]} : vector<1000x256xf32> to vector<1000x128xf32>
    %swap3A = arith.constant 0 : index
    %swap3A_50 = arith.constant 0 : index
    %swap3A_51 = vector.load %arg8[%swap3A, %swap3A_50] : memref<1000x128xf32, #tpu.memory_space<vmem>>, vector<1000x128xf32>
    tpu.vector_store %arg8[%swap3A, %swap3A_50], %slice3A_49 {strides = array<i32>} : memref<1000x128xf32, #tpu.memory_space<vmem>>, vector<1000x128xf32>,
    %slice3A_52 = vector.extract_strided_slice %mul3A_48 {offsets = [0, 128], sizes = [1000, 128], strides = [1, 1]} : vector<1000x256xf32> to vector<1000x128xf32>
    %swap3A_53 = arith.constant 0 : index
    %swap3A_54 = arith.constant 0 : index
    %swap3A_55 = vector.load %arg9[%swap3A_53, %swap3A_54] : memref<1000x128xf32, #tpu.memory_space<vmem>>, vector<1000x128xf32>
    tpu.vector_store %arg9[%swap3A_53, %swap3A_54], %slice3A_52 {strides = array<i32>} : memref<1000x128xf32, #tpu.memory_space<vmem>>, vector<1000x128xf32>,
    return
  }
  func.func @transform_0(%arg0: i32) -> (i32, i32) {
    %c0_i32 = arith.constant 0 : i32
    %c0_i32_0 = arith.constant 0 : i32
    return %arg0, %c0_i32 : i32, i32
  }
  func.func @transform_1(%arg0: i32) -> (i32, i32) {
    %c0_i32 = arith.constant 0 : i32
    %c0_i32_0 = arith.constant 0 : i32
    return %arg0, %c0_i32 : i32, i32
  }
  func.func @transform_2(%arg0: i32) -> (i32, i32) {
    %c0_i32 = arith.constant 0 : i32
    %c0_i32_0 = arith.constant 0 : i32
    return %arg0, %c0_i32 : i32, i32
  }
  func.func @transform_3(%arg0: i32) -> (i32, i32) {
    %c0_i32 = arith.constant 0 : i32
    %c0_i32_0 = arith.constant 0 : i32
    return %arg0, %c0_i32 : i32, i32
  }
  func.func @transform_4(%arg0: i32) -> (i32, i32) {
    %c0_i32 = arith.constant 0 : i32
    %c0_i32_0 = arith.constant 0 : i32
    return %arg0, %c0_i32 : i32, i32
  }
  func.func @transform_5(%arg0: i32) -> (i32, i32) {
    %c0_i32 = arith.constant 0 : i32
    %c0_i32_0 = arith.constant 0 : i32
    %c0_i32_1 = arith.constant 0 : i32
    return %c0_i32, %c0_i32_0 : i32, i32
  }
  func.func @transform_6(%arg0: i32) -> (i32, i32) {
    %c0_i32 = arith.constant 0 : i32
    %c0_i32_0 = arith.constant 0 : i32
    %c0_i32_1 = arith.constant 0 : i32
    return %c0_i32, %c0_i32_0 : i32, i32
  }
  func.func @transform_7(%arg0: i32) -> (i32, i32) {
    %c0_i32 = arith.constant 0 : i32
    %c0_i32_0 = arith.constant 0 : i32
    return %arg0, %c0_i32 : i32, i32
  }
  func.func @transform_8(%arg0: i32) -> (i32, i32) {
    %c0_i32 = arith.constant 0 : i32
    %c0_i32_0 = arith.constant 0 : i32
    return %arg0, %c0_i32 : i32, i32
  }
}

module attributes {stable_mosaic.version = 14 : i64} {
  func.func @_final_body(%arg0: i32, %arg1: memref<1000x128xf32, #tpu.memory_space<vmem>>, %arg2: memref<1000x128xf32, #tpu.memory_space<vmem>>, %arg3: memref<1000x256xf32, #tpu.memory_space<vmem>>, %arg4: memref<1000x16xf32, #tpu.memory_space<vmem>>, %arg5: memref<256x256xf32, #tpu.memory_space<vmem>>, %arg6: memref<1x256xf32, #tpu.memory_space<vmem>>, %arg7: memref<1000x128xf32, #tpu.memory_space<vmem>>, %arg8: memref<384x64xf32, #tpu.memory_space<vmem>>, %arg9: memref<1000x64xf32, #tpu.memory_space<vmem>>) attributes {dimension_semantics = [#tpu.dimension_semantics<arbitrary>], iteration_bounds = array<i64: 10>, scalar_prefetch = 0 : i64, scratch_operands = 0 : i64, tpu.core_type = #tpu.core_type<tc>, window_params = [{transform_indices = @transform_0, window_bounds = array<i64: 1000, 128>}, {transform_indices = @transform_1, window_bounds = array<i64: 1000, 128>}, {transform_indices = @transform_2, window_bounds = array<i64: 1000, 256>}, {transform_indices = @transform_3, window_bounds = array<i64: 1000, 16>}, {pipeline_mode = #tpu.pipeline_mode<synchronous>, transform_indices = @transform_4, window_bounds = array<i64: 256, 256>}, {pipeline_mode = #tpu.pipeline_mode<synchronous>, transform_indices = @transform_5, window_bounds = array<i64: 1, 256>}, {transform_indices = @transform_6, window_bounds = array<i64: 1000, 128>}, {pipeline_mode = #tpu.pipeline_mode<synchronous>, transform_indices = @transform_7, window_bounds = array<i64: 384, 64>}, {transform_indices = @transform_8, window_bounds = array<i64: 1000, 64>}]} {
    %get3A = arith.constant 0 : index
    %get3A_0 = arith.constant 0 : index
    %get3A_1 = vector.load %arg1[%get3A, %get3A_0] : memref<1000x128xf32, #tpu.memory_space<vmem>>, vector<1000x128xf32>
    %get3A_2 = arith.constant 0 : index
    %get3A_3 = arith.constant 0 : index
    %get3A_4 = vector.load %arg2[%get3A_2, %get3A_3] : memref<1000x128xf32, #tpu.memory_space<vmem>>, vector<1000x128xf32>
    %concatenate3A = tpu.concatenate %get3A_1, %get3A_4 in 1 : vector<1000x128xf32>, vector<1000x128xf32> -> vector<1000x256xf32>
    %get3A_5 = arith.constant 0 : index
    %get3A_6 = arith.constant 0 : index
    %get3A_7 = vector.load %arg4[%get3A_5, %get3A_6] : memref<1000x16xf32, #tpu.memory_space<vmem>>, vector<1000x16xf32>
    %slice3A = vector.extract_strided_slice %get3A_7 {offsets = [0, 0], sizes = [1000, 1], strides = [1, 1]} : vector<1000x16xf32> to vector<1000x1xf32>
    %gt3A = arith.constant 0.000000e+00 : f32
    %gt3A_8 = vector.broadcast %gt3A : f32 to vector<1000x1xf32>
    %gt3A_9 = arith.cmpf ogt, %slice3A, %gt3A_8 : vector<1000x1xf32>
    %rsqrt3A = math.rsqrt %slice3A : vector<1000x1xf32>
    %jit3A = arith.constant 0.000000e+00 : f32
    %broadcast_in_dim3A = vector.broadcast %jit3A : f32 to vector<1000x1xf32>
    %select_n3A = arith.select %gt3A_9, %rsqrt3A, %broadcast_in_dim3A : vector<1000x1xi1>, vector<1000x1xf32>
    %mul3A = vector.broadcast %select_n3A : vector<1000x1xf32> to vector<1000x256xf32>
    %mul3A_10 = arith.mulf %concatenate3A, %mul3A : vector<1000x256xf32>
    %mul3A_11 = arith.constant 0.899999976 : f32
    %mul3A_12 = vector.broadcast %mul3A_11 : f32 to vector<1000x256xf32>
    %mul3A_13 = arith.mulf %mul3A_12, %mul3A_10 : vector<1000x256xf32>
    %get3A_14 = arith.constant 0 : index
    %get3A_15 = arith.constant 0 : index
    %get3A_16 = vector.load %arg3[%get3A_14, %get3A_15] : memref<1000x256xf32, #tpu.memory_space<vmem>>, vector<1000x256xf32>
    %mul3A_17 = arith.constant 1.000000e-01 : f32
    %mul3A_18 = vector.broadcast %mul3A_17 : f32 to vector<1000x256xf32>
    %mul3A_19 = arith.mulf %mul3A_18, %get3A_16 : vector<1000x256xf32>
    %add3A = arith.addf %mul3A_13, %mul3A_19 : vector<1000x256xf32>
    %mul3A_20 = arith.constant 0.712317943 : f32
    %mul3A_21 = vector.broadcast %mul3A_20 : f32 to vector<1000x256xf32>
    %mul3A_22 = arith.mulf %add3A, %mul3A_21 : vector<1000x256xf32>
    %get3A_23 = arith.constant 0 : index
    %get3A_24 = arith.constant 0 : index
    %get3A_25 = vector.load %arg5[%get3A_23, %get3A_24] : memref<256x256xf32, #tpu.memory_space<vmem>>, vector<256x256xf32>
    %dot_general3A = arith.constant dense<0.000000e+00> : vector<1000x256xf32>
    %dot_general3A_26 = tpu.matmul %add3A, %get3A_25, %dot_general3A {dimension_numbers = #tpu.dot_dimension_numbers<[1], [0], [0], [1], [0, 0, 1, 1], [], []>, transpose_lhs_hint = false} : vector<1000x256xf32>, vector<256x256xf32>, vector<1000x256xf32> -> vector<1000x256xf32>
    %mul3A_27 = arith.constant 0.287682086 : f32
    %mul3A_28 = vector.broadcast %mul3A_27 : f32 to vector<1000x256xf32>
    %mul3A_29 = arith.mulf %mul3A_28, %dot_general3A_26 : vector<1000x256xf32>
    %add3A_30 = arith.addf %mul3A_22, %mul3A_29 : vector<1000x256xf32>
    %get3A_31 = arith.constant 0 : index
    %get3A_32 = arith.constant 0 : index
    %get3A_33 = vector.load %arg6[%get3A_31, %get3A_32] : memref<1x256xf32, #tpu.memory_space<vmem>>, vector<1x256xf32>
    %add3A_34 = vector.broadcast %get3A_33 : vector<1x256xf32> to vector<1000x256xf32>
    %add3A_35 = arith.addf %add3A_30, %add3A_34 : vector<1000x256xf32>
    %get3A_36 = arith.constant 0 : index
    %get3A_37 = arith.constant 0 : index
    %get3A_38 = vector.load %arg8[%get3A_36, %get3A_37] : memref<384x64xf32, #tpu.memory_space<vmem>>, vector<384x64xf32>
    %max3A = arith.constant 0.000000e+00 : f32
    %max3A_39 = vector.broadcast %max3A : f32 to vector<1000x256xf32>
    %max3A_40 = arith.maximumf %add3A_35, %max3A_39 : vector<1000x256xf32>
    %slice3A_41 = vector.extract_strided_slice %get3A_38 {offsets = [0, 0], sizes = [256, 64], strides = [1, 1]} : vector<384x64xf32> to vector<256x64xf32>
    %dot_general3A_42 = arith.constant dense<0.000000e+00> : vector<1000x64xf32>
    %dot_general3A_43 = tpu.matmul %max3A_40, %slice3A_41, %dot_general3A_42 {dimension_numbers = #tpu.dot_dimension_numbers<[1], [0], [0], [1], [0, 0, 1, 1], [], []>, transpose_lhs_hint = false} : vector<1000x256xf32>, vector<256x64xf32>, vector<1000x64xf32> -> vector<1000x64xf32>
    %get3A_44 = arith.constant 0 : index
    %get3A_45 = arith.constant 0 : index
    %get3A_46 = vector.load %arg7[%get3A_44, %get3A_45] : memref<1000x128xf32, #tpu.memory_space<vmem>>, vector<1000x128xf32>
    %max3A_47 = arith.constant 0.000000e+00 : f32
    %max3A_48 = vector.broadcast %max3A_47 : f32 to vector<1000x128xf32>
    %max3A_49 = arith.maximumf %get3A_46, %max3A_48 : vector<1000x128xf32>
    %slice3A_50 = vector.extract_strided_slice %get3A_38 {offsets = [256, 0], sizes = [128, 64], strides = [1, 1]} : vector<384x64xf32> to vector<128x64xf32>
    %dot_general3A_51 = arith.constant dense<0.000000e+00> : vector<1000x64xf32>
    %dot_general3A_52 = tpu.matmul %max3A_49, %slice3A_50, %dot_general3A_51 {dimension_numbers = #tpu.dot_dimension_numbers<[1], [0], [0], [1], [0, 0, 1, 1], [], []>, transpose_lhs_hint = false} : vector<1000x128xf32>, vector<128x64xf32>, vector<1000x64xf32> -> vector<1000x64xf32>
    %add3A_53 = arith.addf %dot_general3A_43, %dot_general3A_52 : vector<1000x64xf32>
    %swap3A = arith.constant 0 : index
    %swap3A_54 = arith.constant 0 : index
    %swap3A_55 = vector.load %arg9[%swap3A, %swap3A_54] : memref<1000x64xf32, #tpu.memory_space<vmem>>, vector<1000x64xf32>
    tpu.vector_store %arg9[%swap3A, %swap3A_54], %add3A_53 {strides = array<i32>} : memref<1000x64xf32, #tpu.memory_space<vmem>>, vector<1000x64xf32>,
    return
  }
  func.func @transform_0(%arg0: i32) -> (i32, i32) {
    %c0_i32 = arith.constant 0 : i32
    %c0_i32_0 = arith.constant 0 : i32
    return %arg0, %c0_i32 : i32, i32
  }
  func.func @transform_1(%arg0: i32) -> (i32, i32) {
    %c0_i32 = arith.constant 0 : i32
    %c0_i32_0 = arith.constant 0 : i32
    return %arg0, %c0_i32 : i32, i32
  }
  func.func @transform_2(%arg0: i32) -> (i32, i32) {
    %c0_i32 = arith.constant 0 : i32
    %c0_i32_0 = arith.constant 0 : i32
    return %arg0, %c0_i32 : i32, i32
  }
  func.func @transform_3(%arg0: i32) -> (i32, i32) {
    %c0_i32 = arith.constant 0 : i32
    %c0_i32_0 = arith.constant 0 : i32
    return %arg0, %c0_i32 : i32, i32
  }
  func.func @transform_4(%arg0: i32) -> (i32, i32) {
    %c0_i32 = arith.constant 0 : i32
    %c0_i32_0 = arith.constant 0 : i32
    %c0_i32_1 = arith.constant 0 : i32
    return %c0_i32, %c0_i32_0 : i32, i32
  }
  func.func @transform_5(%arg0: i32) -> (i32, i32) {
    %c0_i32 = arith.constant 0 : i32
    %c0_i32_0 = arith.constant 0 : i32
    %c0_i32_1 = arith.constant 0 : i32
    return %c0_i32, %c0_i32_0 : i32, i32
  }
  func.func @transform_6(%arg0: i32) -> (i32, i32) {
    %c0_i32 = arith.constant 0 : i32
    %c0_i32_0 = arith.constant 0 : i32
    return %arg0, %c0_i32 : i32, i32
  }
  func.func @transform_7(%arg0: i32) -> (i32, i32) {
    %c0_i32 = arith.constant 0 : i32
    %c0_i32_0 = arith.constant 0 : i32
    %c0_i32_1 = arith.constant 0 : i32
    return %c0_i32, %c0_i32_0 : i32, i32
  }
  func.func @transform_8(%arg0: i32) -> (i32, i32) {
    %c0_i32 = arith.constant 0 : i32
    %c0_i32_0 = arith.constant 0 : i32
    return %arg0, %c0_i32 : i32, i32
  }
}

</mosaic_0001>

<sc_bundles>
// kernel: kernel.10.cloned.1.call-start
scs
__scs_entry_jumppad:
0x0: {  	(pc) =	sbr.rel $0x88, $3  }
0x1: {  	(tag) =	ssettag $0x0;
	lr =	simm.s32 $0x1  }
0x2: {  	[smem:$0x3F96] =	sst lr;
	_ =	strace $0xD0000000  }
0x3: {  	_ = 	snop  }
0x4: {  	_ = 	snop  }
0x5: {  	_ = 	snop  }
0x6: {  	_ = 	snop  }
0x7: {  	_ = 	snop  }
__scs_overlays_trampoline_lowered:
0x8: {  	[smem:$0x3FA5] =	sst s0  }
0x9: {  	[smem:$0x3FA6] =	sst s1  }
0xa: {  	[smem:$0x3FA7] =	sst s2  }
0xb: {  	[smem:$0x3FA8] =	sst s3  }
0xc: {  	[smem:$0x3FA9] =	sst s4  }
0xd: {  	[smem:$0x3FAA] =	sst s5  }
0xe: {  	[smem:$0x3FAB] =	sst s6  }
0xf: {  	[smem:$0x3FAC] =	sst s7  }
0x10: {  	[smem:$0x3FAD] =	sst s8  }
0x11: {  	[smem:$0x3FAE] =	sst s9;
	s0 =	simm.s32 @!p0 $0x0  }
0x12: {  	s1 =	sld [smem:$0x3F94];
	s0 =	simm.s32 @p0 $0x1  }
0x13: {  	[smem:$0x3FAF] =	sst s0;
	s0 =	simm.s32 @!p1 $0x0  }
0x14: {  	s2 =	sld [smem:$0x3F93];
	s0 =	simm.s32 @p1 $0x1  }
0x15: {  	[smem:$0x3FB0] =	sst s0;
	s0 =	simm.s32 @!p2 $0x0  }
0x16: {  	s3 =	sld [smem:$0x3FDB];
	s0 =	simm.s32 @p2 $0x1  }
0x17: {  	s4 =	simm.s32 $0x1BF5;
	[smem:$0x3FB2] =	sst s0  }
0x18: {  	s0 =	sld [smem:$0x3F95];
	_ =	swait.ge [sflag:s4], $0x0  }
0x19: {  	s7 =	sld [smem:$0x3F96]  }
0x1a: {  	s8 =	sadd.s32 $0xFFFFE003, lr  }
0x1b: {  	s9 =	sadd.s32 $0xFFFFFEF7, lr;
	s5 =	simm.s32 $0xFFFFFFFF;
	p2 =	slt.u32 s8, $0xFFFFF086  }
0x1c: {  	p1 =	slt.u32 s9, $0xF7A;
	s5 =	simm.s32 @!p2 $0x0  }
0x1d: {  	s5 =	simm.s32 @p1 $0x1;
	p0 =	seq.s32 s7, s2  }
0x1e: {  	s7 =	smul.u32 @!p0 $0xF7A, s2;
	p2 =	seq.s32 @!p0 s5, $0x0  }
0x1f: {  	s9 =	smul.u32 $0xF7A, s1;
	s8 =	simm.s32 @!p0 $0x1BF5;
	p2 =	por !p2, p0  }
0x20: {  	[sflag:s8] =	ssyncset.s32 @!p0 $0xFFFFF086;
	s6 =	sadd.s32 @!p0 s3, s7;
	s7 =	simm.s32 @!p0 $0x108  }
0x21: {  	s3 =	sadd.s32 s3, s9;
	s6 =	sadd.s32 @!p0 $0x88, s6;
	s7 =	simm.s32 @p2 $0x1082  }
0x22: {  	[simem:s7], [sflag:s8] =	dma.local @!p0 [hbm:s6], $0xF7A  }
0x23: {  	s9 =	sor.u32 $0xD0000000, s2;
	s6 =	simm.s32 $0x108;
	_ =	swait.ge @!p0 [sflag:s8], $0x0  }
0x24: {  	s3 =	sadd.s32 $0x88, s3;
	s6 =	simm.s32 @!p1 $0x1082;
	[sflag:s4] =	ssyncset.s32 $0xFFFFF086  }
0x25: {  	[simem:s6], [sflag:s4] =	dma.local [hbm:s3], $0xF7A  }
0x26: {  	[smem:$0x3F96] =	sst s1;
	(tag) =	ssettag s2;
	_ =	strace s9  }
0x27: {  	s1 =	sld [smem:$0x3FA6]  }
0x28: {  	s2 =	sld [smem:$0x3FA7]  }
0x29: {  	s4 =	sld [smem:$0x3FA9]  }
0x2a: {  	p0 =	seq.s32 s5, $0x0;
	s5 =	sld [smem:$0x3FAA]  }
0x2b: {  	s6 =	sld [smem:$0x3FAB]  }
0x2c: {  	s7 =	sld [smem:$0x3FAC]  }
0x2d: {  	s3 =	simm.s32 $0x108;
	s8 =	sld [smem:$0x3FAD]  }
0x2e: {  	s3 =	simm.s32 @!p0 $0x1082;
	s9 =	sld [smem:$0x3FAE]  }
0x2f: {  	lr =	sadd.s32 s0, s3;
	s0 =	sld [smem:$0x3FA5]  }
0x30: {  	s3 =	sld [smem:$0x3FA8]  }
0x31: {  	[smem:$0x3FB1] =	sst s10  }
0x32: {  	s10 =	sld [smem:$0x3FAF];
	_ =	sdelay $0x3  }
0x33: {  	p0 =	seq.s32 s10, $0x1;
	s10 =	sld [smem:$0x3FB1];
	_ =	sdelay $0x3  }
0x34: {  	[smem:$0x3FB1] =	sst s10  }
0x35: {  	s10 =	sld [smem:$0x3FB0];
	_ =	sdelay $0x3  }
0x36: {  	p1 =	seq.s32 s10, $0x1;
	s10 =	sld [smem:$0x3FB1];
	_ =	sdelay $0x3  }
0x37: {  	[smem:$0x3FB1] =	sst s10  }
0x38: {  	s10 =	sld [smem:$0x3FB2]  }
0x39: {  	_ = 	snop;
	(pc) =	sbr.ind lr, $3  }
0x3a: {  	_ = 	snop  }
0x3b: {  	_ = 	snop  }
0x3c: {  	p2 =	seq.s32 s10, $0x1;
	s10 =	sld [smem:$0x3FB1]  }
0x3d: {  	_ =	shalt  }
0x3e: {  	_ =	shalt  }
0x3f: {  	_ =	shalt  }
0x40: {  	_ =	shalt  }
0x41: {  	_ =	shalt  }
0x42: {  	_ =	shalt  }
0x43: {  	_ =	shalt  }
0x44: {  	_ =	shalt  }
0x45: {  	_ =	shalt  }
0x46: {  	_ =	shalt  }
0x47: {  	_ =	shalt  }
0x48: {  	_ =	shalt  }
0x49: {  	_ =	shalt  }
0x4a: {  	_ =	shalt  }
0x4b: {  	_ =	shalt  }
0x4c: {  	_ =	shalt  }
0x4d: {  	_ =	shalt  }
0x4e: {  	_ =	shalt  }
0x4f: {  	_ =	shalt  }
0x50: {  	_ =	shalt  }
0x51: {  	_ =	shalt  }
0x52: {  	_ =	shalt  }
0x53: {  	_ =	shalt  }
0x54: {  	_ =	shalt  }
0x55: {  	_ =	shalt  }
0x56: {  	_ =	shalt  }
0x57: {  	_ =	shalt  }
0x58: {  	_ =	shalt  }
0x59: {  	_ =	shalt  }
0x5a: {  	_ =	shalt  }
0x5b: {  	_ =	shalt  }
0x5c: {  	_ =	shalt  }
0x5d: {  	_ =	shalt  }
0x5e: {  	_ =	shalt  }
0x5f: {  	_ =	shalt  }
0x60: {  	_ =	shalt  }
0x61: {  	_ =	shalt  }
0x62: {  	_ =	shalt  }
0x63: {  	_ =	shalt  }
0x64: {  	_ =	shalt  }
0x65: {  	_ =	shalt  }
0x66: {  	_ =	shalt  }
0x67: {  	_ =	shalt  }
0x68: {  	_ =	shalt  }
0x69: {  	_ =	shalt  }
0x6a: {  	_ =	shalt  }
0x6b: {  	_ =	shalt  }
0x6c: {  	_ =	shalt  }
0x6d: {  	_ =	shalt  }
0x6e: {  	_ =	shalt  }
0x6f: {  	_ =	shalt  }
0x70: {  	_ =	shalt  }
0x71: {  	_ =	shalt  }
0x72: {  	_ =	shalt  }
0x73: {  	_ =	shalt  }
0x74: {  	_ =	shalt  }
0x75: {  	_ =	shalt  }
0x76: {  	_ =	shalt  }
0x77: {  	_ =	shalt  }
0x78: {  	_ =	shalt  }
0x79: {  	_ =	shalt  }
0x7a: {  	_ =	shalt  }
0x7b: {  	_ =	shalt  }
0x7c: {  	_ =	shalt  }
0x7d: {  	_ =	shalt  }
0x7e: {  	_ =	shalt  }
0x7f: {  	_ =	shalt  }
0x80: {  	_ =	shalt  }
0x81: {  	_ =	shalt  }
0x82: {  	_ =	shalt  }
0x83: {  	_ =	shalt  }
0x84: {  	_ =	shalt  }
0x85: {  	_ =	shalt  }
0x86: {  	_ =	shalt  }
0x87: {  	_ =	shalt  }
.Lfunc_end0:
.L_simem_size_0:
called_computation_lowered:
.L_overlay_start_0:
0x88: {  	s2 =	sld [smem:$0x3FD9]  }
0x89: {  	s3 =	sld [smem:$0x3FFE];
	_ =	sdelay $0x1  }
0x8a: {  	s1 =	srdreg.scid  }
0x8b: {  	s0 =	sand.u32 $0x1, s1  }
0x8c: {  	s16 =	sshll.u32 s0, $0xA;
	s2 =	sadd.s32 s3, s2  }
0x8d: {  	s2 =	sadd.s32 s2, s16  }
0x8e: {  	[smem:$0x3FBD] =	sst s2  }
0x8f: {  	_ = 	snop  }
0x90: {  	(tm) =	ssettm $0x1  }
0x91: {  	s17 =	sld [smem:$0x3FFB];
	_ =	sdelay $0x3  }
0x92: {  	_ =	strace s17  }
0x93: {  	s2 =	sld [smem:$0x3FFC];
	_ =	sdelay $0x3  }
0x94: {  	_ =	strace s2  }
0x95: {  	s2 =	sld [smem:$0x3FFD];
	_ =	sdelay $0x3  }
0x96: {  	_ =	strace s2  }
0x97: {  	_ =	strace $0x8FFFFFFF  }
0x98: {  	s18 =	sld [smem:$0x3FDB];
	_ =	sdelay $0x1  }
0x99: {  	s19 =	simm.s32 $_scs_section_size  }
0x9a: {  	s4 =	simm.s32 $_size__tile_overlayer_lowered;
	s5 =	simm.s32 $_tile_overlayer_lowered  }
0x9b: {  	s22 =	simm.s32 $0x1BFF;
	s21 =	sshll.u32 s5, $0x1;
	s2 =	sadd.s32 s19, s18  }
0x9c: {  	s6 =	simm.s32 $0x0;
	s20 =	sshll.u32 s4, $0x1;
	s4 =	sadd.s32 s21, s2  }
0x9d: {  	[timem:s6], [sflag:s22] =	dma.local [hbm:s4], s20  }
0x9e: {  	_ =	swait.ge [sflag:s22], s20  }
0x9f: {  	s3 =	ssub.s32 $0x0, s20;
	[sflag:s22] =	ssyncset.done $0x0  }
0xa0: {  	[sflag:s22] =	ssyncadd.s32 s3;
	_ =	sdelay $0x1  }
0xa1: {  	s23 =	simm.s32 $0x1B8B  }
0xa2: {  	_ =	swait.ge [sflag:s23], $0x1  }
0xa3: {  	[sflag:s23] =	ssyncset.done $0x0  }
0xa4: {  	s25 =	simm.s32 $0x1B8E;
	s24 =	sld [smem:$0x3FFE];
	[sflag:s23] =	ssyncadd.s32 $0xFFFFFFFF  }
0xa5: {  	s26 =	simm.s32 $execute0_lowered;
	[smem:$0x3FD2] =	sst s25  }
0xa6: {  	s4 =	sshll.u32 s26, $0x1;
	_ =	strace $0x80000046;
	[dreg:$0x1] =	wrdreg $0xFFFFFFFF  }
0xa7: {  	s28 =	simm.s32 $_size_execute0_lowered;
	s2 =	sadd.s32 s2, s4;
	[dreg:$0x0] =	wrdreg $0x0  }
0xa8: {  	s4 =	sshll.u32 s28, $0x1;
	[dreg:$0x2] =	wrdreg s2  }
0xa9: {  	[dreg:$0x3] =	wrdreg s4  }
0xaa: {  	[dreg:$0x4] =	wrdreg $0xC0  }
0xab: {  	_ =	task [dreg:s6], $0x5FFFF  }
0xac: {  	[dreg:$0x1] =	wrdreg $0xFFFFFFFF  }
0xad: {  	[dreg:$0x0] =	wrdreg $0x60  }
0xae: {  	[dreg:$0x2] =	wrdreg s24  }
0xaf: {  	[dreg:$0x3] =	wrdreg $0x1B7800  }
0xb0: {  	[dreg:$0x4] =	wrdreg $0x9  }
0xb1: {  	_ =	task.clear_ibuf [dreg:s6], $0x5FFFF;
	_ =	strace $0x90000046  }
0xb2: {  	s29 =	simm.s32 $0x9;
	_ =	strace $0x80000048  }
0xb3: {  	_ =	swait.ge [sflag:s29], $0x1  }
0xb4: {  	[sflag:s29] =	ssyncadd.s32 $0xFFFFFFFF  }
0xb5: {  	_ =	strace $0x90000048  }
0xb6: {  	_ =	sfence  }
0xb7: {  	s30 =	sld [smem:$0x0];
	_ =	sdelay $0x2  }
0xb8: {  	s31 =	sshll.u32 s1, $0xD;
	s1 =	sshrl.u32 s1, $0x2  }
0xb9: {  	s3 =	sand.u32 $0x4000, s31;
	s1 =	sadd.s32 s1, s30  }
0xba: {  	s0 =	sor.u32 s3, s0;
	s1 =	sshll.u32 s1, $0x11  }
0xbb: {  	s0 =	sor.u32 s1, s0  }
0xbc: {  	s0 =	sadd.s32 $0x8F2B, s0  }
0xbd: {  	[sflag:s0] =	ssyncadd.remote.s32 $0x1  }
0xbe: {  	_ =	sfence.sel $0xFFFF  }
0xbf: {  	[dreg:$0x0] =	wrdreg $0xFFFFFFFF;
	(pc) =	sbr.abs _section_cstart, $3  }
0xc0: {  	[dreg:$0x1] =	wrdreg $0xFFFFFFFF  }
0xc1: {  	_ =	task.clear_ibuf [dreg:s6], $0x2FFFF;
	_ =	strace $0x9FFFFFFF  }
0xc2: {  	(tm) =	ssettm $0x7FFFFFFF  }
0xc3: {  	_ =	shalt  }
tec
execute0_lowered:
.L_overlay_start_1:
0x0: {  	(tag) =	ssettag $0x1  }
0x1: {  	s3 =	rddreg [dreg:$0x0]  }
0x2: {  	s4 =	rddreg [dreg:$0x1]  }
0x3: {  	s0 =	rddreg [dreg:$0x2];
	s1 =	simm.s32 $0x0  }
0x4: {  	s5 =	srdreg.scid;
	s2 =	stileid.u32;
	s13 =	simm.s32 $0x14000  }
0x5: {  	s14 =	simm.s32 $0x4F80;
	s15 =	simm.s32 $0x7780;
	s16 =	simm.s32 $0x0  }
0x6: {  	[smem:$0x7FF] =	sst s1;
	s6 =	sadd.s32 $0xAE00, s3;
	s5 =	sand.u32 $0x1, s5  }
0x7: {  	s7 =	sadd.s32 $0x5E00, s3;
	s9 =	sshrl.u32 s2, $0x3;
	s28 =	smul.u32 $0x5000, s2  }
0x8: {  	s10 =	sadd.s32 $0xFE00, s3;
	s12 =	sadd.s32 $0x37E00, s3;
	s29 =	smul.u32 $0x4E2, s2  }
0x9: {  	s25 =	sshll.u32 s2, $0x7;
	s31 =	smul.u32 $0x2800, s2;
	_ =	strace $0x80000047  }
0xa: {  	s8 =	ssub.s32 $0x2, s5;
	s9 =	smul.u32 $0x50000, s9;
	p0 =	seq.s32 s5, $0x0  }
0xb: {  	s3 =	sand.u32 $0x380, s25;
	s11 =	sshrl.u32 s8, $0x1;
	s30 =	sshrl.u32 s28, $0x2  }
0xc: {  	s12 =	smov.u32 @p0 s10;
	s7 =	smov.u32 @p0 s6;
	s10 =	simm.s32 $0x80  }
0xd: {  	s8 =	ssub.s32 s8, s11;
	s26 =	sshrl.u32 s9, $0x2;
	s6 =	sadd.s32 s12, s31  }
0xe: {  	s7 =	sadd.s32 s7, s29;
	s9 =	simm.s32 $0x2780;
	s11 =	simm.s32 $0x400  }
0xf: {  	v2 =	vlaneseq.u32;
	s12 =	simm.s32 $0x1400;
	s5 =	sadd.s32 s26, s4;
	s4 =	sadd.s32 s30, s4  }
0x10: {  	v0 =	vimm.f32 $0.0e+00;
	v1 =	vimm.f32 $1.000000000e+00;
	v2 =	vmul.u32 $0x80, v2;
	s3 =	sadd.s32 s3, s5;
	s5 =	smax.u32 s8, $0x1;
	s8 =	simm.s32 $0x1  }
.LBB2_1:
0x11: {  	s17 =	simm.s32 $0x40;
	s18 =	simm.s32 $0x0  }
.LBB2_2:
0x12: {  	p0 =	sne.s32 s17, $0x9FC0;
	[tilespmem:s18+$0x2780] =	vst v0;
	s18 =	smov.u32 s17;
	s17 =	sadd.s32 $0x40, s17  }
.Ltmp0:
0x13: {  	(pc) =	sbr.rel @p0 .LBB2_2-.Ltmp0, $2  }
0x14: {  	_ =	sdelay $0x2  }
0x15: {  	s18 =	sshra.s32 s18, $0x2  }
0x16: {  	[tilespmem:s18+$0x2780] =	vst v0;
	s17 =	simm.s32 $0x0  }
0x17: {  	[tilespmem:s17], [sflag:$0x1] =	stream.linear.gather [hbm4b:s7+s17], $0x2710, $0x38;
	[tilespmem:$0x1DF80] =	vst v63  }
0x18: {  	_ =	swait.ge [sflag:s8], $0x2710  }
0x19: {  	[sflag:s8] =	ssyncset.done $0x0  }
0x1a: {  	s18 =	simm.s32 $0x0;
	s17 =	simm.s32 $0x40;
	[sflag:s8] =	ssyncadd.s32 $0xFFFFD8F0  }
.LBB2_4:
0x1b: {  	p0 =	sne.s32 s17, $0x9C00;
	v3 =	vld [tilespmem:s18+$0x0];
	_ =	sdelay $0x3  }
.Ltmp1:
0x1c: {  	(pc) =	sbr.rel @p0 .LBB2_4-.Ltmp1, $2  }
0x1d: {  	_ =	sdelay $0x2  }
0x1e: {  	s18 =	sshra.s32 s17, $0x2;
	s17 =	sadd.s32 $0x40, s17;
	[tilespmem:v3+s9+$0x0] =	vst.idx.add.f32.msk $0xffff, v1  }
0x1f: {  	v3 =	vld [tilespmem:s18+$0x0];
	_ =	sdelay $0x7  }
0x20: {  	[tilespmem:v3+s9+$0x0] =	vst.idx.add.f32.msk $0xffff, v1  }
0x21: {  	[spmem:s3] =	stream.strided.scatter [tilespmem:s9], [sflag:$0x1], $0x2800, s11, s10, $0x38;
	[tilespmem:$0x1DF80] =	vst v63  }
0x22: {  	_ =	swait.ge [sflag:s8], $0x2800  }
0x23: {  	[sflag:s8] =	ssyncset.done $0x0  }
0x24: {  	[sflag:s8] =	ssyncadd.s32 $0xFFFFD800  }
0x25: {  	[bflag:$0x0] =	sbarrier.arrive $0xFFFF  }
0x26: {  	[tilespmem:s14], [sflag:$0x1] =	stream.strided.gather [spmem:s4], $0x2800, s13, s12, $0x38;
	[tilespmem:$0x1DF80] =	vst v63  }
0x27: {  	s17 =	simm.s32 $0x0;
	_ =	swait.ge [sflag:s8], $0x2800  }
0x28: {  	s30 =	sand.u32 $0x70, s17;
	s19 =	sand.u32 $0x1C00, s17;
	[sflag:s8] =	ssyncset.done $0x0  }
0x29: {  	s18 =	sor.u32 s30, s19;
	[sflag:s8] =	ssyncadd.s32 $0xFFFFD800  }
0x2a: {  	v3 =	vld [tilespmem:s18+$0x4F80];
	_ =	sdelay $0x1  }
0x2b: {  	v4 =	vld [tilespmem:s18+$0x5000];
	_ =	sdelay $0x1  }
0x2c: {  	v5 =	vld [tilespmem:s18+$0x5080]  }
0x2d: {  	v3 =	vadd.f32 $0.0e+00, v3  }
0x2e: {  	v6 =	vld [tilespmem:s18+$0x5100]  }
0x2f: {  	v3 =	vadd.f32 v4, v3  }
0x30: {  	v4 =	vld [tilespmem:s18+$0x5180]  }
0x31: {  	v3 =	vadd.f32 v5, v3  }
0x32: {  	v5 =	vld [tilespmem:s18+$0x5200]  }
0x33: {  	v3 =	vadd.f32 v6, v3  }
0x34: {  	s31 =	sor.u32 s17, s17;
	v6 =	vld [tilespmem:s18+$0x5280]  }
0x35: {  	s19 =	sor.u32 $0x380, s31;
	v3 =	vadd.f32 v4, v3  }
0x36: {  	v4 =	vld [tilespmem:s19+$0x4F80]  }
0x37: {  	v3 =	vadd.f32 v5, v3  }
0x38: {  	v5 =	vld [tilespmem:s18+$0x6380]  }
0x39: {  	v3 =	vadd.f32 v6, v3  }
0x3a: {  	v6 =	vld [tilespmem:s18+$0x6400]  }
0x3b: {  	v3 =	vadd.f32 v4, v3  }
0x3c: {  	v4 =	vld [tilespmem:s18+$0x6480]  }
0x3d: {  	v3 =	vadd.f32 v5, v3  }
0x3e: {  	v5 =	vld [tilespmem:s18+$0x6500]  }
0x3f: {  	v3 =	vadd.f32 v6, v3  }
0x40: {  	v6 =	vld [tilespmem:s18+$0x6580]  }
0x41: {  	v3 =	vadd.f32 v4, v3  }
0x42: {  	v4 =	vld [tilespmem:s18+$0x6600]  }
0x43: {  	v3 =	vadd.f32 v5, v3  }
0x44: {  	v5 =	vld [tilespmem:s18+$0x6680]  }
0x45: {  	v3 =	vadd.f32 v6, v3;
	_ =	sdelay $0x1  }
0x46: {  	v3 =	vadd.f32 v4, v3  }
0x47: {  	v6 =	vld [tilespmem:s18+$0x6700];
	v4 =	vmov s17  }
0x48: {  	v5 =	vadd.f32 v5, v3;
	v3 =	vshll.u32 v4, $0x7  }
0x49: {  	v3 =	vor.u32 v2, v3;
	_ =	sdelay $0x2  }
0x4a: {  	s18 =	simm.s32 $0x80;
	s17 =	simm.s32 $0x10;
	v4 =	vadd.f32 v6, v5  }
0x4b: {  	s19 =	simm.s32 $0x20;
	s21 =	sand.u32 $0x1C00, s18;
	s20 =	sand.u32 $0x70, s17  }
.LBB2_6:
0x4c: {  	p0 =	sne.s32 s19, $0x270;
	s20 =	sor.u32 s20, s21;
	[tilespmem:v3+s15+$0x0] =	vst.idx.msk $0xffff, v4  }
0x4d: {  	v3 =	vld [tilespmem:s20+$0x4F80];
	_ =	sdelay $0x1  }
0x4e: {  	v4 =	vld [tilespmem:s20+$0x5000];
	_ =	sdelay $0x1  }
0x4f: {  	v5 =	vld [tilespmem:s20+$0x5080]  }
0x50: {  	v3 =	vadd.f32 $0.0e+00, v3  }
0x51: {  	v6 =	vld [tilespmem:s20+$0x5100]  }
0x52: {  	v3 =	vadd.f32 v4, v3  }
0x53: {  	v4 =	vld [tilespmem:s20+$0x5180]  }
0x54: {  	v3 =	vadd.f32 v5, v3  }
0x55: {  	v5 =	vld [tilespmem:s20+$0x5200]  }
0x56: {  	v3 =	vadd.f32 v6, v3  }
0x57: {  	s21 =	sor.u32 s18, s17;
	v6 =	vld [tilespmem:s20+$0x5280]  }
0x58: {  	s21 =	sor.u32 $0x380, s21;
	v3 =	vadd.f32 v4, v3  }
0x59: {  	v4 =	vld [tilespmem:s21+$0x4F80]  }
0x5a: {  	v3 =	vadd.f32 v5, v3  }
0x5b: {  	v5 =	vld [tilespmem:s20+$0x6380]  }
0x5c: {  	v3 =	vadd.f32 v6, v3  }
0x5d: {  	v6 =	vld [tilespmem:s20+$0x6400]  }
0x5e: {  	v3 =	vadd.f32 v4, v3  }
0x5f: {  	v4 =	vld [tilespmem:s20+$0x6480]  }
0x60: {  	v3 =	vadd.f32 v5, v3  }
0x61: {  	v5 =	vld [tilespmem:s20+$0x6500]  }
0x62: {  	v3 =	vadd.f32 v6, v3  }
0x63: {  	v6 =	vld [tilespmem:s20+$0x6580]  }
0x64: {  	v3 =	vadd.f32 v4, v3  }
0x65: {  	v4 =	vld [tilespmem:s20+$0x6600]  }
0x66: {  	v3 =	vadd.f32 v5, v3  }
0x67: {  	v5 =	vld [tilespmem:s20+$0x6680]  }
0x68: {  	v3 =	vadd.f32 v6, v3  }
0x69: {  	v7 =	vmov s17;
	s17 =	smov.u32 s19;
	v6 =	vld [tilespmem:s20+$0x6700]  }
0x6a: {  	v4 =	vadd.f32 v4, v3;
	v3 =	vshll.u32 v7, $0x7  }
.Ltmp2:
0x6b: {  	v3 =	vor.u32 v2, v3;
	(pc) =	sbr.rel @p0 .LBB2_6-.Ltmp2, $3  }
0x6c: {  	v4 =	vadd.f32 v5, v4;
	_ =	sdelay $0x1  }
0x6d: {  	s18 =	sadd.s32 $0x80, s18;
	v4 =	vadd.f32 v6, v4  }
0x6e: {  	s19 =	sadd.s32 $0x10, s19;
	s21 =	sand.u32 $0x1C00, s18;
	s20 =	sand.u32 $0x70, s17  }
0x6f: {  	_ =	sdelay $0x3  }
0x70: {  	s19 =	sor.u32 s20, s21;
	[tilespmem:v3+s15+$0x0] =	vst.idx.msk $0xffff, v4  }
0x71: {  	v3 =	vld [tilespmem:s19+$0x4F80];
	_ =	sdelay $0x1  }
0x72: {  	v4 =	vld [tilespmem:s19+$0x5000];
	_ =	sdelay $0x1  }
0x73: {  	v5 =	vld [tilespmem:s19+$0x5080]  }
0x74: {  	v3 =	vadd.f32 $0.0e+00, v3  }
0x75: {  	v6 =	vld [tilespmem:s19+$0x5100]  }
0x76: {  	v3 =	vadd.f32 v4, v3  }
0x77: {  	v51 =	vld [tilespmem:s19+$0x5180]  }
0x78: {  	v3 =	vadd.f32 v5, v3  }
0x79: {  	v52 =	vld [tilespmem:s19+$0x5200]  }
0x7a: {  	v3 =	vadd.f32 v6, v3  }
0x7b: {  	s18 =	sor.u32 s18, s17;
	v53 =	vld [tilespmem:s19+$0x5280]  }
0x7c: {  	s18 =	sor.u32 $0x380, s18;
	v3 =	vadd.f32 v51, v3  }
0x7d: {  	v54 =	vld [tilespmem:s18+$0x4F80]  }
0x7e: {  	v3 =	vadd.f32 v52, v3  }
0x7f: {  	v55 =	vld [tilespmem:s19+$0x6380]  }
0x80: {  	v3 =	vadd.f32 v53, v3  }
0x81: {  	v56 =	vld [tilespmem:s19+$0x6400]  }
0x82: {  	v3 =	vadd.f32 v54, v3  }
0x83: {  	v57 =	vld [tilespmem:s19+$0x6480]  }
0x84: {  	v3 =	vadd.f32 v55, v3  }
0x85: {  	v58 =	vld [tilespmem:s19+$0x6500]  }
0x86: {  	v3 =	vadd.f32 v56, v3  }
0x87: {  	v59 =	vld [tilespmem:s19+$0x6580]  }
0x88: {  	v3 =	vadd.f32 v57, v3  }
0x89: {  	v60 =	vld [tilespmem:s19+$0x6600]  }
0x8a: {  	v3 =	vadd.f32 v58, v3  }
0x8b: {  	v61 =	vld [tilespmem:s19+$0x6680]  }
0x8c: {  	v3 =	vadd.f32 v59, v3  }
0x8d: {  	v7 =	vmov s17;
	v62 =	vld [tilespmem:s19+$0x6700]  }
0x8e: {  	v63 =	vshll.u32 v7, $0x7;
	v3 =	vadd.f32 v60, v3  }
0x8f: {  	v4 =	vor.u32 v2, v63  }
0x90: {  	v3 =	vadd.f32 v61, v3;
	_ =	sdelay $0x1  }
0x91: {  	s16 =	sadd.s32 $0x1, s16;
	v3 =	vadd.f32 v62, v3  }
0x92: {  	p0 =	sne.s32 s16, s5  }
.Ltmp3:
0x93: {  	[tilespmem:v4+s15+$0x0] =	vst.idx.msk $0xffff, v3;
	(pc) =	sbr.rel @p0 .LBB2_1-.Ltmp3, $4  }
0x94: {  	[hbm4b:s6+s1] =	stream.linear.scatter [tilespmem:s15], [sflag:$0x1], $0x14000, $0x38;
	[tilespmem:$0x1DF80] =	vst v63  }
0x95: {  	_ =	swait.ge [sflag:s8], $0x14000  }
0x96: {  	[sflag:s8] =	ssyncset.done $0x0  }
0x97: {  	[sflag:s8] =	ssyncadd.s32 $0xFFFEC000  }
0x98: {  	_ =	sfence.sel $0x180000  }
0x99: {  	[bflag:$0x0] =	sbarrier.arrive $0xFFFF  }
0x9a: {  	p0 =	sne.s32 s2, $0x0;
	_ =	strace $0x90000047  }
0x9b: {  	s0 =	sadd.s32 @!p0 $0x100000, s0;
	[bflag:$0x2] =	sbarrier.arrive $0xFFFF  }
0x9c: {  	[sflag:s0] =	ssyncadd.tile.s32 @!p0 $0x1;
	_ =	shalt  }
.Lfunc_end2:
_tile_overlayer_lowered:
.L_overlay_start_2:
0x9d: {  	(tag) =	ssettag $0x2  }
0x9e: {  	s0 =	rddreg [dreg:$0x0];
	s2 =	stileid.u32  }
0x9f: {  	s1 =	rddreg [dreg:$0x1];
	p0 =	sne.s32 s2, $0x0  }
0xa0: {  	s3 =	rddreg [dreg:$0x2];
	[bflag:$0x3] =	sbarrier.arrive $0xFFFF;
	s2 =	simm.s32 @!p0 $0x1C01  }
0xa1: {  	[timem:s3], [sflag:s2] =	dma.local @!p0 [hbm:s0], s1  }
0xa2: {  	s0 =	simm.s32 @!p0 $0x1  }
0xa3: {  	_ =	swait.ge @!p0 [sflag:s0], s1  }
0xa4: {  	s1 =	ssub.s32 @!p0 $0x0, s1;
	[sflag:s0] =	ssyncset.done @!p0 $0x0  }
0xa5: {  	[sflag:s0] =	ssyncadd.s32 @!p0 s1  }
0xa6: {  	[bflag:$0x3] =	sbarrier.arrive $0xFFFF  }
0xa7: {  	_ =	shalt  }

// kernel: kernel.13.cloned.1.call-start
scs
__scs_entry_jumppad:
0x0: {  	(pc) =	sbr.rel $0x88, $3  }
0x1: {  	(tag) =	ssettag $0x0;
	lr =	simm.s32 $0x1  }
0x2: {  	[smem:$0x3F96] =	sst lr;
	_ =	strace $0xD0000000  }
0x3: {  	_ = 	snop  }
0x4: {  	_ = 	snop  }
0x5: {  	_ = 	snop  }
0x6: {  	_ = 	snop  }
0x7: {  	_ = 	snop  }
__scs_overlays_trampoline_lowered:
0x8: {  	[smem:$0x3FA5] =	sst s0  }
0x9: {  	[smem:$0x3FA6] =	sst s1  }
0xa: {  	[smem:$0x3FA7] =	sst s2  }
0xb: {  	[smem:$0x3FA8] =	sst s3  }
0xc: {  	[smem:$0x3FA9] =	sst s4  }
0xd: {  	[smem:$0x3FAA] =	sst s5  }
0xe: {  	[smem:$0x3FAB] =	sst s6  }
0xf: {  	[smem:$0x3FAC] =	sst s7  }
0x10: {  	[smem:$0x3FAD] =	sst s8  }
0x11: {  	[smem:$0x3FAE] =	sst s9;
	s0 =	simm.s32 @!p0 $0x0  }
0x12: {  	s1 =	sld [smem:$0x3F94];
	s0 =	simm.s32 @p0 $0x1  }
0x13: {  	[smem:$0x3FAF] =	sst s0;
	s0 =	simm.s32 @!p1 $0x0  }
0x14: {  	s2 =	sld [smem:$0x3F93];
	s0 =	simm.s32 @p1 $0x1  }
0x15: {  	[smem:$0x3FB0] =	sst s0;
	s0 =	simm.s32 @!p2 $0x0  }
0x16: {  	s3 =	sld [smem:$0x3FDB];
	s0 =	simm.s32 @p2 $0x1  }
0x17: {  	s4 =	simm.s32 $0x1BF5;
	[smem:$0x3FB2] =	sst s0  }
0x18: {  	s0 =	sld [smem:$0x3F95];
	_ =	swait.ge [sflag:s4], $0x0  }
0x19: {  	s7 =	sld [smem:$0x3F96]  }
0x1a: {  	s8 =	sadd.s32 $0xFFFFE003, lr  }
0x1b: {  	s9 =	sadd.s32 $0xFFFFFEF7, lr;
	s5 =	simm.s32 $0xFFFFFFFF;
	p2 =	slt.u32 s8, $0xFFFFF086  }
0x1c: {  	p1 =	slt.u32 s9, $0xF7A;
	s5 =	simm.s32 @!p2 $0x0  }
0x1d: {  	s5 =	simm.s32 @p1 $0x1;
	p0 =	seq.s32 s7, s2  }
0x1e: {  	s7 =	smul.u32 @!p0 $0xF7A, s2;
	p2 =	seq.s32 @!p0 s5, $0x0  }
0x1f: {  	s9 =	smul.u32 $0xF7A, s1;
	s8 =	simm.s32 @!p0 $0x1BF5;
	p2 =	por !p2, p0  }
0x20: {  	[sflag:s8] =	ssyncset.s32 @!p0 $0xFFFFF086;
	s6 =	sadd.s32 @!p0 s3, s7;
	s7 =	simm.s32 @!p0 $0x108  }
0x21: {  	s3 =	sadd.s32 s3, s9;
	s6 =	sadd.s32 @!p0 $0x88, s6;
	s7 =	simm.s32 @p2 $0x1082  }
0x22: {  	[simem:s7], [sflag:s8] =	dma.local @!p0 [hbm:s6], $0xF7A  }
0x23: {  	s9 =	sor.u32 $0xD0000000, s2;
	s6 =	simm.s32 $0x108;
	_ =	swait.ge @!p0 [sflag:s8], $0x0  }
0x24: {  	s3 =	sadd.s32 $0x88, s3;
	s6 =	simm.s32 @!p1 $0x1082;
	[sflag:s4] =	ssyncset.s32 $0xFFFFF086  }
0x25: {  	[simem:s6], [sflag:s4] =	dma.local [hbm:s3], $0xF7A  }
0x26: {  	[smem:$0x3F96] =	sst s1;
	(tag) =	ssettag s2;
	_ =	strace s9  }
0x27: {  	s1 =	sld [smem:$0x3FA6]  }
0x28: {  	s2 =	sld [smem:$0x3FA7]  }
0x29: {  	s4 =	sld [smem:$0x3FA9]  }
0x2a: {  	p0 =	seq.s32 s5, $0x0;
	s5 =	sld [smem:$0x3FAA]  }
0x2b: {  	s6 =	sld [smem:$0x3FAB]  }
0x2c: {  	s7 =	sld [smem:$0x3FAC]  }
0x2d: {  	s3 =	simm.s32 $0x108;
	s8 =	sld [smem:$0x3FAD]  }
0x2e: {  	s3 =	simm.s32 @!p0 $0x1082;
	s9 =	sld [smem:$0x3FAE]  }
0x2f: {  	lr =	sadd.s32 s0, s3;
	s0 =	sld [smem:$0x3FA5]  }
0x30: {  	s3 =	sld [smem:$0x3FA8]  }
0x31: {  	[smem:$0x3FB1] =	sst s10  }
0x32: {  	s10 =	sld [smem:$0x3FAF];
	_ =	sdelay $0x3  }
0x33: {  	p0 =	seq.s32 s10, $0x1;
	s10 =	sld [smem:$0x3FB1];
	_ =	sdelay $0x3  }
0x34: {  	[smem:$0x3FB1] =	sst s10  }
0x35: {  	s10 =	sld [smem:$0x3FB0];
	_ =	sdelay $0x3  }
0x36: {  	p1 =	seq.s32 s10, $0x1;
	s10 =	sld [smem:$0x3FB1];
	_ =	sdelay $0x3  }
0x37: {  	[smem:$0x3FB1] =	sst s10  }
0x38: {  	s10 =	sld [smem:$0x3FB2]  }
0x39: {  	_ = 	snop;
	(pc) =	sbr.ind lr, $3  }
0x3a: {  	_ = 	snop  }
0x3b: {  	_ = 	snop  }
0x3c: {  	p2 =	seq.s32 s10, $0x1;
	s10 =	sld [smem:$0x3FB1]  }
0x3d: {  	_ =	shalt  }
0x3e: {  	_ =	shalt  }
0x3f: {  	_ =	shalt  }
0x40: {  	_ =	shalt  }
0x41: {  	_ =	shalt  }
0x42: {  	_ =	shalt  }
0x43: {  	_ =	shalt  }
0x44: {  	_ =	shalt  }
0x45: {  	_ =	shalt  }
0x46: {  	_ =	shalt  }
0x47: {  	_ =	shalt  }
0x48: {  	_ =	shalt  }
0x49: {  	_ =	shalt  }
0x4a: {  	_ =	shalt  }
0x4b: {  	_ =	shalt  }
0x4c: {  	_ =	shalt  }
0x4d: {  	_ =	shalt  }
0x4e: {  	_ =	shalt  }
0x4f: {  	_ =	shalt  }
0x50: {  	_ =	shalt  }
0x51: {  	_ =	shalt  }
0x52: {  	_ =	shalt  }
0x53: {  	_ =	shalt  }
0x54: {  	_ =	shalt  }
0x55: {  	_ =	shalt  }
0x56: {  	_ =	shalt  }
0x57: {  	_ =	shalt  }
0x58: {  	_ =	shalt  }
0x59: {  	_ =	shalt  }
0x5a: {  	_ =	shalt  }
0x5b: {  	_ =	shalt  }
0x5c: {  	_ =	shalt  }
0x5d: {  	_ =	shalt  }
0x5e: {  	_ =	shalt  }
0x5f: {  	_ =	shalt  }
0x60: {  	_ =	shalt  }
0x61: {  	_ =	shalt  }
0x62: {  	_ =	shalt  }
0x63: {  	_ =	shalt  }
0x64: {  	_ =	shalt  }
0x65: {  	_ =	shalt  }
0x66: {  	_ =	shalt  }
0x67: {  	_ =	shalt  }
0x68: {  	_ =	shalt  }
0x69: {  	_ =	shalt  }
0x6a: {  	_ =	shalt  }
0x6b: {  	_ =	shalt  }
0x6c: {  	_ =	shalt  }
0x6d: {  	_ =	shalt  }
0x6e: {  	_ =	shalt  }
0x6f: {  	_ =	shalt  }
0x70: {  	_ =	shalt  }
0x71: {  	_ =	shalt  }
0x72: {  	_ =	shalt  }
0x73: {  	_ =	shalt  }
0x74: {  	_ =	shalt  }
0x75: {  	_ =	shalt  }
0x76: {  	_ =	shalt  }
0x77: {  	_ =	shalt  }
0x78: {  	_ =	shalt  }
0x79: {  	_ =	shalt  }
0x7a: {  	_ =	shalt  }
0x7b: {  	_ =	shalt  }
0x7c: {  	_ =	shalt  }
0x7d: {  	_ =	shalt  }
0x7e: {  	_ =	shalt  }
0x7f: {  	_ =	shalt  }
0x80: {  	_ =	shalt  }
0x81: {  	_ =	shalt  }
0x82: {  	_ =	shalt  }
0x83: {  	_ =	shalt  }
0x84: {  	_ =	shalt  }
0x85: {  	_ =	shalt  }
0x86: {  	_ =	shalt  }
0x87: {  	_ =	shalt  }
.Lfunc_end0:
.L_simem_size_0:
called_computation.1_lowered:
.L_overlay_start_0:
0x88: {  	s2 =	sld [smem:$0x3FD9]  }
0x89: {  	s3 =	sld [smem:$0x3FFE];
	_ =	sdelay $0x1  }
0x8a: {  	s1 =	srdreg.scid  }
0x8b: {  	s0 =	sand.u32 $0x1, s1  }
0x8c: {  	s17 =	sshll.u32 s0, $0xA;
	s2 =	sadd.s32 s3, s2  }
0x8d: {  	s2 =	sadd.s32 s2, s17  }
0x8e: {  	[smem:$0x3FBD] =	sst s2  }
0x8f: {  	_ = 	snop  }
0x90: {  	s2 =	sld [smem:$0x3FD0];
	(tm) =	ssettm $0x1  }
0x91: {  	s18 =	sld [smem:$0x3FFB];
	_ =	sdelay $0x3  }
0x92: {  	_ =	strace s18  }
0x93: {  	s3 =	sld [smem:$0x3FFC];
	_ =	sdelay $0x3  }
0x94: {  	_ =	strace s3  }
0x95: {  	s3 =	sld [smem:$0x3FFD];
	_ =	sdelay $0x3  }
0x96: {  	_ =	strace s3  }
0x97: {  	_ =	strace $0x8FFFFFFF  }
0x98: {  	s19 =	sld [smem:$0x3FDB];
	_ =	sdelay $0x1  }
0x99: {  	s4 =	simm.s32 $_scs_section_size  }
0x9a: {  	s5 =	simm.s32 $_size__tile_overlayer_lowered;
	s6 =	simm.s32 $_tile_overlayer_lowered  }
0x9b: {  	s22 =	simm.s32 $0x1BFF;
	s21 =	sshll.u32 s6, $0x1;
	s3 =	sadd.s32 s4, s19  }
0x9c: {  	s7 =	simm.s32 $0x0;
	s20 =	sshll.u32 s5, $0x1;
	s5 =	sadd.s32 s21, s3  }
0x9d: {  	[timem:s7], [sflag:s22] =	dma.local [hbm:s5], s20  }
0x9e: {  	_ =	swait.ge [sflag:s22], s20  }
0x9f: {  	s4 =	ssub.s32 $0x0, s20;
	[sflag:s22] =	ssyncset.done $0x0  }
0xa0: {  	[sflag:s22] =	ssyncadd.s32 s4;
	_ =	sdelay $0x1  }
0xa1: {  	s23 =	simm.s32 $0x1B8B  }
0xa2: {  	_ =	swait.ge [sflag:s23], $0x1  }
0xa3: {  	[sflag:s23] =	ssyncset.done $0x0  }
0xa4: {  	s25 =	simm.s32 $0x1B8E;
	s24 =	sld [smem:$0x3FFE];
	[sflag:s23] =	ssyncadd.s32 $0xFFFFFFFF  }
0xa5: {  	s26 =	simm.s32 $execute0_lowered;
	[smem:$0x3FD2] =	sst s25  }
0xa6: {  	s5 =	sshll.u32 s26, $0x1;
	_ =	strace $0x80000049;
	[dreg:$0x1] =	wrdreg $0xFFFFFFFF  }
0xa7: {  	s28 =	simm.s32 $_size_execute0_lowered;
	s3 =	sadd.s32 s3, s5;
	[dreg:$0x0] =	wrdreg $0x0  }
0xa8: {  	s5 =	sshll.u32 s28, $0x1;
	[dreg:$0x2] =	wrdreg s3  }
0xa9: {  	[dreg:$0x3] =	wrdreg s5  }
0xaa: {  	[dreg:$0x4] =	wrdreg $0xC0  }
0xab: {  	_ =	task [dreg:s7], $0x5FFFF  }
0xac: {  	[dreg:$0x1] =	wrdreg $0xFFFFFFFF  }
0xad: {  	[dreg:$0x0] =	wrdreg $0x60  }
0xae: {  	[dreg:$0x2] =	wrdreg s24  }
0xaf: {  	[dreg:$0x3] =	wrdreg s2  }
0xb0: {  	[dreg:$0x4] =	wrdreg $0xC2000  }
0xb1: {  	[dreg:$0x5] =	wrdreg $0x9  }
0xb2: {  	_ =	task.clear_ibuf [dreg:s7], $0x6FFFF;
	_ =	strace $0x90000049  }
0xb3: {  	s29 =	simm.s32 $0x9;
	_ =	strace $0x8000004B  }
0xb4: {  	_ =	swait.ge [sflag:s29], $0x1  }
0xb5: {  	[sflag:s29] =	ssyncadd.s32 $0xFFFFFFFF  }
0xb6: {  	_ =	strace $0x9000004B  }
0xb7: {  	_ =	sfence  }
0xb8: {  	s30 =	sld [smem:$0x0];
	_ =	sdelay $0x2  }
0xb9: {  	s31 =	sshll.u32 s1, $0xD;
	s1 =	sshrl.u32 s1, $0x2  }
0xba: {  	s3 =	sand.u32 $0x4000, s31;
	s1 =	sadd.s32 s1, s30  }
0xbb: {  	s0 =	sor.u32 s3, s0;
	s1 =	sshll.u32 s1, $0x11  }
0xbc: {  	s0 =	sor.u32 s1, s0  }
0xbd: {  	s0 =	sadd.s32 $0x8F2B, s0  }
0xbe: {  	[sflag:s0] =	ssyncadd.remote.s32 $0x1  }
0xbf: {  	_ =	sfence.sel $0xFFFF  }
0xc0: {  	[dreg:$0x0] =	wrdreg $0xFFFFFFFF;
	(pc) =	sbr.abs _section_cstart, $3  }
0xc1: {  	[dreg:$0x1] =	wrdreg $0xFFFFFFFF  }
0xc2: {  	_ =	task.clear_ibuf [dreg:s7], $0x2FFFF;
	_ =	strace $0x9FFFFFFF  }
0xc3: {  	(tm) =	ssettm $0x7FFFFFFF  }
tec
execute0_lowered:
.L_overlay_start_1:
0x0: {  	(tag) =	ssettag $0x1  }
0x1: {  	s0 =	rddreg [dreg:$0x0]  }
0x2: {  	s2 =	rddreg [dreg:$0x1]  }
0x3: {  	s1 =	rddreg [dreg:$0x2];
	s3 =	simm.s32 $0x0;
	s16 =	stileid.u32  }
0x4: {  	s5 =	srdreg.scid;
	s28 =	simm.s32 $0x3;
	s29 =	simm.s32 $0x2  }
0x5: {  	s30 =	simm.s32 $0x4200;
	s31 =	simm.s32 $0x5;
	[smem:$0x7FF] =	sst s3  }
0x6: {  	s6 =	sadd.s32 $0x5E00, s0;
	s4 =	sadd.s32 $0xDA200, s0;
	s7 =	smul.u32 $0x4F000, s16  }
0x7: {  	s8 =	sadd.s32 $0x5FE00, s0;
	s9 =	sadd.s32 $0x128600, s0;
	s13 =	smul.u32 $0x2800, s16  }
0x8: {  	s12 =	sand.u32 $0x1, s5;
	s0 =	sadd.s32 $0x14FE00, s0;
	s17 =	smul.u32 $0x2780, s16  }
0x9: {  	_ =	strace $0x8000004A;
	s10 =	ssub.s32 $0x2, s12;
	p0 =	seq.s32 s12, $0x0  }
0xa: {  	s19 =	sshrl.u32 s7, $0x2;
	s20 =	sshrl.u32 s10, $0x1;
	s11 =	sshrl.u32 s13, $0x3  }
0xb: {  	s14 =	sor.u32 $0x80, s13;
	s15 =	sor.u32 $0x100, s13;
	s0 =	smov.u32 @p0 s9  }
0xc: {  	s4 =	smov.u32 @p0 s6;
	s6 =	simm.s32 $0x0;
	s5 =	sadd.s32 s19, s1  }
0xd: {  	s7 =	ssub.s32 s10, s20;
	s25 =	sadd.s32 s2, s11;
	s11 =	sadd.s32 s8, s11  }
0xe: {  	s14 =	sshrl.u32 s14, $0x3;
	s26 =	sshrl.u32 s15, $0x3;
	s19 =	smul.u32 $0x500, s16  }
0xf: {  	s17 =	sadd.s32 s0, s17;
	s20 =	simm.s32 $0x8200;
	s0 =	simm.s32 $0x4  }
0x10: {  	s21 =	sadd.s32 $0x4000, s5;
	s22 =	sadd.s32 $0x8000, s5;
	s23 =	sadd.s32 $0xC000, s5  }
0x11: {  	s24 =	sadd.s32 $0x10000, s5;
	[dreg:$0x8] =	wrdreg s25;
	s12 =	smax.u32 s7, $0x1  }
0x12: {  	s13 =	sadd.s32 s2, s14;
	s14 =	sadd.s32 s8, s14;
	[dreg:$0x4] =	wrdreg s21  }
.Ltmp0:
0x13: {  	s15 =	sadd.s32 s2, s26;
	[dreg:$0x5] =	wrdreg s22;
	(pc) =	sbr.rel .LBB2_1-.Ltmp0, $4  }
0x14: {  	s16 =	sadd.s32 s8, s26;
	s25 =	simm.s32 $0x200;
	[dreg:$0x6] =	wrdreg s23  }
0x15: {  	s26 =	simm.s32 $0x180;
	[dreg:$0x7] =	wrdreg s24;
	s18 =	sadd.s32 s19, s8  }
0x16: {  	s19 =	sadd.s32 s19, s2;
	s21 =	simm.s32 $0x7;
	s22 =	simm.s32 $0x100  }
0x17: {  	v0 =	vimm.f32 $0.0e+00;
	s23 =	simm.s32 $0x1;
	s24 =	simm.s32 $0x80;
	s2 =	simm.s32 $0x6  }
.LBB2_6:
0x18: {  	_ =	swait.ge [sflag:s0], $0x4000  }
0x19: {  	[sflag:s0] =	ssyncset.done $0x0  }
0x1a: {  	[sflag:s0] =	ssyncadd.s32 $0xFFFFC000  }
0x1b: {  	[spmem:s1] =	stream.indirect.scatter.add.f32 [tilespmem:s30], [sflag:$0x6], $0x80, s26, s24, $0xb8;
	[tilespmem:$0x1FE00] =	vst v63  }
0x1c: {  	s7 =	stileid.u32;
	_ =	swait.ge [sflag:s2], $0x4000  }
0x1d: {  	s8 =	sshrl.u32 s5, $0x3;
	s6 =	sadd.s32 $0x1, s6;
	[sflag:s2] =	ssyncset.done $0x0  }
0x1e: {  	s7 =	sshll.u32 s7, $0x6;
	p0 =	sne.s32 s6, s12;
	[sflag:s2] =	ssyncadd.s32 $0xFFFFC000  }
.Ltmp1:
0x1f: {  	s7 =	sor.u32 $0x1C07, s7;
	[bflag:$0x0] =	sbarrier.arrive $0xFFFF;
	(pc) =	sbr.rel @!p0 .LBB2_7-.Ltmp1, $4  }
0x20: {  	[hbm:s17], [sflag:s7] =	dma.local [spmem:s8], $0x2780  }
0x21: {  	_ =	swait.ge [sflag:s21], $0x2780  }
0x22: {  	[sflag:s21] =	ssyncset.done $0x0  }
0x23: {  	[sflag:s21] =	ssyncadd.s32 $0xFFFFD880  }
.LBB2_1:
0x24: {  	s7 =	simm.s32 $0x0;
	s8 =	simm.s32 $0x200  }
.LBB2_2:
0x25: {  	p0 =	sne.s32 s8, $0xFE00;
	[tilespmem:s7+$0x8270] =	vst v0  }
0x26: {  	[tilespmem:s7+$0x8200] =	vst v0  }
0x27: {  	[tilespmem:s7+$0x8210] =	vst v0  }
.Ltmp2:
0x28: {  	[tilespmem:s7+$0x8220] =	vst v0;
	(pc) =	sbr.rel @p0 .LBB2_2-.Ltmp2, $4  }
0x29: {  	[tilespmem:s7+$0x8230] =	vst v0  }
0x2a: {  	[tilespmem:s7+$0x8240] =	vst v0  }
0x2b: {  	[tilespmem:s7+$0x8250] =	vst v0  }
0x2c: {  	[tilespmem:s7+$0x8260] =	vst v0;
	s7 =	sshra.s32 s8, $0x2;
	s8 =	sadd.s32 $0x200, s8  }
0x2d: {  	[tilespmem:s7+$0x8270] =	vst v0  }
0x2e: {  	[tilespmem:s7+$0x8200] =	vst v0  }
0x2f: {  	[tilespmem:s7+$0x8210] =	vst v0  }
0x30: {  	[tilespmem:s7+$0x8220] =	vst v0  }
0x31: {  	[tilespmem:s7+$0x8230] =	vst v0  }
0x32: {  	[tilespmem:s7+$0x8240] =	vst v0  }
0x33: {  	[tilespmem:s7+$0x8250] =	vst v0  }
0x34: {  	[tilespmem:s7+$0x8260] =	vst v0  }
0x35: {  	[spmem:s5] =	stream.linear.scatter [tilespmem:s20], [sflag:$0x7], $0x4000, $0x38;
	[tilespmem:$0x1FE00] =	vst v63  }
0x36: {  	_ =	swait.ge [sflag:s21], $0x4000  }
0x37: {  	[sflag:s21] =	ssyncset.done $0x0  }
0x38: {  	s9 =	rddreg [dreg:$0x4];
	[sflag:s21] =	ssyncadd.s32 $0xFFFFC000  }
0x39: {  	[spmem:s9] =	stream.linear.scatter [tilespmem:s20], [sflag:$0x7], $0x4000, $0x38;
	[tilespmem:$0x1FE00] =	vst v63  }
0x3a: {  	_ =	swait.ge [sflag:s21], $0x4000  }
0x3b: {  	[sflag:s21] =	ssyncset.done $0x0  }
0x3c: {  	s10 =	rddreg [dreg:$0x5];
	[sflag:s21] =	ssyncadd.s32 $0xFFFFC000  }
0x3d: {  	[spmem:s10] =	stream.linear.scatter [tilespmem:s20], [sflag:$0x7], $0x4000, $0x38;
	[tilespmem:$0x1FE00] =	vst v63  }
0x3e: {  	_ =	swait.ge [sflag:s21], $0x4000  }
0x3f: {  	[sflag:s21] =	ssyncset.done $0x0  }
0x40: {  	s8 =	rddreg [dreg:$0x6];
	[sflag:s21] =	ssyncadd.s32 $0xFFFFC000  }
0x41: {  	[spmem:s8] =	stream.linear.scatter [tilespmem:s20], [sflag:$0x7], $0x4000, $0x38;
	[tilespmem:$0x1FE00] =	vst v63  }
0x42: {  	_ =	swait.ge [sflag:s21], $0x4000  }
0x43: {  	[sflag:s21] =	ssyncset.done $0x0  }
0x44: {  	s9 =	rddreg [dreg:$0x7];
	[sflag:s21] =	ssyncadd.s32 $0xFFFFC000  }
0x45: {  	[spmem:s9] =	stream.linear.scatter [tilespmem:s20], [sflag:$0x7], $0x3C00, $0x38;
	[tilespmem:$0x1FE00] =	vst v63  }
0x46: {  	_ =	swait.ge [sflag:s21], $0x3C00  }
0x47: {  	[sflag:s21] =	ssyncset.done $0x0  }
0x48: {  	s10 =	rddreg [dreg:$0x8];
	[sflag:s21] =	ssyncadd.s32 $0xFFFFC400  }
0x49: {  	[tilespmem:s3], [sflag:$0x1] =	stream.linear.gather [hbm4b:s10+s3], $0x80, $0x38;
	[tilespmem:$0x1FE00] =	vst v63  }
0x4a: {  	_ = 	snop  }
0x4b: {  	[tilespmem:s22], [sflag:$0x1] =	stream.linear.gather [hbm4b:s11+s3], $0x80, $0x38;
	[tilespmem:$0x1FE00] =	vst v63  }
0x4c: {  	_ =	swait.ge [sflag:s23], $0x80  }
0x4d: {  	[sflag:s23] =	ssyncset.done $0x0  }
0x4e: {  	[sflag:s23] =	ssyncadd.s32 $0xFFFFFF80  }
0x4f: {  	_ =	swait.ge [sflag:s23], $0x80  }
0x50: {  	[sflag:s23] =	ssyncset.done $0x0  }
0x51: {  	[sflag:s23] =	ssyncadd.s32 $0xFFFFFF80  }
0x52: {  	[tilespmem:s25], [sflag:$0x3] =	stream.indirect.gather [hbm4b:s4+s24], $0x80, s3, s24, $0xb8;
	[tilespmem:$0x1FE00] =	vst v63  }
0x53: {  	_ = 	snop  }
0x54: {  	[tilespmem:s24], [sflag:$0x2] =	stream.linear.gather [hbm4b:s13+s3], $0x80, $0x38;
	[tilespmem:$0x1FE00] =	vst v63  }
0x55: {  	_ = 	snop  }
0x56: {  	[tilespmem:s26], [sflag:$0x2] =	stream.linear.gather [hbm4b:s14+s3], $0x80, $0x38;
	[tilespmem:$0x1FE00] =	vst v63  }
0x57: {  	_ =	swait.ge [sflag:s28], $0x4000  }
0x58: {  	[sflag:s28] =	ssyncset.done $0x0  }
0x59: {  	[sflag:s28] =	ssyncadd.s32 $0xFFFFC000  }
0x5a: {  	[spmem:s1] =	stream.indirect.scatter.add.f32 [tilespmem:s25], [sflag:$0x5], $0x80, s22, s24, $0xb8;
	[tilespmem:$0x1FE00] =	vst v63  }
0x5b: {  	_ =	swait.ge [sflag:s29], $0x80  }
0x5c: {  	[sflag:s29] =	ssyncset.done $0x0  }
0x5d: {  	[sflag:s29] =	ssyncadd.s32 $0xFFFFFF80  }
0x5e: {  	_ =	swait.ge [sflag:s29], $0x80  }
0x5f: {  	[sflag:s29] =	ssyncset.done $0x0  }
0x60: {  	[sflag:s29] =	ssyncadd.s32 $0xFFFFFF80  }
0x61: {  	[tilespmem:s30], [sflag:$0x4] =	stream.indirect.gather [hbm4b:s4+s24], $0x80, s24, s24, $0xb8;
	[tilespmem:$0x1FE00] =	vst v63  }
0x62: {  	_ =	swait.ge [sflag:s31], $0x4000  }
0x63: {  	[sflag:s31] =	ssyncset.done $0x0  }
0x64: {  	[sflag:s31] =	ssyncadd.s32 $0xFFFFC000  }
0x65: {  	[tilespmem:s3], [sflag:$0x1] =	stream.linear.gather [hbm4b:s15+s3], $0x80, $0x38;
	[tilespmem:$0x1FE00] =	vst v63  }
0x66: {  	_ = 	snop  }
0x67: {  	[tilespmem:s22], [sflag:$0x1] =	stream.linear.gather [hbm4b:s16+s3], $0x80, $0x38;
	[tilespmem:$0x1FE00] =	vst v63  }
0x68: {  	_ =	swait.ge [sflag:s0], $0x4000  }
0x69: {  	[sflag:s0] =	ssyncset.done $0x0  }
0x6a: {  	[sflag:s0] =	ssyncadd.s32 $0xFFFFC000  }
0x6b: {  	[spmem:s1] =	stream.indirect.scatter.add.f32 [tilespmem:s30], [sflag:$0x6], $0x80, s26, s24, $0xb8;
	[tilespmem:$0x1FE00] =	vst v63  }
0x6c: {  	_ =	swait.ge [sflag:s23], $0x80  }
0x6d: {  	[sflag:s23] =	ssyncset.done $0x0  }
0x6e: {  	[sflag:s23] =	ssyncadd.s32 $0xFFFFFF80  }
0x6f: {  	_ =	swait.ge [sflag:s23], $0x80  }
0x70: {  	[sflag:s23] =	ssyncset.done $0x0  }
0x71: {  	s7 =	simm.s32 $0xFFFFFB40;
	[sflag:s23] =	ssyncadd.s32 $0xFFFFFF80  }
0x72: {  	[tilespmem:s25], [sflag:$0x3] =	stream.indirect.gather [hbm4b:s4+s24], $0x80, s3, s24, $0xb8;
	[tilespmem:$0x1FE00] =	vst v63  }
.LBB2_4:
0x73: {  	_ =	swait.ge [sflag:s2], $0x4000  }
0x74: {  	s8 =	sadd.s32 s7, s19;
	[sflag:s2] =	ssyncset.done $0x0  }
0x75: {  	s9 =	sadd.s32 $0x4F0, s8;
	[sflag:s2] =	ssyncadd.s32 $0xFFFFC000  }
0x76: {  	[tilespmem:s24], [sflag:$0x2] =	stream.linear.gather [hbm4b:s9+s3], $0x80, $0x38;
	[tilespmem:$0x1FE00] =	vst v63  }
0x77: {  	s9 =	sadd.s32 s7, s18  }
0x78: {  	s10 =	sadd.s32 $0x4F0, s9  }
0x79: {  	[tilespmem:s26], [sflag:$0x2] =	stream.linear.gather [hbm4b:s10+s3], $0x80, $0x38;
	[tilespmem:$0x1FE00] =	vst v63  }
0x7a: {  	_ =	swait.ge [sflag:s28], $0x4000  }
0x7b: {  	[sflag:s28] =	ssyncset.done $0x0  }
0x7c: {  	[sflag:s28] =	ssyncadd.s32 $0xFFFFC000  }
0x7d: {  	[spmem:s1] =	stream.indirect.scatter.add.f32 [tilespmem:s25], [sflag:$0x5], $0x80, s22, s24, $0xb8;
	[tilespmem:$0x1FE00] =	vst v63  }
0x7e: {  	_ =	swait.ge [sflag:s29], $0x80  }
0x7f: {  	[sflag:s29] =	ssyncset.done $0x0  }
0x80: {  	[sflag:s29] =	ssyncadd.s32 $0xFFFFFF80  }
0x81: {  	_ =	swait.ge [sflag:s29], $0x80  }
0x82: {  	p0 =	seq.s32 s7, $0x0;
	[sflag:s29] =	ssyncset.done $0x0  }
.Ltmp3:
0x83: {  	[sflag:s29] =	ssyncadd.s32 $0xFFFFFF80;
	(pc) =	sbr.rel @p0 .LBB2_6-.Ltmp3, $4  }
0x84: {  	[tilespmem:s30], [sflag:$0x4] =	stream.indirect.gather [hbm4b:s4+s24], $0x80, s24, s24, $0xb8;
	[tilespmem:$0x1FE00] =	vst v63  }
0x85: {  	_ =	swait.ge [sflag:s31], $0x4000  }
0x86: {  	[sflag:s31] =	ssyncset.done $0x0  }
0x87: {  	[sflag:s31] =	ssyncadd.s32 $0xFFFFC000  }
0x88: {  	s8 =	sadd.s32 $0x500, s8  }
0x89: {  	[tilespmem:s3], [sflag:$0x1] =	stream.linear.gather [hbm4b:s8+s3], $0x80, $0x38;
	[tilespmem:$0x1FE00] =	vst v63  }
0x8a: {  	s10 =	sadd.s32 $0x500, s9  }
0x8b: {  	[tilespmem:s22], [sflag:$0x1] =	stream.linear.gather [hbm4b:s10+s3], $0x80, $0x38;
	[tilespmem:$0x1FE00] =	vst v63  }
0x8c: {  	_ =	swait.ge [sflag:s0], $0x4000  }
0x8d: {  	[sflag:s0] =	ssyncset.done $0x0  }
0x8e: {  	[sflag:s0] =	ssyncadd.s32 $0xFFFFC000  }
0x8f: {  	[spmem:s1] =	stream.indirect.scatter.add.f32 [tilespmem:s30], [sflag:$0x6], $0x80, s26, s24, $0xb8;
	[tilespmem:$0x1FE00] =	vst v63  }
0x90: {  	_ =	swait.ge [sflag:s23], $0x80  }
0x91: {  	[sflag:s23] =	ssyncset.done $0x0  }
.Ltmp4:
0x92: {  	[sflag:s23] =	ssyncadd.s32 $0xFFFFFF80;
	(pc) =	sbr.rel .LBB2_4-.Ltmp4, $4  }
0x93: {  	_ =	swait.ge [sflag:s23], $0x80  }
0x94: {  	[sflag:s23] =	ssyncset.done $0x0  }
0x95: {  	s7 =	sadd.s32 $0x20, s7;
	[sflag:s23] =	ssyncadd.s32 $0xFFFFFF80  }
0x96: {  	[tilespmem:s25], [sflag:$0x3] =	stream.indirect.gather [hbm4b:s4+s24], $0x80, s3, s24, $0xb8;
	[tilespmem:$0x1FE00] =	vst v63  }
.LBB2_7:
0x97: {  	_ =	sfence.sel $0x180000  }
0x98: {  	[bflag:$0x0] =	sbarrier.arrive $0xFFFF  }
0x99: {  	_ =	strace $0x9000004A  }
0x9a: {  	s0 =	stileid.u32;
	[bflag:$0x2] =	sbarrier.arrive $0xFFFF  }
0x9b: {  	p0 =	sne.s32 s0, $0x0;
	s0 =	rddreg [dreg:$0x3]  }
0x9c: {  	s0 =	sadd.s32 @!p0 $0x100000, s0  }
0x9d: {  	[sflag:s0] =	ssyncadd.tile.s32 @!p0 $0x1;
	_ =	shalt  }
.Lfunc_end2:
_tile_overlayer_lowered:
.L_overlay_start_2:
0x9e: {  	(tag) =	ssettag $0x2  }
0x9f: {  	s0 =	rddreg [dreg:$0x0];
	s2 =	stileid.u32  }
0xa0: {  	s1 =	rddreg [dreg:$0x1];
	p0 =	sne.s32 s2, $0x0  }
0xa1: {  	s3 =	rddreg [dreg:$0x2];
	[bflag:$0x3] =	sbarrier.arrive $0xFFFF;
	s2 =	simm.s32 @!p0 $0x1C07  }
0xa2: {  	[timem:s3], [sflag:s2] =	dma.local @!p0 [hbm:s0], s1  }
0xa3: {  	s0 =	simm.s32 @!p0 $0x7  }
0xa4: {  	_ =	swait.ge @!p0 [sflag:s0], s1  }
0xa5: {  	s1 =	ssub.s32 @!p0 $0x0, s1;
	[sflag:s0] =	ssyncset.done @!p0 $0x0  }
0xa6: {  	[sflag:s0] =	ssyncadd.s32 @!p0 s1  }
0xa7: {  	[bflag:$0x3] =	sbarrier.arrive $0xFFFF  }
0xa8: {  	_ =	shalt  }

// kernel: kernel.16.cloned.1.call-start
scs
__scs_entry_jumppad:
0x0: {  	(pc) =	sbr.rel $0x88, $3  }
0x1: {  	(tag) =	ssettag $0x0;
	lr =	simm.s32 $0x1  }
0x2: {  	[smem:$0x3F96] =	sst lr;
	_ =	strace $0xD0000000  }
0x3: {  	_ = 	snop  }
0x4: {  	_ = 	snop  }
0x5: {  	_ = 	snop  }
0x6: {  	_ = 	snop  }
0x7: {  	_ = 	snop  }
__scs_overlays_trampoline_lowered:
0x8: {  	[smem:$0x3FA5] =	sst s0  }
0x9: {  	[smem:$0x3FA6] =	sst s1  }
0xa: {  	[smem:$0x3FA7] =	sst s2  }
0xb: {  	[smem:$0x3FA8] =	sst s3  }
0xc: {  	[smem:$0x3FA9] =	sst s4  }
0xd: {  	[smem:$0x3FAA] =	sst s5  }
0xe: {  	[smem:$0x3FAB] =	sst s6  }
0xf: {  	[smem:$0x3FAC] =	sst s7  }
0x10: {  	[smem:$0x3FAD] =	sst s8  }
0x11: {  	[smem:$0x3FAE] =	sst s9;
	s0 =	simm.s32 @!p0 $0x0  }
0x12: {  	s1 =	sld [smem:$0x3F94];
	s0 =	simm.s32 @p0 $0x1  }
0x13: {  	[smem:$0x3FAF] =	sst s0;
	s0 =	simm.s32 @!p1 $0x0  }
0x14: {  	s2 =	sld [smem:$0x3F93];
	s0 =	simm.s32 @p1 $0x1  }
0x15: {  	[smem:$0x3FB0] =	sst s0;
	s0 =	simm.s32 @!p2 $0x0  }
0x16: {  	s3 =	sld [smem:$0x3FDB];
	s0 =	simm.s32 @p2 $0x1  }
0x17: {  	s4 =	simm.s32 $0x1BF5;
	[smem:$0x3FB2] =	sst s0  }
0x18: {  	s0 =	sld [smem:$0x3F95];
	_ =	swait.ge [sflag:s4], $0x0  }
0x19: {  	s7 =	sld [smem:$0x3F96]  }
0x1a: {  	s8 =	sadd.s32 $0xFFFFE003, lr  }
0x1b: {  	s9 =	sadd.s32 $0xFFFFFEF7, lr;
	s5 =	simm.s32 $0xFFFFFFFF;
	p2 =	slt.u32 s8, $0xFFFFF086  }
0x1c: {  	p1 =	slt.u32 s9, $0xF7A;
	s5 =	simm.s32 @!p2 $0x0  }
0x1d: {  	s5 =	simm.s32 @p1 $0x1;
	p0 =	seq.s32 s7, s2  }
0x1e: {  	s7 =	smul.u32 @!p0 $0xF7A, s2;
	p2 =	seq.s32 @!p0 s5, $0x0  }
0x1f: {  	s9 =	smul.u32 $0xF7A, s1;
	s8 =	simm.s32 @!p0 $0x1BF5;
	p2 =	por !p2, p0  }
0x20: {  	[sflag:s8] =	ssyncset.s32 @!p0 $0xFFFFF086;
	s6 =	sadd.s32 @!p0 s3, s7;
	s7 =	simm.s32 @!p0 $0x108  }
0x21: {  	s3 =	sadd.s32 s3, s9;
	s6 =	sadd.s32 @!p0 $0x88, s6;
	s7 =	simm.s32 @p2 $0x1082  }
0x22: {  	[simem:s7], [sflag:s8] =	dma.local @!p0 [hbm:s6], $0xF7A  }
0x23: {  	s9 =	sor.u32 $0xD0000000, s2;
	s6 =	simm.s32 $0x108;
	_ =	swait.ge @!p0 [sflag:s8], $0x0  }
0x24: {  	s3 =	sadd.s32 $0x88, s3;
	s6 =	simm.s32 @!p1 $0x1082;
	[sflag:s4] =	ssyncset.s32 $0xFFFFF086  }
0x25: {  	[simem:s6], [sflag:s4] =	dma.local [hbm:s3], $0xF7A  }
0x26: {  	[smem:$0x3F96] =	sst s1;
	(tag) =	ssettag s2;
	_ =	strace s9  }
0x27: {  	s1 =	sld [smem:$0x3FA6]  }
0x28: {  	s2 =	sld [smem:$0x3FA7]  }
0x29: {  	s4 =	sld [smem:$0x3FA9]  }
0x2a: {  	p0 =	seq.s32 s5, $0x0;
	s5 =	sld [smem:$0x3FAA]  }
0x2b: {  	s6 =	sld [smem:$0x3FAB]  }
0x2c: {  	s7 =	sld [smem:$0x3FAC]  }
0x2d: {  	s3 =	simm.s32 $0x108;
	s8 =	sld [smem:$0x3FAD]  }
0x2e: {  	s3 =	simm.s32 @!p0 $0x1082;
	s9 =	sld [smem:$0x3FAE]  }
0x2f: {  	lr =	sadd.s32 s0, s3;
	s0 =	sld [smem:$0x3FA5]  }
0x30: {  	s3 =	sld [smem:$0x3FA8]  }
0x31: {  	[smem:$0x3FB1] =	sst s10  }
0x32: {  	s10 =	sld [smem:$0x3FAF];
	_ =	sdelay $0x3  }
0x33: {  	p0 =	seq.s32 s10, $0x1;
	s10 =	sld [smem:$0x3FB1];
	_ =	sdelay $0x3  }
0x34: {  	[smem:$0x3FB1] =	sst s10  }
0x35: {  	s10 =	sld [smem:$0x3FB0];
	_ =	sdelay $0x3  }
0x36: {  	p1 =	seq.s32 s10, $0x1;
	s10 =	sld [smem:$0x3FB1];
	_ =	sdelay $0x3  }
0x37: {  	[smem:$0x3FB1] =	sst s10  }
0x38: {  	s10 =	sld [smem:$0x3FB2]  }
0x39: {  	_ = 	snop;
	(pc) =	sbr.ind lr, $3  }
0x3a: {  	_ = 	snop  }
0x3b: {  	_ = 	snop  }
0x3c: {  	p2 =	seq.s32 s10, $0x1;
	s10 =	sld [smem:$0x3FB1]  }
0x3d: {  	_ =	shalt  }
0x3e: {  	_ =	shalt  }
0x3f: {  	_ =	shalt  }
0x40: {  	_ =	shalt  }
0x41: {  	_ =	shalt  }
0x42: {  	_ =	shalt  }
0x43: {  	_ =	shalt  }
0x44: {  	_ =	shalt  }
0x45: {  	_ =	shalt  }
0x46: {  	_ =	shalt  }
0x47: {  	_ =	shalt  }
0x48: {  	_ =	shalt  }
0x49: {  	_ =	shalt  }
0x4a: {  	_ =	shalt  }
0x4b: {  	_ =	shalt  }
0x4c: {  	_ =	shalt  }
0x4d: {  	_ =	shalt  }
0x4e: {  	_ =	shalt  }
0x4f: {  	_ =	shalt  }
0x50: {  	_ =	shalt  }
0x51: {  	_ =	shalt  }
0x52: {  	_ =	shalt  }
0x53: {  	_ =	shalt  }
0x54: {  	_ =	shalt  }
0x55: {  	_ =	shalt  }
0x56: {  	_ =	shalt  }
0x57: {  	_ =	shalt  }
0x58: {  	_ =	shalt  }
0x59: {  	_ =	shalt  }
0x5a: {  	_ =	shalt  }
0x5b: {  	_ =	shalt  }
0x5c: {  	_ =	shalt  }
0x5d: {  	_ =	shalt  }
0x5e: {  	_ =	shalt  }
0x5f: {  	_ =	shalt  }
0x60: {  	_ =	shalt  }
0x61: {  	_ =	shalt  }
0x62: {  	_ =	shalt  }
0x63: {  	_ =	shalt  }
0x64: {  	_ =	shalt  }
0x65: {  	_ =	shalt  }
0x66: {  	_ =	shalt  }
0x67: {  	_ =	shalt  }
0x68: {  	_ =	shalt  }
0x69: {  	_ =	shalt  }
0x6a: {  	_ =	shalt  }
0x6b: {  	_ =	shalt  }
0x6c: {  	_ =	shalt  }
0x6d: {  	_ =	shalt  }
0x6e: {  	_ =	shalt  }
0x6f: {  	_ =	shalt  }
0x70: {  	_ =	shalt  }
0x71: {  	_ =	shalt  }
0x72: {  	_ =	shalt  }
0x73: {  	_ =	shalt  }
0x74: {  	_ =	shalt  }
0x75: {  	_ =	shalt  }
0x76: {  	_ =	shalt  }
0x77: {  	_ =	shalt  }
0x78: {  	_ =	shalt  }
0x79: {  	_ =	shalt  }
0x7a: {  	_ =	shalt  }
0x7b: {  	_ =	shalt  }
0x7c: {  	_ =	shalt  }
0x7d: {  	_ =	shalt  }
0x7e: {  	_ =	shalt  }
0x7f: {  	_ =	shalt  }
0x80: {  	_ =	shalt  }
0x81: {  	_ =	shalt  }
0x82: {  	_ =	shalt  }
0x83: {  	_ =	shalt  }
0x84: {  	_ =	shalt  }
0x85: {  	_ =	shalt  }
0x86: {  	_ =	shalt  }
0x87: {  	_ =	shalt  }
.Lfunc_end0:
.L_simem_size_0:
called_computation.2_lowered:
.L_overlay_start_0:
0x88: {  	s2 =	sld [smem:$0x3FD9]  }
0x89: {  	s3 =	sld [smem:$0x3FFE];
	_ =	sdelay $0x1  }
0x8a: {  	s1 =	srdreg.scid  }
0x8b: {  	s0 =	sand.u32 $0x1, s1  }
0x8c: {  	s17 =	sshll.u32 s0, $0xA;
	s2 =	sadd.s32 s3, s2  }
0x8d: {  	s2 =	sadd.s32 s2, s17  }
0x8e: {  	[smem:$0x3FBD] =	sst s2  }
0x8f: {  	_ = 	snop  }
0x90: {  	s2 =	sld [smem:$0x3FD0];
	(tm) =	ssettm $0x1  }
0x91: {  	s18 =	sld [smem:$0x3FFB];
	_ =	sdelay $0x3  }
0x92: {  	_ =	strace s18  }
0x93: {  	s3 =	sld [smem:$0x3FFC];
	_ =	sdelay $0x3  }
0x94: {  	_ =	strace s3  }
0x95: {  	s3 =	sld [smem:$0x3FFD];
	_ =	sdelay $0x3  }
0x96: {  	_ =	strace s3  }
0x97: {  	_ =	strace $0x8FFFFFFF  }
0x98: {  	s19 =	sld [smem:$0x3FDB];
	_ =	sdelay $0x1  }
0x99: {  	s4 =	simm.s32 $_scs_section_size  }
0x9a: {  	s5 =	simm.s32 $_size__tile_overlayer_lowered;
	s6 =	simm.s32 $_tile_overlayer_lowered  }
0x9b: {  	s22 =	simm.s32 $0x1BFF;
	s21 =	sshll.u32 s6, $0x1;
	s3 =	sadd.s32 s4, s19  }
0x9c: {  	s7 =	simm.s32 $0x0;
	s20 =	sshll.u32 s5, $0x1;
	s5 =	sadd.s32 s21, s3  }
0x9d: {  	[timem:s7], [sflag:s22] =	dma.local [hbm:s5], s20  }
0x9e: {  	_ =	swait.ge [sflag:s22], s20  }
0x9f: {  	s4 =	ssub.s32 $0x0, s20;
	[sflag:s22] =	ssyncset.done $0x0  }
0xa0: {  	[sflag:s22] =	ssyncadd.s32 s4;
	_ =	sdelay $0x1  }
0xa1: {  	s23 =	simm.s32 $0x1B8B  }
0xa2: {  	_ =	swait.ge [sflag:s23], $0x1  }
0xa3: {  	[sflag:s23] =	ssyncset.done $0x0  }
0xa4: {  	s25 =	simm.s32 $0x1B8E;
	s24 =	sld [smem:$0x3FFE];
	[sflag:s23] =	ssyncadd.s32 $0xFFFFFFFF  }
0xa5: {  	s26 =	simm.s32 $execute0_lowered;
	[smem:$0x3FD2] =	sst s25  }
0xa6: {  	s5 =	sshll.u32 s26, $0x1;
	_ =	strace $0x8000004C;
	[dreg:$0x1] =	wrdreg $0xFFFFFFFF  }
0xa7: {  	s28 =	simm.s32 $_size_execute0_lowered;
	s3 =	sadd.s32 s3, s5;
	[dreg:$0x0] =	wrdreg $0x0  }
0xa8: {  	s5 =	sshll.u32 s28, $0x1;
	[dreg:$0x2] =	wrdreg s3  }
0xa9: {  	[dreg:$0x3] =	wrdreg s5  }
0xaa: {  	[dreg:$0x4] =	wrdreg $0xC0  }
0xab: {  	_ =	task [dreg:s7], $0x5FFFF  }
0xac: {  	[dreg:$0x1] =	wrdreg $0xFFFFFFFF  }
0xad: {  	[dreg:$0x0] =	wrdreg $0x60  }
0xae: {  	[dreg:$0x2] =	wrdreg s24  }
0xaf: {  	[dreg:$0x3] =	wrdreg s2  }
0xb0: {  	[dreg:$0x4] =	wrdreg $0xC2000  }
0xb1: {  	[dreg:$0x5] =	wrdreg $0x9  }
0xb2: {  	_ =	task.clear_ibuf [dreg:s7], $0x6FFFF;
	_ =	strace $0x9000004C  }
0xb3: {  	s29 =	simm.s32 $0x9;
	_ =	strace $0x8000004E  }
0xb4: {  	_ =	swait.ge [sflag:s29], $0x1  }
0xb5: {  	[sflag:s29] =	ssyncadd.s32 $0xFFFFFFFF  }
0xb6: {  	_ =	strace $0x9000004E  }
0xb7: {  	_ =	sfence  }
0xb8: {  	s30 =	sld [smem:$0x0];
	_ =	sdelay $0x2  }
0xb9: {  	s31 =	sshll.u32 s1, $0xD;
	s1 =	sshrl.u32 s1, $0x2  }
0xba: {  	s3 =	sand.u32 $0x4000, s31;
	s1 =	sadd.s32 s1, s30  }
0xbb: {  	s0 =	sor.u32 s3, s0;
	s1 =	sshll.u32 s1, $0x11  }
0xbc: {  	s0 =	sor.u32 s1, s0  }
0xbd: {  	s0 =	sadd.s32 $0x8F2B, s0  }
0xbe: {  	[sflag:s0] =	ssyncadd.remote.s32 $0x1  }
0xbf: {  	_ =	sfence.sel $0xFFFF  }
0xc0: {  	[dreg:$0x0] =	wrdreg $0xFFFFFFFF;
	(pc) =	sbr.abs _section_cstart, $3  }
0xc1: {  	[dreg:$0x1] =	wrdreg $0xFFFFFFFF  }
0xc2: {  	_ =	task.clear_ibuf [dreg:s7], $0x2FFFF;
	_ =	strace $0x9FFFFFFF  }
0xc3: {  	(tm) =	ssettm $0x7FFFFFFF  }
tec
execute0_lowered:
.L_overlay_start_1:
0x0: {  	(tag) =	ssettag $0x1  }
0x1: {  	s0 =	rddreg [dreg:$0x0]  }
0x2: {  	s2 =	rddreg [dreg:$0x1]  }
0x3: {  	s1 =	rddreg [dreg:$0x2];
	s3 =	simm.s32 $0x0;
	s16 =	stileid.u32  }
0x4: {  	s5 =	srdreg.scid;
	s28 =	simm.s32 $0x3;
	s29 =	simm.s32 $0x2  }
0x5: {  	s30 =	simm.s32 $0x4200;
	s31 =	simm.s32 $0x5;
	[smem:$0x7FF] =	sst s3  }
0x6: {  	s6 =	sadd.s32 $0x5E00, s0;
	s4 =	sadd.s32 $0xDA200, s0;
	s7 =	smul.u32 $0x4F000, s16  }
0x7: {  	s8 =	sadd.s32 $0x5FE00, s0;
	s9 =	sadd.s32 $0x128600, s0;
	s13 =	smul.u32 $0x2800, s16  }
0x8: {  	s12 =	sand.u32 $0x1, s5;
	s0 =	sadd.s32 $0x14FE00, s0;
	s17 =	smul.u32 $0x2780, s16  }
0x9: {  	_ =	strace $0x8000004D;
	s10 =	ssub.s32 $0x2, s12;
	p0 =	seq.s32 s12, $0x0  }
0xa: {  	s19 =	sshrl.u32 s7, $0x2;
	s20 =	sshrl.u32 s10, $0x1;
	s11 =	sshrl.u32 s13, $0x3  }
0xb: {  	s14 =	sor.u32 $0x80, s13;
	s15 =	sor.u32 $0x100, s13;
	s0 =	smov.u32 @p0 s9  }
0xc: {  	s4 =	smov.u32 @p0 s6;
	s6 =	simm.s32 $0x0;
	s5 =	sadd.s32 s19, s1  }
0xd: {  	s7 =	ssub.s32 s10, s20;
	s25 =	sadd.s32 s2, s11;
	s11 =	sadd.s32 s8, s11  }
0xe: {  	s14 =	sshrl.u32 s14, $0x3;
	s26 =	sshrl.u32 s15, $0x3;
	s19 =	smul.u32 $0x500, s16  }
0xf: {  	s17 =	sadd.s32 s0, s17;
	s20 =	simm.s32 $0x8200;
	s0 =	simm.s32 $0x4  }
0x10: {  	s21 =	sadd.s32 $0x4000, s5;
	s22 =	sadd.s32 $0x8000, s5;
	s23 =	sadd.s32 $0xC000, s5  }
0x11: {  	s24 =	sadd.s32 $0x10000, s5;
	[dreg:$0x8] =	wrdreg s25;
	s12 =	smax.u32 s7, $0x1  }
0x12: {  	s13 =	sadd.s32 s2, s14;
	s14 =	sadd.s32 s8, s14;
	[dreg:$0x4] =	wrdreg s21  }
.Ltmp0:
0x13: {  	s15 =	sadd.s32 s2, s26;
	[dreg:$0x5] =	wrdreg s22;
	(pc) =	sbr.rel .LBB2_1-.Ltmp0, $4  }
0x14: {  	s16 =	sadd.s32 s8, s26;
	s25 =	simm.s32 $0x200;
	[dreg:$0x6] =	wrdreg s23  }
0x15: {  	s26 =	simm.s32 $0x180;
	[dreg:$0x7] =	wrdreg s24;
	s18 =	sadd.s32 s19, s8  }
0x16: {  	s19 =	sadd.s32 s19, s2;
	s21 =	simm.s32 $0x7;
	s22 =	simm.s32 $0x100  }
0x17: {  	v0 =	vimm.f32 $0.0e+00;
	s23 =	simm.s32 $0x1;
	s24 =	simm.s32 $0x80;
	s2 =	simm.s32 $0x6  }
.LBB2_6:
0x18: {  	_ =	swait.ge [sflag:s0], $0x4000  }
0x19: {  	[sflag:s0] =	ssyncset.done $0x0  }
0x1a: {  	[sflag:s0] =	ssyncadd.s32 $0xFFFFC000  }
0x1b: {  	[spmem:s1] =	stream.indirect.scatter.add.f32 [tilespmem:s30], [sflag:$0x6], $0x80, s26, s24, $0xb8;
	[tilespmem:$0x1FE00] =	vst v63  }
0x1c: {  	s7 =	stileid.u32;
	_ =	swait.ge [sflag:s2], $0x4000  }
0x1d: {  	s8 =	sshrl.u32 s5, $0x3;
	s6 =	sadd.s32 $0x1, s6;
	[sflag:s2] =	ssyncset.done $0x0  }
0x1e: {  	s7 =	sshll.u32 s7, $0x6;
	p0 =	sne.s32 s6, s12;
	[sflag:s2] =	ssyncadd.s32 $0xFFFFC000  }
.Ltmp1:
0x1f: {  	s7 =	sor.u32 $0x1C07, s7;
	[bflag:$0x0] =	sbarrier.arrive $0xFFFF;
	(pc) =	sbr.rel @!p0 .LBB2_7-.Ltmp1, $4  }
0x20: {  	[hbm:s17], [sflag:s7] =	dma.local [spmem:s8], $0x2780  }
0x21: {  	_ =	swait.ge [sflag:s21], $0x2780  }
0x22: {  	[sflag:s21] =	ssyncset.done $0x0  }
0x23: {  	[sflag:s21] =	ssyncadd.s32 $0xFFFFD880  }
.LBB2_1:
0x24: {  	s7 =	simm.s32 $0x0;
	s8 =	simm.s32 $0x200  }
.LBB2_2:
0x25: {  	p0 =	sne.s32 s8, $0xFE00;
	[tilespmem:s7+$0x8270] =	vst v0  }
0x26: {  	[tilespmem:s7+$0x8200] =	vst v0  }
0x27: {  	[tilespmem:s7+$0x8210] =	vst v0  }
.Ltmp2:
0x28: {  	[tilespmem:s7+$0x8220] =	vst v0;
	(pc) =	sbr.rel @p0 .LBB2_2-.Ltmp2, $4  }
0x29: {  	[tilespmem:s7+$0x8230] =	vst v0  }
0x2a: {  	[tilespmem:s7+$0x8240] =	vst v0  }
0x2b: {  	[tilespmem:s7+$0x8250] =	vst v0  }
0x2c: {  	[tilespmem:s7+$0x8260] =	vst v0;
	s7 =	sshra.s32 s8, $0x2;
	s8 =	sadd.s32 $0x200, s8  }
0x2d: {  	[tilespmem:s7+$0x8270] =	vst v0  }
0x2e: {  	[tilespmem:s7+$0x8200] =	vst v0  }
0x2f: {  	[tilespmem:s7+$0x8210] =	vst v0  }
0x30: {  	[tilespmem:s7+$0x8220] =	vst v0  }
0x31: {  	[tilespmem:s7+$0x8230] =	vst v0  }
0x32: {  	[tilespmem:s7+$0x8240] =	vst v0  }
0x33: {  	[tilespmem:s7+$0x8250] =	vst v0  }
0x34: {  	[tilespmem:s7+$0x8260] =	vst v0  }
0x35: {  	[spmem:s5] =	stream.linear.scatter [tilespmem:s20], [sflag:$0x7], $0x4000, $0x38;
	[tilespmem:$0x1FE00] =	vst v63  }
0x36: {  	_ =	swait.ge [sflag:s21], $0x4000  }
0x37: {  	[sflag:s21] =	ssyncset.done $0x0  }
0x38: {  	s9 =	rddreg [dreg:$0x4];
	[sflag:s21] =	ssyncadd.s32 $0xFFFFC000  }
0x39: {  	[spmem:s9] =	stream.linear.scatter [tilespmem:s20], [sflag:$0x7], $0x4000, $0x38;
	[tilespmem:$0x1FE00] =	vst v63  }
0x3a: {  	_ =	swait.ge [sflag:s21], $0x4000  }
0x3b: {  	[sflag:s21] =	ssyncset.done $0x0  }
0x3c: {  	s10 =	rddreg [dreg:$0x5];
	[sflag:s21] =	ssyncadd.s32 $0xFFFFC000  }
0x3d: {  	[spmem:s10] =	stream.linear.scatter [tilespmem:s20], [sflag:$0x7], $0x4000, $0x38;
	[tilespmem:$0x1FE00] =	vst v63  }
0x3e: {  	_ =	swait.ge [sflag:s21], $0x4000  }
0x3f: {  	[sflag:s21] =	ssyncset.done $0x0  }
0x40: {  	s8 =	rddreg [dreg:$0x6];
	[sflag:s21] =	ssyncadd.s32 $0xFFFFC000  }
0x41: {  	[spmem:s8] =	stream.linear.scatter [tilespmem:s20], [sflag:$0x7], $0x4000, $0x38;
	[tilespmem:$0x1FE00] =	vst v63  }
0x42: {  	_ =	swait.ge [sflag:s21], $0x4000  }
0x43: {  	[sflag:s21] =	ssyncset.done $0x0  }
0x44: {  	s9 =	rddreg [dreg:$0x7];
	[sflag:s21] =	ssyncadd.s32 $0xFFFFC000  }
0x45: {  	[spmem:s9] =	stream.linear.scatter [tilespmem:s20], [sflag:$0x7], $0x3C00, $0x38;
	[tilespmem:$0x1FE00] =	vst v63  }
0x46: {  	_ =	swait.ge [sflag:s21], $0x3C00  }
0x47: {  	[sflag:s21] =	ssyncset.done $0x0  }
0x48: {  	s10 =	rddreg [dreg:$0x8];
	[sflag:s21] =	ssyncadd.s32 $0xFFFFC400  }
0x49: {  	[tilespmem:s3], [sflag:$0x1] =	stream.linear.gather [hbm4b:s10+s3], $0x80, $0x38;
	[tilespmem:$0x1FE00] =	vst v63  }
0x4a: {  	_ = 	snop  }
0x4b: {  	[tilespmem:s22], [sflag:$0x1] =	stream.linear.gather [hbm4b:s11+s3], $0x80, $0x38;
	[tilespmem:$0x1FE00] =	vst v63  }
0x4c: {  	_ =	swait.ge [sflag:s23], $0x80  }
0x4d: {  	[sflag:s23] =	ssyncset.done $0x0  }
0x4e: {  	[sflag:s23] =	ssyncadd.s32 $0xFFFFFF80  }
0x4f: {  	_ =	swait.ge [sflag:s23], $0x80  }
0x50: {  	[sflag:s23] =	ssyncset.done $0x0  }
0x51: {  	[sflag:s23] =	ssyncadd.s32 $0xFFFFFF80  }
0x52: {  	[tilespmem:s25], [sflag:$0x3] =	stream.indirect.gather [hbm4b:s4+s24], $0x80, s3, s24, $0xb8;
	[tilespmem:$0x1FE00] =	vst v63  }
0x53: {  	_ = 	snop  }
0x54: {  	[tilespmem:s24], [sflag:$0x2] =	stream.linear.gather [hbm4b:s13+s3], $0x80, $0x38;
	[tilespmem:$0x1FE00] =	vst v63  }
0x55: {  	_ = 	snop  }
0x56: {  	[tilespmem:s26], [sflag:$0x2] =	stream.linear.gather [hbm4b:s14+s3], $0x80, $0x38;
	[tilespmem:$0x1FE00] =	vst v63  }
0x57: {  	_ =	swait.ge [sflag:s28], $0x4000  }
0x58: {  	[sflag:s28] =	ssyncset.done $0x0  }
0x59: {  	[sflag:s28] =	ssyncadd.s32 $0xFFFFC000  }
0x5a: {  	[spmem:s1] =	stream.indirect.scatter.add.f32 [tilespmem:s25], [sflag:$0x5], $0x80, s22, s24, $0xb8;
	[tilespmem:$0x1FE00] =	vst v63  }
0x5b: {  	_ =	swait.ge [sflag:s29], $0x80  }
0x5c: {  	[sflag:s29] =	ssyncset.done $0x0  }
0x5d: {  	[sflag:s29] =	ssyncadd.s32 $0xFFFFFF80  }
0x5e: {  	_ =	swait.ge [sflag:s29], $0x80  }
0x5f: {  	[sflag:s29] =	ssyncset.done $0x0  }
0x60: {  	[sflag:s29] =	ssyncadd.s32 $0xFFFFFF80  }
0x61: {  	[tilespmem:s30], [sflag:$0x4] =	stream.indirect.gather [hbm4b:s4+s24], $0x80, s24, s24, $0xb8;
	[tilespmem:$0x1FE00] =	vst v63  }
0x62: {  	_ =	swait.ge [sflag:s31], $0x4000  }
0x63: {  	[sflag:s31] =	ssyncset.done $0x0  }
0x64: {  	[sflag:s31] =	ssyncadd.s32 $0xFFFFC000  }
0x65: {  	[tilespmem:s3], [sflag:$0x1] =	stream.linear.gather [hbm4b:s15+s3], $0x80, $0x38;
	[tilespmem:$0x1FE00] =	vst v63  }
0x66: {  	_ = 	snop  }
0x67: {  	[tilespmem:s22], [sflag:$0x1] =	stream.linear.gather [hbm4b:s16+s3], $0x80, $0x38;
	[tilespmem:$0x1FE00] =	vst v63  }
0x68: {  	_ =	swait.ge [sflag:s0], $0x4000  }
0x69: {  	[sflag:s0] =	ssyncset.done $0x0  }
0x6a: {  	[sflag:s0] =	ssyncadd.s32 $0xFFFFC000  }
0x6b: {  	[spmem:s1] =	stream.indirect.scatter.add.f32 [tilespmem:s30], [sflag:$0x6], $0x80, s26, s24, $0xb8;
	[tilespmem:$0x1FE00] =	vst v63  }
0x6c: {  	_ =	swait.ge [sflag:s23], $0x80  }
0x6d: {  	[sflag:s23] =	ssyncset.done $0x0  }
0x6e: {  	[sflag:s23] =	ssyncadd.s32 $0xFFFFFF80  }
0x6f: {  	_ =	swait.ge [sflag:s23], $0x80  }
0x70: {  	[sflag:s23] =	ssyncset.done $0x0  }
0x71: {  	s7 =	simm.s32 $0xFFFFFB40;
	[sflag:s23] =	ssyncadd.s32 $0xFFFFFF80  }
0x72: {  	[tilespmem:s25], [sflag:$0x3] =	stream.indirect.gather [hbm4b:s4+s24], $0x80, s3, s24, $0xb8;
	[tilespmem:$0x1FE00] =	vst v63  }
.LBB2_4:
0x73: {  	_ =	swait.ge [sflag:s2], $0x4000  }
0x74: {  	s8 =	sadd.s32 s7, s19;
	[sflag:s2] =	ssyncset.done $0x0  }
0x75: {  	s9 =	sadd.s32 $0x4F0, s8;
	[sflag:s2] =	ssyncadd.s32 $0xFFFFC000  }
0x76: {  	[tilespmem:s24], [sflag:$0x2] =	stream.linear.gather [hbm4b:s9+s3], $0x80, $0x38;
	[tilespmem:$0x1FE00] =	vst v63  }
0x77: {  	s9 =	sadd.s32 s7, s18  }
0x78: {  	s10 =	sadd.s32 $0x4F0, s9  }
0x79: {  	[tilespmem:s26], [sflag:$0x2] =	stream.linear.gather [hbm4b:s10+s3], $0x80, $0x38;
	[tilespmem:$0x1FE00] =	vst v63  }
0x7a: {  	_ =	swait.ge [sflag:s28], $0x4000  }
0x7b: {  	[sflag:s28] =	ssyncset.done $0x0  }
0x7c: {  	[sflag:s28] =	ssyncadd.s32 $0xFFFFC000  }
0x7d: {  	[spmem:s1] =	stream.indirect.scatter.add.f32 [tilespmem:s25], [sflag:$0x5], $0x80, s22, s24, $0xb8;
	[tilespmem:$0x1FE00] =	vst v63  }
0x7e: {  	_ =	swait.ge [sflag:s29], $0x80  }
0x7f: {  	[sflag:s29] =	ssyncset.done $0x0  }
0x80: {  	[sflag:s29] =	ssyncadd.s32 $0xFFFFFF80  }
0x81: {  	_ =	swait.ge [sflag:s29], $0x80  }
0x82: {  	p0 =	seq.s32 s7, $0x0;
	[sflag:s29] =	ssyncset.done $0x0  }
.Ltmp3:
0x83: {  	[sflag:s29] =	ssyncadd.s32 $0xFFFFFF80;
	(pc) =	sbr.rel @p0 .LBB2_6-.Ltmp3, $4  }
0x84: {  	[tilespmem:s30], [sflag:$0x4] =	stream.indirect.gather [hbm4b:s4+s24], $0x80, s24, s24, $0xb8;
	[tilespmem:$0x1FE00] =	vst v63  }
0x85: {  	_ =	swait.ge [sflag:s31], $0x4000  }
0x86: {  	[sflag:s31] =	ssyncset.done $0x0  }
0x87: {  	[sflag:s31] =	ssyncadd.s32 $0xFFFFC000  }
0x88: {  	s8 =	sadd.s32 $0x500, s8  }
0x89: {  	[tilespmem:s3], [sflag:$0x1] =	stream.linear.gather [hbm4b:s8+s3], $0x80, $0x38;
	[tilespmem:$0x1FE00] =	vst v63  }
0x8a: {  	s10 =	sadd.s32 $0x500, s9  }
0x8b: {  	[tilespmem:s22], [sflag:$0x1] =	stream.linear.gather [hbm4b:s10+s3], $0x80, $0x38;
	[tilespmem:$0x1FE00] =	vst v63  }
0x8c: {  	_ =	swait.ge [sflag:s0], $0x4000  }
0x8d: {  	[sflag:s0] =	ssyncset.done $0x0  }
0x8e: {  	[sflag:s0] =	ssyncadd.s32 $0xFFFFC000  }
0x8f: {  	[spmem:s1] =	stream.indirect.scatter.add.f32 [tilespmem:s30], [sflag:$0x6], $0x80, s26, s24, $0xb8;
	[tilespmem:$0x1FE00] =	vst v63  }
0x90: {  	_ =	swait.ge [sflag:s23], $0x80  }
0x91: {  	[sflag:s23] =	ssyncset.done $0x0  }
.Ltmp4:
0x92: {  	[sflag:s23] =	ssyncadd.s32 $0xFFFFFF80;
	(pc) =	sbr.rel .LBB2_4-.Ltmp4, $4  }
0x93: {  	_ =	swait.ge [sflag:s23], $0x80  }
0x94: {  	[sflag:s23] =	ssyncset.done $0x0  }
0x95: {  	s7 =	sadd.s32 $0x20, s7;
	[sflag:s23] =	ssyncadd.s32 $0xFFFFFF80  }
0x96: {  	[tilespmem:s25], [sflag:$0x3] =	stream.indirect.gather [hbm4b:s4+s24], $0x80, s3, s24, $0xb8;
	[tilespmem:$0x1FE00] =	vst v63  }
.LBB2_7:
0x97: {  	_ =	sfence.sel $0x180000  }
0x98: {  	[bflag:$0x0] =	sbarrier.arrive $0xFFFF  }
0x99: {  	_ =	strace $0x9000004D  }
0x9a: {  	s0 =	stileid.u32;
	[bflag:$0x2] =	sbarrier.arrive $0xFFFF  }
0x9b: {  	p0 =	sne.s32 s0, $0x0;
	s0 =	rddreg [dreg:$0x3]  }
0x9c: {  	s0 =	sadd.s32 @!p0 $0x100000, s0  }
0x9d: {  	[sflag:s0] =	ssyncadd.tile.s32 @!p0 $0x1;
	_ =	shalt  }
.Lfunc_end2:
_tile_overlayer_lowered:
.L_overlay_start_2:
0x9e: {  	(tag) =	ssettag $0x2  }
0x9f: {  	s0 =	rddreg [dreg:$0x0];
	s2 =	stileid.u32  }
0xa0: {  	s1 =	rddreg [dreg:$0x1];
	p0 =	sne.s32 s2, $0x0  }
0xa1: {  	s3 =	rddreg [dreg:$0x2];
	[bflag:$0x3] =	sbarrier.arrive $0xFFFF;
	s2 =	simm.s32 @!p0 $0x1C07  }
0xa2: {  	[timem:s3], [sflag:s2] =	dma.local @!p0 [hbm:s0], s1  }
0xa3: {  	s0 =	simm.s32 @!p0 $0x7  }
0xa4: {  	_ =	swait.ge @!p0 [sflag:s0], s1  }
0xa5: {  	s1 =	ssub.s32 @!p0 $0x0, s1;
	[sflag:s0] =	ssyncset.done @!p0 $0x0  }
0xa6: {  	[sflag:s0] =	ssyncadd.s32 @!p0 s1  }
0xa7: {  	[bflag:$0x3] =	sbarrier.arrive $0xFFFF  }
0xa8: {  	_ =	shalt  }

// kernel: kernel.19.cloned.1.call-start
scs
__scs_entry_jumppad:
0x0: {  	(pc) =	sbr.rel $0x88, $3  }
0x1: {  	(tag) =	ssettag $0x0;
	lr =	simm.s32 $0x1  }
0x2: {  	[smem:$0x3F96] =	sst lr;
	_ =	strace $0xD0000000  }
0x3: {  	_ = 	snop  }
0x4: {  	_ = 	snop  }
0x5: {  	_ = 	snop  }
0x6: {  	_ = 	snop  }
0x7: {  	_ = 	snop  }
__scs_overlays_trampoline_lowered:
0x8: {  	[smem:$0x3FA5] =	sst s0  }
0x9: {  	[smem:$0x3FA6] =	sst s1  }
0xa: {  	[smem:$0x3FA7] =	sst s2  }
0xb: {  	[smem:$0x3FA8] =	sst s3  }
0xc: {  	[smem:$0x3FA9] =	sst s4  }
0xd: {  	[smem:$0x3FAA] =	sst s5  }
0xe: {  	[smem:$0x3FAB] =	sst s6  }
0xf: {  	[smem:$0x3FAC] =	sst s7  }
0x10: {  	[smem:$0x3FAD] =	sst s8  }
0x11: {  	[smem:$0x3FAE] =	sst s9;
	s0 =	simm.s32 @!p0 $0x0  }
0x12: {  	s1 =	sld [smem:$0x3F94];
	s0 =	simm.s32 @p0 $0x1  }
0x13: {  	[smem:$0x3FAF] =	sst s0;
	s0 =	simm.s32 @!p1 $0x0  }
0x14: {  	s2 =	sld [smem:$0x3F93];
	s0 =	simm.s32 @p1 $0x1  }
0x15: {  	[smem:$0x3FB0] =	sst s0;
	s0 =	simm.s32 @!p2 $0x0  }
0x16: {  	s3 =	sld [smem:$0x3FDB];
	s0 =	simm.s32 @p2 $0x1  }
0x17: {  	s4 =	simm.s32 $0x1BF5;
	[smem:$0x3FB2] =	sst s0  }
0x18: {  	s0 =	sld [smem:$0x3F95];
	_ =	swait.ge [sflag:s4], $0x0  }
0x19: {  	s7 =	sld [smem:$0x3F96]  }
0x1a: {  	s8 =	sadd.s32 $0xFFFFE003, lr  }
0x1b: {  	s9 =	sadd.s32 $0xFFFFFEF7, lr;
	s5 =	simm.s32 $0xFFFFFFFF;
	p2 =	slt.u32 s8, $0xFFFFF086  }
0x1c: {  	p1 =	slt.u32 s9, $0xF7A;
	s5 =	simm.s32 @!p2 $0x0  }
0x1d: {  	s5 =	simm.s32 @p1 $0x1;
	p0 =	seq.s32 s7, s2  }
0x1e: {  	s7 =	smul.u32 @!p0 $0xF7A, s2;
	p2 =	seq.s32 @!p0 s5, $0x0  }
0x1f: {  	s9 =	smul.u32 $0xF7A, s1;
	s8 =	simm.s32 @!p0 $0x1BF5;
	p2 =	por !p2, p0  }
0x20: {  	[sflag:s8] =	ssyncset.s32 @!p0 $0xFFFFF086;
	s6 =	sadd.s32 @!p0 s3, s7;
	s7 =	simm.s32 @!p0 $0x108  }
0x21: {  	s3 =	sadd.s32 s3, s9;
	s6 =	sadd.s32 @!p0 $0x88, s6;
	s7 =	simm.s32 @p2 $0x1082  }
0x22: {  	[simem:s7], [sflag:s8] =	dma.local @!p0 [hbm:s6], $0xF7A  }
0x23: {  	s9 =	sor.u32 $0xD0000000, s2;
	s6 =	simm.s32 $0x108;
	_ =	swait.ge @!p0 [sflag:s8], $0x0  }
0x24: {  	s3 =	sadd.s32 $0x88, s3;
	s6 =	simm.s32 @!p1 $0x1082;
	[sflag:s4] =	ssyncset.s32 $0xFFFFF086  }
0x25: {  	[simem:s6], [sflag:s4] =	dma.local [hbm:s3], $0xF7A  }
0x26: {  	[smem:$0x3F96] =	sst s1;
	(tag) =	ssettag s2;
	_ =	strace s9  }
0x27: {  	s1 =	sld [smem:$0x3FA6]  }
0x28: {  	s2 =	sld [smem:$0x3FA7]  }
0x29: {  	s4 =	sld [smem:$0x3FA9]  }
0x2a: {  	p0 =	seq.s32 s5, $0x0;
	s5 =	sld [smem:$0x3FAA]  }
0x2b: {  	s6 =	sld [smem:$0x3FAB]  }
0x2c: {  	s7 =	sld [smem:$0x3FAC]  }
0x2d: {  	s3 =	simm.s32 $0x108;
	s8 =	sld [smem:$0x3FAD]  }
0x2e: {  	s3 =	simm.s32 @!p0 $0x1082;
	s9 =	sld [smem:$0x3FAE]  }
0x2f: {  	lr =	sadd.s32 s0, s3;
	s0 =	sld [smem:$0x3FA5]  }
0x30: {  	s3 =	sld [smem:$0x3FA8]  }
0x31: {  	[smem:$0x3FB1] =	sst s10  }
0x32: {  	s10 =	sld [smem:$0x3FAF];
	_ =	sdelay $0x3  }
0x33: {  	p0 =	seq.s32 s10, $0x1;
	s10 =	sld [smem:$0x3FB1];
	_ =	sdelay $0x3  }
0x34: {  	[smem:$0x3FB1] =	sst s10  }
0x35: {  	s10 =	sld [smem:$0x3FB0];
	_ =	sdelay $0x3  }
0x36: {  	p1 =	seq.s32 s10, $0x1;
	s10 =	sld [smem:$0x3FB1];
	_ =	sdelay $0x3  }
0x37: {  	[smem:$0x3FB1] =	sst s10  }
0x38: {  	s10 =	sld [smem:$0x3FB2]  }
0x39: {  	_ = 	snop;
	(pc) =	sbr.ind lr, $3  }
0x3a: {  	_ = 	snop  }
0x3b: {  	_ = 	snop  }
0x3c: {  	p2 =	seq.s32 s10, $0x1;
	s10 =	sld [smem:$0x3FB1]  }
0x3d: {  	_ =	shalt  }
0x3e: {  	_ =	shalt  }
0x3f: {  	_ =	shalt  }
0x40: {  	_ =	shalt  }
0x41: {  	_ =	shalt  }
0x42: {  	_ =	shalt  }
0x43: {  	_ =	shalt  }
0x44: {  	_ =	shalt  }
0x45: {  	_ =	shalt  }
0x46: {  	_ =	shalt  }
0x47: {  	_ =	shalt  }
0x48: {  	_ =	shalt  }
0x49: {  	_ =	shalt  }
0x4a: {  	_ =	shalt  }
0x4b: {  	_ =	shalt  }
0x4c: {  	_ =	shalt  }
0x4d: {  	_ =	shalt  }
0x4e: {  	_ =	shalt  }
0x4f: {  	_ =	shalt  }
0x50: {  	_ =	shalt  }
0x51: {  	_ =	shalt  }
0x52: {  	_ =	shalt  }
0x53: {  	_ =	shalt  }
0x54: {  	_ =	shalt  }
0x55: {  	_ =	shalt  }
0x56: {  	_ =	shalt  }
0x57: {  	_ =	shalt  }
0x58: {  	_ =	shalt  }
0x59: {  	_ =	shalt  }
0x5a: {  	_ =	shalt  }
0x5b: {  	_ =	shalt  }
0x5c: {  	_ =	shalt  }
0x5d: {  	_ =	shalt  }
0x5e: {  	_ =	shalt  }
0x5f: {  	_ =	shalt  }
0x60: {  	_ =	shalt  }
0x61: {  	_ =	shalt  }
0x62: {  	_ =	shalt  }
0x63: {  	_ =	shalt  }
0x64: {  	_ =	shalt  }
0x65: {  	_ =	shalt  }
0x66: {  	_ =	shalt  }
0x67: {  	_ =	shalt  }
0x68: {  	_ =	shalt  }
0x69: {  	_ =	shalt  }
0x6a: {  	_ =	shalt  }
0x6b: {  	_ =	shalt  }
0x6c: {  	_ =	shalt  }
0x6d: {  	_ =	shalt  }
0x6e: {  	_ =	shalt  }
0x6f: {  	_ =	shalt  }
0x70: {  	_ =	shalt  }
0x71: {  	_ =	shalt  }
0x72: {  	_ =	shalt  }
0x73: {  	_ =	shalt  }
0x74: {  	_ =	shalt  }
0x75: {  	_ =	shalt  }
0x76: {  	_ =	shalt  }
0x77: {  	_ =	shalt  }
0x78: {  	_ =	shalt  }
0x79: {  	_ =	shalt  }
0x7a: {  	_ =	shalt  }
0x7b: {  	_ =	shalt  }
0x7c: {  	_ =	shalt  }
0x7d: {  	_ =	shalt  }
0x7e: {  	_ =	shalt  }
0x7f: {  	_ =	shalt  }
0x80: {  	_ =	shalt  }
0x81: {  	_ =	shalt  }
0x82: {  	_ =	shalt  }
0x83: {  	_ =	shalt  }
0x84: {  	_ =	shalt  }
0x85: {  	_ =	shalt  }
0x86: {  	_ =	shalt  }
0x87: {  	_ =	shalt  }
.Lfunc_end0:
.L_simem_size_0:
called_computation.3_lowered:
.L_overlay_start_0:
0x88: {  	s2 =	sld [smem:$0x3FD9]  }
0x89: {  	s3 =	sld [smem:$0x3FFE];
	_ =	sdelay $0x1  }
0x8a: {  	s1 =	srdreg.scid  }
0x8b: {  	s0 =	sand.u32 $0x1, s1  }
0x8c: {  	s17 =	sshll.u32 s0, $0xA;
	s2 =	sadd.s32 s3, s2  }
0x8d: {  	s2 =	sadd.s32 s2, s17  }
0x8e: {  	[smem:$0x3FBD] =	sst s2  }
0x8f: {  	_ = 	snop  }
0x90: {  	s2 =	sld [smem:$0x3FD0];
	(tm) =	ssettm $0x1  }
0x91: {  	s18 =	sld [smem:$0x3FFB];
	_ =	sdelay $0x3  }
0x92: {  	_ =	strace s18  }
0x93: {  	s3 =	sld [smem:$0x3FFC];
	_ =	sdelay $0x3  }
0x94: {  	_ =	strace s3  }
0x95: {  	s3 =	sld [smem:$0x3FFD];
	_ =	sdelay $0x3  }
0x96: {  	_ =	strace s3  }
0x97: {  	_ =	strace $0x8FFFFFFF  }
0x98: {  	s19 =	sld [smem:$0x3FDB];
	_ =	sdelay $0x1  }
0x99: {  	s4 =	simm.s32 $_scs_section_size  }
0x9a: {  	s5 =	simm.s32 $_size__tile_overlayer_lowered;
	s6 =	simm.s32 $_tile_overlayer_lowered  }
0x9b: {  	s22 =	simm.s32 $0x1BFF;
	s21 =	sshll.u32 s6, $0x1;
	s3 =	sadd.s32 s4, s19  }
0x9c: {  	s7 =	simm.s32 $0x0;
	s20 =	sshll.u32 s5, $0x1;
	s5 =	sadd.s32 s21, s3  }
0x9d: {  	[timem:s7], [sflag:s22] =	dma.local [hbm:s5], s20  }
0x9e: {  	_ =	swait.ge [sflag:s22], s20  }
0x9f: {  	s4 =	ssub.s32 $0x0, s20;
	[sflag:s22] =	ssyncset.done $0x0  }
0xa0: {  	[sflag:s22] =	ssyncadd.s32 s4;
	_ =	sdelay $0x1  }
0xa1: {  	s23 =	simm.s32 $0x1B8B  }
0xa2: {  	_ =	swait.ge [sflag:s23], $0x1  }
0xa3: {  	[sflag:s23] =	ssyncset.done $0x0  }
0xa4: {  	s25 =	simm.s32 $0x1B8E;
	s24 =	sld [smem:$0x3FFE];
	[sflag:s23] =	ssyncadd.s32 $0xFFFFFFFF  }
0xa5: {  	s26 =	simm.s32 $execute0_lowered;
	[smem:$0x3FD2] =	sst s25  }
0xa6: {  	s5 =	sshll.u32 s26, $0x1;
	_ =	strace $0x8000004F;
	[dreg:$0x1] =	wrdreg $0xFFFFFFFF  }
0xa7: {  	s28 =	simm.s32 $_size_execute0_lowered;
	s3 =	sadd.s32 s3, s5;
	[dreg:$0x0] =	wrdreg $0x0  }
0xa8: {  	s5 =	sshll.u32 s28, $0x1;
	[dreg:$0x2] =	wrdreg s3  }
0xa9: {  	[dreg:$0x3] =	wrdreg s5  }
0xaa: {  	[dreg:$0x4] =	wrdreg $0xC0  }
0xab: {  	_ =	task [dreg:s7], $0x5FFFF  }
0xac: {  	[dreg:$0x1] =	wrdreg $0xFFFFFFFF  }
0xad: {  	[dreg:$0x0] =	wrdreg $0x60  }
0xae: {  	[dreg:$0x2] =	wrdreg s24  }
0xaf: {  	[dreg:$0x3] =	wrdreg s2  }
0xb0: {  	[dreg:$0x4] =	wrdreg $0xC2000  }
0xb1: {  	[dreg:$0x5] =	wrdreg $0x9  }
0xb2: {  	_ =	task.clear_ibuf [dreg:s7], $0x6FFFF;
	_ =	strace $0x9000004F  }
0xb3: {  	s29 =	simm.s32 $0x9;
	_ =	strace $0x80000051  }
0xb4: {  	_ =	swait.ge [sflag:s29], $0x1  }
0xb5: {  	[sflag:s29] =	ssyncadd.s32 $0xFFFFFFFF  }
0xb6: {  	_ =	strace $0x90000051  }
0xb7: {  	_ =	sfence  }
0xb8: {  	s30 =	sld [smem:$0x0];
	_ =	sdelay $0x2  }
0xb9: {  	s31 =	sshll.u32 s1, $0xD;
	s1 =	sshrl.u32 s1, $0x2  }
0xba: {  	s3 =	sand.u32 $0x4000, s31;
	s1 =	sadd.s32 s1, s30  }
0xbb: {  	s0 =	sor.u32 s3, s0;
	s1 =	sshll.u32 s1, $0x11  }
0xbc: {  	s0 =	sor.u32 s1, s0  }
0xbd: {  	s0 =	sadd.s32 $0x8F2B, s0  }
0xbe: {  	[sflag:s0] =	ssyncadd.remote.s32 $0x1  }
0xbf: {  	_ =	sfence.sel $0xFFFF  }
0xc0: {  	[dreg:$0x0] =	wrdreg $0xFFFFFFFF;
	(pc) =	sbr.abs _section_cstart, $3  }
0xc1: {  	[dreg:$0x1] =	wrdreg $0xFFFFFFFF  }
0xc2: {  	_ =	task.clear_ibuf [dreg:s7], $0x2FFFF;
	_ =	strace $0x9FFFFFFF  }
0xc3: {  	(tm) =	ssettm $0x7FFFFFFF  }
tec
execute0_lowered:
.L_overlay_start_1:
0x0: {  	(tag) =	ssettag $0x1  }
0x1: {  	s0 =	rddreg [dreg:$0x0]  }
0x2: {  	s2 =	rddreg [dreg:$0x1]  }
0x3: {  	s1 =	rddreg [dreg:$0x2];
	s3 =	simm.s32 $0x0;
	s16 =	stileid.u32  }
0x4: {  	s5 =	srdreg.scid;
	s28 =	simm.s32 $0x3;
	s29 =	simm.s32 $0x2  }
0x5: {  	s30 =	simm.s32 $0x4200;
	s31 =	simm.s32 $0x5;
	[smem:$0x7FF] =	sst s3  }
0x6: {  	s6 =	sadd.s32 $0x5E00, s0;
	s4 =	sadd.s32 $0x64E00, s0;
	s7 =	smul.u32 $0x4F000, s16  }
0x7: {  	s8 =	sadd.s32 $0x5FE00, s0;
	s9 =	sadd.s32 $0x128600, s0;
	s13 =	smul.u32 $0x2800, s16  }
0x8: {  	s12 =	sand.u32 $0x1, s5;
	s0 =	sadd.s32 $0x14FE00, s0;
	s17 =	smul.u32 $0x2780, s16  }
0x9: {  	_ =	strace $0x80000050;
	s10 =	ssub.s32 $0x2, s12;
	p0 =	seq.s32 s12, $0x0  }
0xa: {  	s19 =	sshrl.u32 s7, $0x2;
	s20 =	sshrl.u32 s10, $0x1;
	s11 =	sshrl.u32 s13, $0x3  }
0xb: {  	s14 =	sor.u32 $0x80, s13;
	s15 =	sor.u32 $0x100, s13;
	s0 =	smov.u32 @p0 s9  }
0xc: {  	s4 =	smov.u32 @p0 s6;
	s6 =	simm.s32 $0x0;
	s5 =	sadd.s32 s19, s1  }
0xd: {  	s7 =	ssub.s32 s10, s20;
	s25 =	sadd.s32 s2, s11;
	s11 =	sadd.s32 s8, s11  }
0xe: {  	s14 =	sshrl.u32 s14, $0x3;
	s26 =	sshrl.u32 s15, $0x3;
	s19 =	smul.u32 $0x500, s16  }
0xf: {  	s17 =	sadd.s32 s0, s17;
	s20 =	simm.s32 $0x8200;
	s0 =	simm.s32 $0x4  }
0x10: {  	s21 =	sadd.s32 $0x4000, s5;
	s22 =	sadd.s32 $0x8000, s5;
	s23 =	sadd.s32 $0xC000, s5  }
0x11: {  	s24 =	sadd.s32 $0x10000, s5;
	[dreg:$0x8] =	wrdreg s25;
	s12 =	smax.u32 s7, $0x1  }
0x12: {  	s13 =	sadd.s32 s2, s14;
	s14 =	sadd.s32 s8, s14;
	[dreg:$0x4] =	wrdreg s21  }
.Ltmp0:
0x13: {  	s15 =	sadd.s32 s2, s26;
	[dreg:$0x5] =	wrdreg s22;
	(pc) =	sbr.rel .LBB2_1-.Ltmp0, $4  }
0x14: {  	s16 =	sadd.s32 s8, s26;
	s25 =	simm.s32 $0x200;
	[dreg:$0x6] =	wrdreg s23  }
0x15: {  	s26 =	simm.s32 $0x180;
	[dreg:$0x7] =	wrdreg s24;
	s18 =	sadd.s32 s19, s8  }
0x16: {  	s19 =	sadd.s32 s19, s2;
	s21 =	simm.s32 $0x7;
	s22 =	simm.s32 $0x100  }
0x17: {  	v0 =	vimm.f32 $0.0e+00;
	s23 =	simm.s32 $0x1;
	s24 =	simm.s32 $0x80;
	s2 =	simm.s32 $0x6  }
.LBB2_6:
0x18: {  	_ =	swait.ge [sflag:s0], $0x4000  }
0x19: {  	[sflag:s0] =	ssyncset.done $0x0  }
0x1a: {  	[sflag:s0] =	ssyncadd.s32 $0xFFFFC000  }
0x1b: {  	[spmem:s1] =	stream.indirect.scatter.add.f32 [tilespmem:s30], [sflag:$0x6], $0x80, s26, s24, $0xb8;
	[tilespmem:$0x1FE00] =	vst v63  }
0x1c: {  	s7 =	stileid.u32;
	_ =	swait.ge [sflag:s2], $0x4000  }
0x1d: {  	s8 =	sshrl.u32 s5, $0x3;
	s6 =	sadd.s32 $0x1, s6;
	[sflag:s2] =	ssyncset.done $0x0  }
0x1e: {  	s7 =	sshll.u32 s7, $0x6;
	p0 =	sne.s32 s6, s12;
	[sflag:s2] =	ssyncadd.s32 $0xFFFFC000  }
.Ltmp1:
0x1f: {  	s7 =	sor.u32 $0x1C07, s7;
	[bflag:$0x0] =	sbarrier.arrive $0xFFFF;
	(pc) =	sbr.rel @!p0 .LBB2_7-.Ltmp1, $4  }
0x20: {  	[hbm:s17], [sflag:s7] =	dma.local [spmem:s8], $0x2780  }
0x21: {  	_ =	swait.ge [sflag:s21], $0x2780  }
0x22: {  	[sflag:s21] =	ssyncset.done $0x0  }
0x23: {  	[sflag:s21] =	ssyncadd.s32 $0xFFFFD880  }
.LBB2_1:
0x24: {  	s7 =	simm.s32 $0x0;
	s8 =	simm.s32 $0x200  }
.LBB2_2:
0x25: {  	p0 =	sne.s32 s8, $0xFE00;
	[tilespmem:s7+$0x8270] =	vst v0  }
0x26: {  	[tilespmem:s7+$0x8200] =	vst v0  }
0x27: {  	[tilespmem:s7+$0x8210] =	vst v0  }
.Ltmp2:
0x28: {  	[tilespmem:s7+$0x8220] =	vst v0;
	(pc) =	sbr.rel @p0 .LBB2_2-.Ltmp2, $4  }
0x29: {  	[tilespmem:s7+$0x8230] =	vst v0  }
0x2a: {  	[tilespmem:s7+$0x8240] =	vst v0  }
0x2b: {  	[tilespmem:s7+$0x8250] =	vst v0  }
0x2c: {  	[tilespmem:s7+$0x8260] =	vst v0;
	s7 =	sshra.s32 s8, $0x2;
	s8 =	sadd.s32 $0x200, s8  }
0x2d: {  	[tilespmem:s7+$0x8270] =	vst v0  }
0x2e: {  	[tilespmem:s7+$0x8200] =	vst v0  }
0x2f: {  	[tilespmem:s7+$0x8210] =	vst v0  }
0x30: {  	[tilespmem:s7+$0x8220] =	vst v0  }
0x31: {  	[tilespmem:s7+$0x8230] =	vst v0  }
0x32: {  	[tilespmem:s7+$0x8240] =	vst v0  }
0x33: {  	[tilespmem:s7+$0x8250] =	vst v0  }
0x34: {  	[tilespmem:s7+$0x8260] =	vst v0  }
0x35: {  	[spmem:s5] =	stream.linear.scatter [tilespmem:s20], [sflag:$0x7], $0x4000, $0x38;
	[tilespmem:$0x1FE00] =	vst v63  }
0x36: {  	_ =	swait.ge [sflag:s21], $0x4000  }
0x37: {  	[sflag:s21] =	ssyncset.done $0x0  }
0x38: {  	s9 =	rddreg [dreg:$0x4];
	[sflag:s21] =	ssyncadd.s32 $0xFFFFC000  }
0x39: {  	[spmem:s9] =	stream.linear.scatter [tilespmem:s20], [sflag:$0x7], $0x4000, $0x38;
	[tilespmem:$0x1FE00] =	vst v63  }
0x3a: {  	_ =	swait.ge [sflag:s21], $0x4000  }
0x3b: {  	[sflag:s21] =	ssyncset.done $0x0  }
0x3c: {  	s10 =	rddreg [dreg:$0x5];
	[sflag:s21] =	ssyncadd.s32 $0xFFFFC000  }
0x3d: {  	[spmem:s10] =	stream.linear.scatter [tilespmem:s20], [sflag:$0x7], $0x4000, $0x38;
	[tilespmem:$0x1FE00] =	vst v63  }
0x3e: {  	_ =	swait.ge [sflag:s21], $0x4000  }
0x3f: {  	[sflag:s21] =	ssyncset.done $0x0  }
0x40: {  	s8 =	rddreg [dreg:$0x6];
	[sflag:s21] =	ssyncadd.s32 $0xFFFFC000  }
0x41: {  	[spmem:s8] =	stream.linear.scatter [tilespmem:s20], [sflag:$0x7], $0x4000, $0x38;
	[tilespmem:$0x1FE00] =	vst v63  }
0x42: {  	_ =	swait.ge [sflag:s21], $0x4000  }
0x43: {  	[sflag:s21] =	ssyncset.done $0x0  }
0x44: {  	s9 =	rddreg [dreg:$0x7];
	[sflag:s21] =	ssyncadd.s32 $0xFFFFC000  }
0x45: {  	[spmem:s9] =	stream.linear.scatter [tilespmem:s20], [sflag:$0x7], $0x3C00, $0x38;
	[tilespmem:$0x1FE00] =	vst v63  }
0x46: {  	_ =	swait.ge [sflag:s21], $0x3C00  }
0x47: {  	[sflag:s21] =	ssyncset.done $0x0  }
0x48: {  	s10 =	rddreg [dreg:$0x8];
	[sflag:s21] =	ssyncadd.s32 $0xFFFFC400  }
0x49: {  	[tilespmem:s3], [sflag:$0x1] =	stream.linear.gather [hbm4b:s10+s3], $0x80, $0x38;
	[tilespmem:$0x1FE00] =	vst v63  }
0x4a: {  	_ = 	snop  }
0x4b: {  	[tilespmem:s22], [sflag:$0x1] =	stream.linear.gather [hbm4b:s11+s3], $0x80, $0x38;
	[tilespmem:$0x1FE00] =	vst v63  }
0x4c: {  	_ =	swait.ge [sflag:s23], $0x80  }
0x4d: {  	[sflag:s23] =	ssyncset.done $0x0  }
0x4e: {  	[sflag:s23] =	ssyncadd.s32 $0xFFFFFF80  }
0x4f: {  	_ =	swait.ge [sflag:s23], $0x80  }
0x50: {  	[sflag:s23] =	ssyncset.done $0x0  }
0x51: {  	[sflag:s23] =	ssyncadd.s32 $0xFFFFFF80  }
0x52: {  	[tilespmem:s25], [sflag:$0x3] =	stream.indirect.gather [hbm4b:s4+s24], $0x80, s3, s24, $0xb8;
	[tilespmem:$0x1FE00] =	vst v63  }
0x53: {  	_ = 	snop  }
0x54: {  	[tilespmem:s24], [sflag:$0x2] =	stream.linear.gather [hbm4b:s13+s3], $0x80, $0x38;
	[tilespmem:$0x1FE00] =	vst v63  }
0x55: {  	_ = 	snop  }
0x56: {  	[tilespmem:s26], [sflag:$0x2] =	stream.linear.gather [hbm4b:s14+s3], $0x80, $0x38;
	[tilespmem:$0x1FE00] =	vst v63  }
0x57: {  	_ =	swait.ge [sflag:s28], $0x4000  }
0x58: {  	[sflag:s28] =	ssyncset.done $0x0  }
0x59: {  	[sflag:s28] =	ssyncadd.s32 $0xFFFFC000  }
0x5a: {  	[spmem:s1] =	stream.indirect.scatter.add.f32 [tilespmem:s25], [sflag:$0x5], $0x80, s22, s24, $0xb8;
	[tilespmem:$0x1FE00] =	vst v63  }
0x5b: {  	_ =	swait.ge [sflag:s29], $0x80  }
0x5c: {  	[sflag:s29] =	ssyncset.done $0x0  }
0x5d: {  	[sflag:s29] =	ssyncadd.s32 $0xFFFFFF80  }
0x5e: {  	_ =	swait.ge [sflag:s29], $0x80  }
0x5f: {  	[sflag:s29] =	ssyncset.done $0x0  }
0x60: {  	[sflag:s29] =	ssyncadd.s32 $0xFFFFFF80  }
0x61: {  	[tilespmem:s30], [sflag:$0x4] =	stream.indirect.gather [hbm4b:s4+s24], $0x80, s24, s24, $0xb8;
	[tilespmem:$0x1FE00] =	vst v63  }
0x62: {  	_ =	swait.ge [sflag:s31], $0x4000  }
0x63: {  	[sflag:s31] =	ssyncset.done $0x0  }
0x64: {  	[sflag:s31] =	ssyncadd.s32 $0xFFFFC000  }
0x65: {  	[tilespmem:s3], [sflag:$0x1] =	stream.linear.gather [hbm4b:s15+s3], $0x80, $0x38;
	[tilespmem:$0x1FE00] =	vst v63  }
0x66: {  	_ = 	snop  }
0x67: {  	[tilespmem:s22], [sflag:$0x1] =	stream.linear.gather [hbm4b:s16+s3], $0x80, $0x38;
	[tilespmem:$0x1FE00] =	vst v63  }
0x68: {  	_ =	swait.ge [sflag:s0], $0x4000  }
0x69: {  	[sflag:s0] =	ssyncset.done $0x0  }
0x6a: {  	[sflag:s0] =	ssyncadd.s32 $0xFFFFC000  }
0x6b: {  	[spmem:s1] =	stream.indirect.scatter.add.f32 [tilespmem:s30], [sflag:$0x6], $0x80, s26, s24, $0xb8;
	[tilespmem:$0x1FE00] =	vst v63  }
0x6c: {  	_ =	swait.ge [sflag:s23], $0x80  }
0x6d: {  	[sflag:s23] =	ssyncset.done $0x0  }
0x6e: {  	[sflag:s23] =	ssyncadd.s32 $0xFFFFFF80  }
0x6f: {  	_ =	swait.ge [sflag:s23], $0x80  }
0x70: {  	[sflag:s23] =	ssyncset.done $0x0  }
0x71: {  	s7 =	simm.s32 $0xFFFFFB40;
	[sflag:s23] =	ssyncadd.s32 $0xFFFFFF80  }
0x72: {  	[tilespmem:s25], [sflag:$0x3] =	stream.indirect.gather [hbm4b:s4+s24], $0x80, s3, s24, $0xb8;
	[tilespmem:$0x1FE00] =	vst v63  }
.LBB2_4:
0x73: {  	_ =	swait.ge [sflag:s2], $0x4000  }
0x74: {  	s8 =	sadd.s32 s7, s19;
	[sflag:s2] =	ssyncset.done $0x0  }
0x75: {  	s9 =	sadd.s32 $0x4F0, s8;
	[sflag:s2] =	ssyncadd.s32 $0xFFFFC000  }
0x76: {  	[tilespmem:s24], [sflag:$0x2] =	stream.linear.gather [hbm4b:s9+s3], $0x80, $0x38;
	[tilespmem:$0x1FE00] =	vst v63  }
0x77: {  	s9 =	sadd.s32 s7, s18  }
0x78: {  	s10 =	sadd.s32 $0x4F0, s9  }
0x79: {  	[tilespmem:s26], [sflag:$0x2] =	stream.linear.gather [hbm4b:s10+s3], $0x80, $0x38;
	[tilespmem:$0x1FE00] =	vst v63  }
0x7a: {  	_ =	swait.ge [sflag:s28], $0x4000  }
0x7b: {  	[sflag:s28] =	ssyncset.done $0x0  }
0x7c: {  	[sflag:s28] =	ssyncadd.s32 $0xFFFFC000  }
0x7d: {  	[spmem:s1] =	stream.indirect.scatter.add.f32 [tilespmem:s25], [sflag:$0x5], $0x80, s22, s24, $0xb8;
	[tilespmem:$0x1FE00] =	vst v63  }
0x7e: {  	_ =	swait.ge [sflag:s29], $0x80  }
0x7f: {  	[sflag:s29] =	ssyncset.done $0x0  }
0x80: {  	[sflag:s29] =	ssyncadd.s32 $0xFFFFFF80  }
0x81: {  	_ =	swait.ge [sflag:s29], $0x80  }
0x82: {  	p0 =	seq.s32 s7, $0x0;
	[sflag:s29] =	ssyncset.done $0x0  }
.Ltmp3:
0x83: {  	[sflag:s29] =	ssyncadd.s32 $0xFFFFFF80;
	(pc) =	sbr.rel @p0 .LBB2_6-.Ltmp3, $4  }
0x84: {  	[tilespmem:s30], [sflag:$0x4] =	stream.indirect.gather [hbm4b:s4+s24], $0x80, s24, s24, $0xb8;
	[tilespmem:$0x1FE00] =	vst v63  }
0x85: {  	_ =	swait.ge [sflag:s31], $0x4000  }
0x86: {  	[sflag:s31] =	ssyncset.done $0x0  }
0x87: {  	[sflag:s31] =	ssyncadd.s32 $0xFFFFC000  }
0x88: {  	s8 =	sadd.s32 $0x500, s8  }
0x89: {  	[tilespmem:s3], [sflag:$0x1] =	stream.linear.gather [hbm4b:s8+s3], $0x80, $0x38;
	[tilespmem:$0x1FE00] =	vst v63  }
0x8a: {  	s10 =	sadd.s32 $0x500, s9  }
0x8b: {  	[tilespmem:s22], [sflag:$0x1] =	stream.linear.gather [hbm4b:s10+s3], $0x80, $0x38;
	[tilespmem:$0x1FE00] =	vst v63  }
0x8c: {  	_ =	swait.ge [sflag:s0], $0x4000  }
0x8d: {  	[sflag:s0] =	ssyncset.done $0x0  }
0x8e: {  	[sflag:s0] =	ssyncadd.s32 $0xFFFFC000  }
0x8f: {  	[spmem:s1] =	stream.indirect.scatter.add.f32 [tilespmem:s30], [sflag:$0x6], $0x80, s26, s24, $0xb8;
	[tilespmem:$0x1FE00] =	vst v63  }
0x90: {  	_ =	swait.ge [sflag:s23], $0x80  }
0x91: {  	[sflag:s23] =	ssyncset.done $0x0  }
.Ltmp4:
0x92: {  	[sflag:s23] =	ssyncadd.s32 $0xFFFFFF80;
	(pc) =	sbr.rel .LBB2_4-.Ltmp4, $4  }
0x93: {  	_ =	swait.ge [sflag:s23], $0x80  }
0x94: {  	[sflag:s23] =	ssyncset.done $0x0  }
0x95: {  	s7 =	sadd.s32 $0x20, s7;
	[sflag:s23] =	ssyncadd.s32 $0xFFFFFF80  }
0x96: {  	[tilespmem:s25], [sflag:$0x3] =	stream.indirect.gather [hbm4b:s4+s24], $0x80, s3, s24, $0xb8;
	[tilespmem:$0x1FE00] =	vst v63  }
.LBB2_7:
0x97: {  	_ =	sfence.sel $0x180000  }
0x98: {  	[bflag:$0x0] =	sbarrier.arrive $0xFFFF  }
0x99: {  	_ =	strace $0x90000050  }
0x9a: {  	s0 =	stileid.u32;
	[bflag:$0x2] =	sbarrier.arrive $0xFFFF  }
0x9b: {  	p0 =	sne.s32 s0, $0x0;
	s0 =	rddreg [dreg:$0x3]  }
0x9c: {  	s0 =	sadd.s32 @!p0 $0x100000, s0  }
0x9d: {  	[sflag:s0] =	ssyncadd.tile.s32 @!p0 $0x1;
	_ =	shalt  }
.Lfunc_end2:
_tile_overlayer_lowered:
.L_overlay_start_2:
0x9e: {  	(tag) =	ssettag $0x2  }
0x9f: {  	s0 =	rddreg [dreg:$0x0];
	s2 =	stileid.u32  }
0xa0: {  	s1 =	rddreg [dreg:$0x1];
	p0 =	sne.s32 s2, $0x0  }
0xa1: {  	s3 =	rddreg [dreg:$0x2];
	[bflag:$0x3] =	sbarrier.arrive $0xFFFF;
	s2 =	simm.s32 @!p0 $0x1C07  }
0xa2: {  	[timem:s3], [sflag:s2] =	dma.local @!p0 [hbm:s0], s1  }
0xa3: {  	s0 =	simm.s32 @!p0 $0x7  }
0xa4: {  	_ =	swait.ge @!p0 [sflag:s0], s1  }
0xa5: {  	s1 =	ssub.s32 @!p0 $0x0, s1;
	[sflag:s0] =	ssyncset.done @!p0 $0x0  }
0xa6: {  	[sflag:s0] =	ssyncadd.s32 @!p0 s1  }
0xa7: {  	[bflag:$0x3] =	sbarrier.arrive $0xFFFF  }
0xa8: {  	_ =	shalt  }

</sc_bundles>
